<compile_context>
chip_gen: v7x
topology: tpu7x:2x2x1
jax: 0.10.2.dev20260603
libtpu: 0.0.44.dev20260713+nightly
codegen_flags: <defaults>
</compile_context>

<pallas_src>
import jax
import jax.numpy as jnp
from jax.experimental import pallas as pl
from jax.experimental.pallas import tpu as pltpu

_HW = 1024
_W = 32
_N = 64
_K = 9


def _split3(x):
    bf = jnp.bfloat16
    f32 = jnp.float32
    a = x.astype(bf)
    r = x - a.astype(f32)
    b = r.astype(bf)
    c = (r - b.astype(f32)).astype(bf)
    return a, b, c


def _layer(xf, C, O, wc, bc, wkn, bn, samp_row):
    f32 = jnp.float32
    xcol = jax.lax.broadcasted_iota(jnp.int32, (C, _HW), 1) % _W
    parts = []
    for dy in (-1, 0, 1):
        for dx in (-1, 0, 1):
            off = dy * _W + dx
            if off > 0:
                sh = jnp.concatenate(
                    [xf[:, off:], jnp.zeros((C, off), f32)], axis=1)
            elif off < 0:
                sh = jnp.concatenate(
                    [jnp.zeros((C, -off), f32), xf[:, :_HW + off]], axis=1)
            else:
                sh = xf
            if dx == -1:
                sh = jnp.where(xcol >= 1, sh, 0.0)
            elif dx == 1:
                sh = jnp.where(xcol <= _W - 2, sh, 0.0)
            parts.append(sh)
    x9 = jnp.concatenate(parts, axis=0)
    conv = jnp.dot(wc, x9, preferred_element_type=f32) + bc

    bf = jnp.bfloat16
    iota_p = jax.lax.broadcasted_iota(jnp.int32, (_HW, _N), 0)
    oh_samp = (iota_p == samp_row).astype(f32).astype(bf)
    xa, xb, xc = _split3(xf)
    s_t = (jnp.dot(xa, oh_samp, preferred_element_type=f32)
           + jnp.dot(xb, oh_samp, preferred_element_type=f32)
           + jnp.dot(xc, oh_samp, preferred_element_type=f32))
    st_t = s_t.T
    xsq = jnp.sum(xf * xf, axis=0, keepdims=True)
    ssq = jnp.sum(st_t * st_t, axis=1, keepdims=True)
    m = jnp.dot(st_t, xf, preferred_element_type=f32)
    score = -(xsq - 2.0 * m + ssq)

    p2 = jnp.dot(wkn, s_t, preferred_element_type=f32)
    pa, pb, pc = _split3(p2)
    p2k = [jnp.concatenate([pa[k * O:(k + 1) * O],
                            pb[k * O:(k + 1) * O],
                            pc[k * O:(k + 1) * O]], axis=0)
           for k in range(_K)]
    iota_n = jax.lax.broadcasted_iota(jnp.int32, (_N, _HW), 0)
    nn = jnp.zeros((O, _HW), f32)
    for k in range(_K):
        best = jnp.max(score, axis=0, keepdims=True)
        idx = jnp.min(jnp.where(score >= best, iota_n, _N),
                      axis=0, keepdims=True)
        sel = iota_n == idx
        oh = sel.astype(f32).astype(bf)
        score = jnp.where(sel, -1e30, score)
        y = jnp.dot(p2k[k], oh, preferred_element_type=f32)
        nn = nn + y[:O] + y[O:2 * O] + y[2 * O:]
    nn = nn + bn
    return jnp.concatenate([conv, nn], axis=0)


_BB = 2


def _feat_kernel(x_ref, w1c_ref, b1c_ref, wkn1_ref, b1n_ref,
                 w2c_ref, b2c_ref, wkn2_ref, b2n_ref,
                 s1_ref, s2_ref, out_ref):
    for b in range(_BB):
        xf = x_ref[b]
        h1 = _layer(xf, 3, 8, w1c_ref[...], b1c_ref[...], wkn1_ref[...],
                    b1n_ref[...], s1_ref[...])
        h1 = jnp.maximum(h1, 0.0)
        h2 = _layer(h1, 16, 16, w2c_ref[...], b2c_ref[...], wkn2_ref[...],
                    b2n_ref[...], s2_ref[...])
        out_ref[b] = jnp.maximum(h2, 0.0)


_KB = 2048
_NKB = 32768 // _KB


def _fc_kernel(xb_ref, w1_ref, b1_ref, w2t_ref, b2_ref, out_ref, acc_ref):
    j = pl.program_id(0)

    @pl.when(j == 0)
    def _():
        acc_ref[...] = jnp.zeros_like(acc_ref)

    acc_ref[...] += jax.lax.dot_general(
        xb_ref[...], w1_ref[...], (((1,), (1,)), ((), ())),
        preferred_element_type=jnp.float32)

    @pl.when(j == _NKB - 1)
    def _():
        f = jnp.maximum(acc_ref[...] + b1_ref[...], 0.0)
        out_ref[...] = jnp.dot(f, w2t_ref[...],
                               preferred_element_type=jnp.float32) + b2_ref[...]


def kernel(x, conv1_w, conv1_b, nn1_w, nn1_b, conv2_w, conv2_b, nn2_w,
           nn2_b, fc1_w, fc1_b, fc2_w, fc2_b, samp1, samp2):
    B = x.shape[0]
    f32 = jnp.float32
    xr = x.reshape(B, 3, _HW)
    w1c = conv1_w.transpose(0, 2, 3, 1).reshape(8, 27)
    wkn1 = nn1_w.transpose(2, 0, 1).reshape(72, 3)
    w2c = conv2_w.transpose(0, 2, 3, 1).reshape(16, 144)
    wkn2 = nn2_w.transpose(2, 0, 1).reshape(144, 16)
    b1c = conv1_b.reshape(8, 1)
    b1n = nn1_b.reshape(8, 1)
    b2c = conv2_b.reshape(16, 1)
    b2n = nn2_b.reshape(16, 1)
    s1 = samp1.reshape(1, _N)
    s2 = samp2.reshape(1, _N)

    full = lambda shape: pl.BlockSpec(shape, lambda i: (0,) * len(shape))
    h2 = pl.pallas_call(
        _feat_kernel,
        grid=(B // _BB,),
        in_specs=[
            pl.BlockSpec((_BB, 3, _HW), lambda i: (i, 0, 0)),
            full((8, 27)), full((8, 1)), full((72, 3)), full((8, 1)),
            full((16, 144)), full((16, 1)), full((144, 16)), full((16, 1)),
            full((1, _N)), full((1, _N)),
        ],
        out_specs=pl.BlockSpec((_BB, 32, _HW), lambda i: (i, 0, 0)),
        out_shape=jax.ShapeDtypeStruct((B, 32, _HW), f32),
        compiler_params=pltpu.CompilerParams(
            dimension_semantics=("arbitrary",)),
    )(xr, w1c, b1c, wkn1, b1n, w2c, b2c, wkn2, b2n, s1, s2)

    feats = h2.reshape(B, 32 * _HW)
    out = pl.pallas_call(
        _fc_kernel,
        grid=(_NKB,),
        in_specs=[
            pl.BlockSpec((B, _KB), lambda j: (0, j)),
            pl.BlockSpec((1024, _KB), lambda j: (0, j)),
            full((1, 1024)), full((1024, 16)), full((1, 16)),
        ],
        out_specs=pl.BlockSpec((B, 16), lambda j: (0, 0)),
        out_shape=jax.ShapeDtypeStruct((B, 16), f32),
        scratch_shapes=[pltpu.VMEM((B, 1024), f32)],
        compiler_params=pltpu.CompilerParams(
            dimension_semantics=("arbitrary",)),
    )(feats, fc1_w, fc1_b.reshape(1, 1024),
      jnp.pad(fc2_w.T, ((0, 0), (0, 6))), jnp.pad(fc2_b, (0, 6)).reshape(1, 16))
    return out[:, :10]

# --- scband reference (transcript-rebuilt; emitter-appended) ---
"""Pipeline reference for scband-branching-conv-nn-2-d-k-n-71193377898648 (READ-ONLY COPY).

The authoritative reference and input builder live on the scoring server;
editing this copy changes nothing except your own understanding.
"""

import jax, jax.numpy as jnp
import numpy as np

B = 256
H = 32
W = 32
IN_CH = 3
KS = 3
K = 9
N = 64
C1 = 16
C2 = 32
NUM_CLASSES = 10


def setup_inputs(seed: int = 0) -> dict:
    key = jax.random.key(seed)
    ks = jax.random.split(key, 12)
    HW = H * W
    c1a, c1b = C1 // 2, C1 - C1 // 2
    c2a, c2b = C2 // 2, C2 - C2 // 2
    inp = {}
    inp["x"] = jax.random.normal(ks[0], (B, IN_CH, H, W), dtype=jnp.float32)
    inp["conv1_w"] = jax.random.normal(ks[1], (c1a, IN_CH, KS, KS), dtype=jnp.float32) * 0.1
    inp["conv1_b"] = jnp.zeros((c1a,), dtype=jnp.float32)
    inp["nn1_w"] = jax.random.normal(ks[2], (c1b, IN_CH, K), dtype=jnp.float32) * 0.1
    inp["nn1_b"] = jnp.zeros((c1b,), dtype=jnp.float32)
    inp["conv2_w"] = jax.random.normal(ks[3], (c2a, C1, KS, KS), dtype=jnp.float32) * 0.05
    inp["conv2_b"] = jnp.zeros((c2a,), dtype=jnp.float32)
    inp["nn2_w"] = jax.random.normal(ks[4], (c2b, C1, K), dtype=jnp.float32) * 0.05
    inp["nn2_b"] = jnp.zeros((c2b,), dtype=jnp.float32)
    inp["fc1_w"] = jax.random.normal(ks[5], (1024, C2 * H * W), dtype=jnp.float32) * 0.01
    inp["fc1_b"] = jnp.zeros((1024,), dtype=jnp.float32)
    inp["fc2_w"] = jax.random.normal(ks[6], (NUM_CLASSES, 1024), dtype=jnp.float32) * 0.05
    inp["fc2_b"] = jnp.zeros((NUM_CLASSES,), dtype=jnp.float32)
    inp["samp1"] = jax.random.randint(ks[7], (N,), 0, HW, dtype=jnp.int32)
    inp["samp2"] = jax.random.randint(ks[8], (N,), 0, HW, dtype=jnp.int32)
    return inp


def _conv2d(x, w, b):
    out = jax.lax.conv_general_dilated(
        x, w, window_strides=(1, 1), padding="SAME",
        dimension_numbers=("NCHW", "OIHW", "NCHW"))
    return out + b[None, :, None, None]


def _convnn(x, samp, w, b):
    # ConvNN branch: for each pixel, retrieve K nearest neighbors (L2) among
    # N randomly sampled pixel feature vectors, then apply a learned conv over
    # the ordered K-neighbor stack.
    b_, c, h, wd = x.shape
    hw = h * wd
    xf = x.reshape(b_, c, hw).transpose(0, 2, 1)           # [B, HW, C]
    s = xf[:, samp, :]                                      # [B, N, C]
    d2 = (jnp.sum(xf * xf, axis=-1)[..., None]
          - 2.0 * jnp.einsum("bhc,bnc->bhn", xf, s)
          + jnp.sum(s * s, axis=-1)[:, None, :])            # [B, HW, N]
    _, idx = jax.lax.top_k(-d2, K)                          # [B, HW, K]
    neigh = s[jnp.arange(b_)[:, None, None], idx]           # [B, HW, K, C] gather
    out = jnp.einsum("bhkc,ock->boh", neigh, w) + b[None, :, None]
    return out.reshape(b_, w.shape[0], h, wd)


def reference(x, conv1_w, conv1_b, nn1_w, nn1_b, conv2_w, conv2_b, nn2_w, nn2_b,
              fc1_w, fc1_b, fc2_w, fc2_b, samp1, samp2):
    h1 = jnp.concatenate([_conv2d(x, conv1_w, conv1_b),
                          _convnn(x, samp1, nn1_w, nn1_b)], axis=1)
    h1 = jax.nn.relu(h1)
    h2 = jnp.concatenate([_conv2d(h1, conv2_w, conv2_b),
                          _convnn(h1, samp2, nn2_w, nn2_b)], axis=1)
    h2 = jax.nn.relu(h2)
    f = h2.reshape(h2.shape[0], -1)
    f = jax.nn.relu(f @ fc1_w.T + fc1_b)
    return f @ fc2_w.T + fc2_b

if __name__ == "__main__":
    import jax
    _d = setup_inputs()
    print(jax.jit(kernel)(*tuple(_d.values())))

</pallas_src>

<mosaic_0001>
module attributes {stable_mosaic.version = 14 : i64} {
  func.func @_fc_kernel(%arg0: i32, %arg1: memref<256x2048xf32, #tpu.memory_space<vmem>>, %arg2: memref<1024x2048xf32, #tpu.memory_space<vmem>>, %arg3: memref<1x1024xf32, #tpu.memory_space<vmem>>, %arg4: memref<1024x16xf32, #tpu.memory_space<vmem>>, %arg5: memref<1x16xf32, #tpu.memory_space<vmem>>, %arg6: memref<256x16xf32, #tpu.memory_space<vmem>>, %arg7: memref<256x1024xf32, #tpu.memory_space<vmem>>) attributes {dimension_semantics = [#tpu.dimension_semantics<arbitrary>], iteration_bounds = array<i64: 16>, scalar_prefetch = 0 : i64, scratch_operands = 1 : i64, tpu.core_type = #tpu.core_type<tc>, window_params = [{transform_indices = @transform_0, window_bounds = array<i64: 256, 2048>}, {transform_indices = @transform_1, window_bounds = array<i64: 1024, 2048>}, {pipeline_mode = #tpu.pipeline_mode<synchronous>, transform_indices = @transform_2, window_bounds = array<i64: 1, 1024>}, {pipeline_mode = #tpu.pipeline_mode<synchronous>, transform_indices = @transform_3, window_bounds = array<i64: 1024, 16>}, {pipeline_mode = #tpu.pipeline_mode<synchronous>, transform_indices = @transform_4, window_bounds = array<i64: 1, 16>}, {pipeline_mode = #tpu.pipeline_mode<synchronous>, transform_indices = @transform_5, window_bounds = array<i64: 256, 16>}]} {
    %eq3A = arith.constant 0 : i32
    %eq3A_0 = arith.cmpi eq, %arg0, %eq3A : i32
    %convert_element_type3A = arith.extui %eq3A_0 : i1 to i32
    %cond3A = arith.constant 0 : i32
    %cond3A_1 = arith.cmpi ne, %convert_element_type3A, %cond3A : i32
    scf.if %cond3A_1 {
      %broadcast_in_dim3A = arith.constant 0.000000e+00 : f32
      %broadcast_in_dim3A_18 = vector.broadcast %broadcast_in_dim3A : f32 to vector<256x1024xf32>
      %swap3A_19 = arith.constant 0 : index
      %swap3A_20 = arith.constant 0 : index
      %swap3A_21 = vector.load %arg7[%swap3A_19, %swap3A_20] : memref<256x1024xf32, #tpu.memory_space<vmem>>, vector<256x1024xf32>
      tpu.vector_store %arg7[%swap3A_19, %swap3A_20], %broadcast_in_dim3A_18 {strides = array<i32>} : memref<256x1024xf32, #tpu.memory_space<vmem>>, vector<256x1024xf32>,
    } else {
    }
    %get3A = arith.constant 0 : index
    %get3A_2 = arith.constant 0 : index
    %get3A_3 = vector.load %arg7[%get3A, %get3A_2] : memref<256x1024xf32, #tpu.memory_space<vmem>>, vector<256x1024xf32>
    %get3A_4 = arith.constant 0 : index
    %get3A_5 = arith.constant 0 : index
    %get3A_6 = vector.load %arg1[%get3A_4, %get3A_5] : memref<256x2048xf32, #tpu.memory_space<vmem>>, vector<256x2048xf32>
    %get3A_7 = arith.constant 0 : index
    %get3A_8 = arith.constant 0 : index
    %get3A_9 = vector.load %arg2[%get3A_7, %get3A_8] : memref<1024x2048xf32, #tpu.memory_space<vmem>>, vector<1024x2048xf32>
    %dot_general3A = arith.constant dense<0.000000e+00> : vector<256x1024xf32>
    %dot_general3A_10 = tpu.matmul %get3A_6, %get3A_9, %dot_general3A {dimension_numbers = #tpu.dot_dimension_numbers<[1], [1], [0], [0], [0, 0, 1, 0], [], []>, transpose_lhs_hint = false} : vector<256x2048xf32>, vector<1024x2048xf32>, vector<256x1024xf32> -> vector<256x1024xf32>
    %add3A = arith.addf %get3A_3, %dot_general3A_10 : vector<256x1024xf32>
    %swap3A = arith.constant 0 : index
    %swap3A_11 = arith.constant 0 : index
    %swap3A_12 = vector.load %arg7[%swap3A, %swap3A_11] : memref<256x1024xf32, #tpu.memory_space<vmem>>, vector<256x1024xf32>
    tpu.vector_store %arg7[%swap3A, %swap3A_11], %add3A {strides = array<i32>} : memref<256x1024xf32, #tpu.memory_space<vmem>>, vector<256x1024xf32>,
    %eq3A_13 = arith.constant 15 : i32
    %eq3A_14 = arith.cmpi eq, %arg0, %eq3A_13 : i32
    %convert_element_type3A_15 = arith.extui %eq3A_14 : i1 to i32
    %cond3A_16 = arith.constant 0 : i32
    %cond3A_17 = arith.cmpi ne, %convert_element_type3A_15, %cond3A_16 : i32
    scf.if %cond3A_17 {
      %get3A_18 = arith.constant 0 : index
      %get3A_19 = arith.constant 0 : index
      %get3A_20 = vector.load %arg7[%get3A_18, %get3A_19] : memref<256x1024xf32, #tpu.memory_space<vmem>>, vector<256x1024xf32>
      %get3A_21 = arith.constant 0 : index
      %get3A_22 = arith.constant 0 : index
      %get3A_23 = vector.load %arg3[%get3A_21, %get3A_22] : memref<1x1024xf32, #tpu.memory_space<vmem>>, vector<1x1024xf32>
      %add3A_24 = vector.broadcast %get3A_23 : vector<1x1024xf32> to vector<256x1024xf32>
      %add3A_25 = arith.addf %get3A_20, %add3A_24 : vector<256x1024xf32>
      %max3A = arith.constant 0.000000e+00 : f32
      %max3A_26 = vector.broadcast %max3A : f32 to vector<256x1024xf32>
      %max3A_27 = arith.maximumf %add3A_25, %max3A_26 : vector<256x1024xf32>
      %get3A_28 = arith.constant 0 : index
      %get3A_29 = arith.constant 0 : index
      %get3A_30 = vector.load %arg4[%get3A_28, %get3A_29] : memref<1024x16xf32, #tpu.memory_space<vmem>>, vector<1024x16xf32>
      %dot_general3A_31 = arith.constant dense<0.000000e+00> : vector<256x16xf32>
      %dot_general3A_32 = tpu.matmul %max3A_27, %get3A_30, %dot_general3A_31 {dimension_numbers = #tpu.dot_dimension_numbers<[1], [0], [0], [1], [0, 0, 1, 1], [], []>, transpose_lhs_hint = false} : vector<256x1024xf32>, vector<1024x16xf32>, vector<256x16xf32> -> vector<256x16xf32>
      %get3A_33 = arith.constant 0 : index
      %get3A_34 = arith.constant 0 : index
      %get3A_35 = vector.load %arg5[%get3A_33, %get3A_34] : memref<1x16xf32, #tpu.memory_space<vmem>>, vector<1x16xf32>
      %add3A_36 = vector.broadcast %get3A_35 : vector<1x16xf32> to vector<256x16xf32>
      %add3A_37 = arith.addf %dot_general3A_32, %add3A_36 : vector<256x16xf32>
      %swap3A_38 = arith.constant 0 : index
      %swap3A_39 = arith.constant 0 : index
      %swap3A_40 = vector.load %arg6[%swap3A_38, %swap3A_39] : memref<256x16xf32, #tpu.memory_space<vmem>>, vector<256x16xf32>
      tpu.vector_store %arg6[%swap3A_38, %swap3A_39], %add3A_37 {strides = array<i32>} : memref<256x16xf32, #tpu.memory_space<vmem>>, vector<256x16xf32>,
    } else {
    }
    return
  }
  func.func @transform_0(%arg0: i32) -> (i32, i32) {
    %c0_i32 = arith.constant 0 : i32
    %c0_i32_0 = arith.constant 0 : i32
    return %c0_i32, %arg0 : i32, i32
  }
  func.func @transform_1(%arg0: i32) -> (i32, i32) {
    %c0_i32 = arith.constant 0 : i32
    %c0_i32_0 = arith.constant 0 : i32
    return %c0_i32, %arg0 : i32, i32
  }
  func.func @transform_2(%arg0: i32) -> (i32, i32) {
    %c0_i32 = arith.constant 0 : i32
    %c0_i32_0 = arith.constant 0 : i32
    %c0_i32_1 = arith.constant 0 : i32
    return %c0_i32, %c0_i32_0 : i32, i32
  }
  func.func @transform_3(%arg0: i32) -> (i32, i32) {
    %c0_i32 = arith.constant 0 : i32
    %c0_i32_0 = arith.constant 0 : i32
    %c0_i32_1 = arith.constant 0 : i32
    return %c0_i32, %c0_i32_0 : i32, i32
  }
  func.func @transform_4(%arg0: i32) -> (i32, i32) {
    %c0_i32 = arith.constant 0 : i32
    %c0_i32_0 = arith.constant 0 : i32
    %c0_i32_1 = arith.constant 0 : i32
    return %c0_i32, %c0_i32_0 : i32, i32
  }
  func.func @transform_5(%arg0: i32) -> (i32, i32) {
    %c0_i32 = arith.constant 0 : i32
    %c0_i32_0 = arith.constant 0 : i32
    %c0_i32_1 = arith.constant 0 : i32
    return %c0_i32, %c0_i32_0 : i32, i32
  }
}

module attributes {stable_mosaic.version = 14 : i64} {
  func.func @_feat_kernel(%arg0: i32, %arg1: memref<2x3x1024xf32, #tpu.memory_space<vmem>>, %arg2: memref<8x27xf32, #tpu.memory_space<vmem>>, %arg3: memref<8x1xf32, #tpu.memory_space<vmem>>, %arg4: memref<72x3xf32, #tpu.memory_space<vmem>>, %arg5: memref<8x1xf32, #tpu.memory_space<vmem>>, %arg6: memref<16x144xf32, #tpu.memory_space<vmem>>, %arg7: memref<16x1xf32, #tpu.memory_space<vmem>>, %arg8: memref<144x16xf32, #tpu.memory_space<vmem>>, %arg9: memref<16x1xf32, #tpu.memory_space<vmem>>, %arg10: memref<1x64xi32, #tpu.memory_space<vmem>>, %arg11: memref<1x64xi32, #tpu.memory_space<vmem>>, %arg12: memref<2x32x1024xf32, #tpu.memory_space<vmem>>) attributes {dimension_semantics = [#tpu.dimension_semantics<arbitrary>], iteration_bounds = array<i64: 128>, scalar_prefetch = 0 : i64, scratch_operands = 0 : i64, tpu.core_type = #tpu.core_type<tc>, window_params = [{transform_indices = @transform_0, window_bounds = array<i64: 2, 3, 1024>}, {pipeline_mode = #tpu.pipeline_mode<synchronous>, transform_indices = @transform_1, window_bounds = array<i64: 8, 27>}, {pipeline_mode = #tpu.pipeline_mode<synchronous>, transform_indices = @transform_2, window_bounds = array<i64: 8, 1>}, {pipeline_mode = #tpu.pipeline_mode<synchronous>, transform_indices = @transform_3, window_bounds = array<i64: 72, 3>}, {pipeline_mode = #tpu.pipeline_mode<synchronous>, transform_indices = @transform_4, window_bounds = array<i64: 8, 1>}, {pipeline_mode = #tpu.pipeline_mode<synchronous>, transform_indices = @transform_5, window_bounds = array<i64: 16, 144>}, {pipeline_mode = #tpu.pipeline_mode<synchronous>, transform_indices = @transform_6, window_bounds = array<i64: 16, 1>}, {pipeline_mode = #tpu.pipeline_mode<synchronous>, transform_indices = @transform_7, window_bounds = array<i64: 144, 16>}, {pipeline_mode = #tpu.pipeline_mode<synchronous>, transform_indices = @transform_8, window_bounds = array<i64: 16, 1>}, {pipeline_mode = #tpu.pipeline_mode<synchronous>, transform_indices = @transform_9, window_bounds = array<i64: 1, 64>}, {pipeline_mode = #tpu.pipeline_mode<synchronous>, transform_indices = @transform_10, window_bounds = array<i64: 1, 64>}, {transform_indices = @transform_11, window_bounds = array<i64: 2, 32, 1024>}]} {
    %get3A = arith.constant 0 : index
    %get3A_0 = arith.constant 0 : index
    %get3A_1 = arith.constant 0 : index
    %get3A_2 = vector.load %arg1[%get3A, %get3A_0, %get3A_1] : memref<2x3x1024xf32, #tpu.memory_space<vmem>>, vector<1x3x1024xf32>
    %get3A_3 = vector.shape_cast %get3A_2 : vector<1x3x1024xf32> to vector<3x1024xf32>
    %get3A_4 = arith.constant 0 : index
    %get3A_5 = arith.constant 0 : index
    %get3A_6 = vector.load %arg2[%get3A_4, %get3A_5] : memref<8x27xf32, #tpu.memory_space<vmem>>, vector<8x27xf32>
    %get3A_7 = arith.constant 0 : index
    %get3A_8 = arith.constant 0 : index
    %get3A_9 = vector.load %arg3[%get3A_7, %get3A_8] : memref<8x1xf32, #tpu.memory_space<vmem>>, vector<8x1xf32>
    %get3A_10 = arith.constant 0 : index
    %get3A_11 = arith.constant 0 : index
    %get3A_12 = vector.load %arg4[%get3A_10, %get3A_11] : memref<72x3xf32, #tpu.memory_space<vmem>>, vector<72x3xf32>
    %get3A_13 = arith.constant 0 : index
    %get3A_14 = arith.constant 0 : index
    %get3A_15 = vector.load %arg5[%get3A_13, %get3A_14] : memref<8x1xf32, #tpu.memory_space<vmem>>, vector<8x1xf32>
    %get3A_16 = arith.constant 0 : index
    %get3A_17 = arith.constant 0 : index
    %get3A_18 = vector.load %arg10[%get3A_16, %get3A_17] : memref<1x64xi32, #tpu.memory_space<vmem>>, vector<1x64xi32>
    %iota3A = tpu.iota {dimensions = array<i32: 1>} : vector<3x1024xi32>
    %jit3A = arith.constant 32 : i32
    %eq3A = arith.constant 0 : i32
    %eq3A_19 = arith.cmpi eq, %jit3A, %eq3A : i32
    %jit3A_20 = arith.constant 1 : i32
    %select_n3A = arith.select %eq3A_19, %jit3A_20, %jit3A : i32
    %rem3A = vector.broadcast %select_n3A : i32 to vector<3x1024xi32>
    %rem3A_21 = arith.remsi %iota3A, %rem3A : vector<3x1024xi32>
    %ne3A = arith.constant 0 : i32
    %ne3A_22 = vector.broadcast %ne3A : i32 to vector<3x1024xi32>
    %ne3A_23 = arith.cmpi ne, %rem3A_21, %ne3A_22 : vector<3x1024xi32>
    %lt3A = arith.constant 0 : i32
    %lt3A_24 = vector.broadcast %lt3A : i32 to vector<3x1024xi32>
    %lt3A_25 = arith.cmpi slt, %rem3A_21, %lt3A_24 : vector<3x1024xi32>
    %lt3A_26 = arith.constant 0 : i32
    %lt3A_27 = arith.cmpi slt, %select_n3A, %lt3A_26 : i32
    %ne3A_28 = vector.broadcast %lt3A_27 : i1 to vector<3x1024xi1>
    %ne3A_29 = vector.broadcast %ne3A_28 : vector<3x1024xi1> to vector<3x1024xi1>
    %ne3A_30 = arith.xori %lt3A_25, %ne3A_29 : vector<3x1024xi1>
    %and3A = arith.andi %ne3A_30, %ne3A_23 : vector<3x1024xi1>
    %add3A = vector.broadcast %select_n3A : i32 to vector<3x1024xi32>
    %add3A_31 = arith.addi %rem3A_21, %add3A : vector<3x1024xi32>
    %select_n3A_32 = arith.select %and3A, %add3A_31, %rem3A_21 : vector<3x1024xi1>, vector<3x1024xi32>
    %broadcast_in_dim3A = arith.constant 0.000000e+00 : f32
    %broadcast_in_dim3A_33 = vector.broadcast %broadcast_in_dim3A : f32 to vector<3x33xf32>
    %slice3A = vector.extract_strided_slice %get3A_3 {offsets = [0, 0], sizes = [3, 991], strides = [1, 1]} : vector<3x1024xf32> to vector<3x991xf32>
    %concatenate3A = tpu.concatenate %broadcast_in_dim3A_33, %slice3A in 1 : vector<3x33xf32>, vector<3x991xf32> -> vector<3x1024xf32>
    %ge3A = arith.constant 1 : i32
    %ge3A_34 = vector.broadcast %ge3A : i32 to vector<3x1024xi32>
    %ge3A_35 = arith.cmpi sge, %select_n3A_32, %ge3A_34 : vector<3x1024xi32>
    %jit3A_36 = arith.constant 0.000000e+00 : f32
    %broadcast_in_dim3A_37 = vector.broadcast %jit3A_36 : f32 to vector<3x1024xf32>
    %select_n3A_38 = arith.select %ge3A_35, %concatenate3A, %broadcast_in_dim3A_37 : vector<3x1024xi1>, vector<3x1024xf32>
    %broadcast_in_dim3A_39 = arith.constant 0.000000e+00 : f32
    %broadcast_in_dim3A_40 = vector.broadcast %broadcast_in_dim3A_39 : f32 to vector<3x32xf32>
    %slice3A_41 = vector.extract_strided_slice %get3A_3 {offsets = [0, 0], sizes = [3, 992], strides = [1, 1]} : vector<3x1024xf32> to vector<3x992xf32>
    %concatenate3A_42 = tpu.concatenate %broadcast_in_dim3A_40, %slice3A_41 in 1 : vector<3x32xf32>, vector<3x992xf32> -> vector<3x1024xf32>
    %broadcast_in_dim3A_43 = arith.constant 0.000000e+00 : f32
    %broadcast_in_dim3A_44 = vector.broadcast %broadcast_in_dim3A_43 : f32 to vector<3x31xf32>
    %slice3A_45 = vector.extract_strided_slice %get3A_3 {offsets = [0, 0], sizes = [3, 993], strides = [1, 1]} : vector<3x1024xf32> to vector<3x993xf32>
    %concatenate3A_46 = tpu.concatenate %broadcast_in_dim3A_44, %slice3A_45 in 1 : vector<3x31xf32>, vector<3x993xf32> -> vector<3x1024xf32>
    %le3A = arith.constant 30 : i32
    %le3A_47 = vector.broadcast %le3A : i32 to vector<3x1024xi32>
    %le3A_48 = arith.cmpi sle, %select_n3A_32, %le3A_47 : vector<3x1024xi32>
    %jit3A_49 = arith.constant 0.000000e+00 : f32
    %broadcast_in_dim3A_50 = vector.broadcast %jit3A_49 : f32 to vector<3x1024xf32>
    %select_n3A_51 = arith.select %le3A_48, %concatenate3A_46, %broadcast_in_dim3A_50 : vector<3x1024xi1>, vector<3x1024xf32>
    %broadcast_in_dim3A_52 = arith.constant 0.000000e+00 : f32
    %broadcast_in_dim3A_53 = vector.broadcast %broadcast_in_dim3A_52 : f32 to vector<3x1xf32>
    %slice3A_54 = vector.extract_strided_slice %get3A_3 {offsets = [0, 0], sizes = [3, 1023], strides = [1, 1]} : vector<3x1024xf32> to vector<3x1023xf32>
    %concatenate3A_55 = tpu.concatenate %broadcast_in_dim3A_53, %slice3A_54 in 1 : vector<3x1xf32>, vector<3x1023xf32> -> vector<3x1024xf32>
    %ge3A_56 = arith.constant 1 : i32
    %ge3A_57 = vector.broadcast %ge3A_56 : i32 to vector<3x1024xi32>
    %ge3A_58 = arith.cmpi sge, %select_n3A_32, %ge3A_57 : vector<3x1024xi32>
    %jit3A_59 = arith.constant 0.000000e+00 : f32
    %broadcast_in_dim3A_60 = vector.broadcast %jit3A_59 : f32 to vector<3x1024xf32>
    %select_n3A_61 = arith.select %ge3A_58, %concatenate3A_55, %broadcast_in_dim3A_60 : vector<3x1024xi1>, vector<3x1024xf32>
    %slice3A_62 = vector.extract_strided_slice %get3A_3 {offsets = [0, 1], sizes = [3, 1023], strides = [1, 1]} : vector<3x1024xf32> to vector<3x1023xf32>
    %broadcast_in_dim3A_63 = arith.constant 0.000000e+00 : f32
    %broadcast_in_dim3A_64 = vector.broadcast %broadcast_in_dim3A_63 : f32 to vector<3x1xf32>
    %concatenate3A_65 = tpu.concatenate %slice3A_62, %broadcast_in_dim3A_64 in 1 : vector<3x1023xf32>, vector<3x1xf32> -> vector<3x1024xf32>
    %le3A_66 = arith.constant 30 : i32
    %le3A_67 = vector.broadcast %le3A_66 : i32 to vector<3x1024xi32>
    %le3A_68 = arith.cmpi sle, %select_n3A_32, %le3A_67 : vector<3x1024xi32>
    %jit3A_69 = arith.constant 0.000000e+00 : f32
    %broadcast_in_dim3A_70 = vector.broadcast %jit3A_69 : f32 to vector<3x1024xf32>
    %select_n3A_71 = arith.select %le3A_68, %concatenate3A_65, %broadcast_in_dim3A_70 : vector<3x1024xi1>, vector<3x1024xf32>
    %slice3A_72 = vector.extract_strided_slice %get3A_3 {offsets = [0, 31], sizes = [3, 993], strides = [1, 1]} : vector<3x1024xf32> to vector<3x993xf32>
    %broadcast_in_dim3A_73 = arith.constant 0.000000e+00 : f32
    %broadcast_in_dim3A_74 = vector.broadcast %broadcast_in_dim3A_73 : f32 to vector<3x31xf32>
    %concatenate3A_75 = tpu.concatenate %slice3A_72, %broadcast_in_dim3A_74 in 1 : vector<3x993xf32>, vector<3x31xf32> -> vector<3x1024xf32>
    %ge3A_76 = arith.constant 1 : i32
    %ge3A_77 = vector.broadcast %ge3A_76 : i32 to vector<3x1024xi32>
    %ge3A_78 = arith.cmpi sge, %select_n3A_32, %ge3A_77 : vector<3x1024xi32>
    %jit3A_79 = arith.constant 0.000000e+00 : f32
    %broadcast_in_dim3A_80 = vector.broadcast %jit3A_79 : f32 to vector<3x1024xf32>
    %select_n3A_81 = arith.select %ge3A_78, %concatenate3A_75, %broadcast_in_dim3A_80 : vector<3x1024xi1>, vector<3x1024xf32>
    %slice3A_82 = vector.extract_strided_slice %get3A_3 {offsets = [0, 32], sizes = [3, 992], strides = [1, 1]} : vector<3x1024xf32> to vector<3x992xf32>
    %broadcast_in_dim3A_83 = arith.constant 0.000000e+00 : f32
    %broadcast_in_dim3A_84 = vector.broadcast %broadcast_in_dim3A_83 : f32 to vector<3x32xf32>
    %concatenate3A_85 = tpu.concatenate %slice3A_82, %broadcast_in_dim3A_84 in 1 : vector<3x992xf32>, vector<3x32xf32> -> vector<3x1024xf32>
    %slice3A_86 = vector.extract_strided_slice %get3A_3 {offsets = [0, 33], sizes = [3, 991], strides = [1, 1]} : vector<3x1024xf32> to vector<3x991xf32>
    %broadcast_in_dim3A_87 = arith.constant 0.000000e+00 : f32
    %broadcast_in_dim3A_88 = vector.broadcast %broadcast_in_dim3A_87 : f32 to vector<3x33xf32>
    %concatenate3A_89 = tpu.concatenate %slice3A_86, %broadcast_in_dim3A_88 in 1 : vector<3x991xf32>, vector<3x33xf32> -> vector<3x1024xf32>
    %le3A_90 = arith.constant 30 : i32
    %le3A_91 = vector.broadcast %le3A_90 : i32 to vector<3x1024xi32>
    %le3A_92 = arith.cmpi sle, %select_n3A_32, %le3A_91 : vector<3x1024xi32>
    %jit3A_93 = arith.constant 0.000000e+00 : f32
    %broadcast_in_dim3A_94 = vector.broadcast %jit3A_93 : f32 to vector<3x1024xf32>
    %select_n3A_95 = arith.select %le3A_92, %concatenate3A_89, %broadcast_in_dim3A_94 : vector<3x1024xi1>, vector<3x1024xf32>
    %concatenate3A_96 = tpu.concatenate %select_n3A_38, %concatenate3A_42, %select_n3A_51, %select_n3A_61, %get3A_3, %select_n3A_71, %select_n3A_81, %concatenate3A_85, %select_n3A_95 in 0 : vector<3x1024xf32>, vector<3x1024xf32>, vector<3x1024xf32>, vector<3x1024xf32>, vector<3x1024xf32>, vector<3x1024xf32>, vector<3x1024xf32>, vector<3x1024xf32>, vector<3x1024xf32> -> vector<27x1024xf32>
    %dot_general3A = arith.constant dense<0.000000e+00> : vector<8x1024xf32>
    %dot_general3A_97 = tpu.matmul %get3A_6, %concatenate3A_96, %dot_general3A {dimension_numbers = #tpu.dot_dimension_numbers<[1], [0], [0], [1], [0, 0, 1, 1], [], []>, transpose_lhs_hint = false} : vector<8x27xf32>, vector<27x1024xf32>, vector<8x1024xf32> -> vector<8x1024xf32>
    %add3A_98 = vector.broadcast %get3A_9 : vector<8x1xf32> to vector<8x1024xf32>
    %add3A_99 = arith.addf %dot_general3A_97, %add3A_98 : vector<8x1024xf32>
    %iota3A_100 = tpu.iota {dimensions = array<i32: 0>} : vector<1024x64xi32>
    %eq3A_101 = vector.broadcast %get3A_18 : vector<1x64xi32> to vector<1024x64xi32>
    %eq3A_102 = arith.cmpi eq, %iota3A_100, %eq3A_101 : vector<1024x64xi32>
    %convert_element_type3A = arith.extui %eq3A_102 : vector<1024x64xi1> to vector<1024x64xi32>
    %convert_element_type3A_103 = arith.sitofp %convert_element_type3A : vector<1024x64xi32> to vector<1024x64xf32>
    %convert_element_type3A_104 = arith.truncf %convert_element_type3A_103 : vector<1024x64xf32> to vector<1024x64xbf16>
    %convert_element_type3A_105 = arith.truncf %get3A_3 : vector<3x1024xf32> to vector<3x1024xbf16>
    %convert_element_type3A_106 = arith.extf %convert_element_type3A_105 : vector<3x1024xbf16> to vector<3x1024xf32>
    %sub3A = arith.subf %get3A_3, %convert_element_type3A_106 : vector<3x1024xf32>
    %convert_element_type3A_107 = arith.truncf %sub3A : vector<3x1024xf32> to vector<3x1024xbf16>
    %convert_element_type3A_108 = arith.extf %convert_element_type3A_107 : vector<3x1024xbf16> to vector<3x1024xf32>
    %sub3A_109 = arith.subf %sub3A, %convert_element_type3A_108 : vector<3x1024xf32>
    %convert_element_type3A_110 = arith.truncf %sub3A_109 : vector<3x1024xf32> to vector<3x1024xbf16>
    %dot_general3A_111 = arith.constant dense<0.000000e+00> : vector<3x64xf32>
    %dot_general3A_112 = tpu.matmul %convert_element_type3A_105, %convert_element_type3A_104, %dot_general3A_111 {dimension_numbers = #tpu.dot_dimension_numbers<[1], [0], [0], [1], [0, 0, 1, 1], [], []>, transpose_lhs_hint = false} : vector<3x1024xbf16>, vector<1024x64xbf16>, vector<3x64xf32> -> vector<3x64xf32>
    %dot_general3A_113 = arith.constant dense<0.000000e+00> : vector<3x64xf32>
    %dot_general3A_114 = tpu.matmul %convert_element_type3A_107, %convert_element_type3A_104, %dot_general3A_113 {dimension_numbers = #tpu.dot_dimension_numbers<[1], [0], [0], [1], [0, 0, 1, 1], [], []>, transpose_lhs_hint = false} : vector<3x1024xbf16>, vector<1024x64xbf16>, vector<3x64xf32> -> vector<3x64xf32>
    %add3A_115 = arith.addf %dot_general3A_112, %dot_general3A_114 : vector<3x64xf32>
    %dot_general3A_116 = arith.constant dense<0.000000e+00> : vector<3x64xf32>
    %dot_general3A_117 = tpu.matmul %convert_element_type3A_110, %convert_element_type3A_104, %dot_general3A_116 {dimension_numbers = #tpu.dot_dimension_numbers<[1], [0], [0], [1], [0, 0, 1, 1], [], []>, transpose_lhs_hint = false} : vector<3x1024xbf16>, vector<1024x64xbf16>, vector<3x64xf32> -> vector<3x64xf32>
    %add3A_118 = arith.addf %add3A_115, %dot_general3A_117 : vector<3x64xf32>
    %transpose3A = tpu.transpose %add3A_118, [1, 0] : vector<3x64xf32> -> vector<64x3xf32>
    %mul3A = arith.mulf %get3A_3, %get3A_3 : vector<3x1024xf32>
    %reduce_sum3A = arith.constant dense<0.000000e+00> : vector<1024xf32>
    %reduce_sum3A_119 = vector.multi_reduction <add>, %mul3A, %reduce_sum3A [0] : vector<3x1024xf32> to vector<1024xf32>
    %broadcast_in_dim3A_120 = vector.shape_cast %reduce_sum3A_119 : vector<1024xf32> to vector<1x1024xf32>
    %mul3A_121 = arith.mulf %transpose3A, %transpose3A : vector<64x3xf32>
    %reduce_sum3A_122 = arith.constant dense<0.000000e+00> : vector<64xf32>
    %reduce_sum3A_123 = vector.multi_reduction <add>, %mul3A_121, %reduce_sum3A_122 [1] : vector<64x3xf32> to vector<64xf32>
    %broadcast_in_dim3A_124 = vector.shape_cast %reduce_sum3A_123 : vector<64xf32> to vector<64x1xf32>
    %dot_general3A_125 = arith.constant dense<0.000000e+00> : vector<64x1024xf32>
    %dot_general3A_126 = tpu.matmul %transpose3A, %get3A_3, %dot_general3A_125 {dimension_numbers = #tpu.dot_dimension_numbers<[1], [0], [0], [1], [0, 0, 1, 1], [], []>, transpose_lhs_hint = false} : vector<64x3xf32>, vector<3x1024xf32>, vector<64x1024xf32> -> vector<64x1024xf32>
    %mul3A_127 = arith.constant 2.000000e+00 : f32
    %mul3A_128 = vector.broadcast %mul3A_127 : f32 to vector<64x1024xf32>
    %mul3A_129 = arith.mulf %mul3A_128, %dot_general3A_126 : vector<64x1024xf32>
    %sub3A_130 = vector.broadcast %broadcast_in_dim3A_120 : vector<1x1024xf32> to vector<64x1024xf32>
    %sub3A_131 = arith.subf %sub3A_130, %mul3A_129 : vector<64x1024xf32>
    %add3A_132 = vector.broadcast %broadcast_in_dim3A_124 : vector<64x1xf32> to vector<64x1024xf32>
    %add3A_133 = arith.addf %sub3A_131, %add3A_132 : vector<64x1024xf32>
    %neg3A = arith.constant 0.000000e+00 : f32
    %neg3A_134 = vector.broadcast %neg3A : f32 to vector<64x1024xf32>
    %neg3A_135 = arith.subf %neg3A_134, %add3A_133 : vector<64x1024xf32>
    %dot_general3A_136 = arith.constant dense<0.000000e+00> : vector<72x64xf32>
    %dot_general3A_137 = tpu.matmul %get3A_12, %add3A_118, %dot_general3A_136 {dimension_numbers = #tpu.dot_dimension_numbers<[1], [0], [0], [1], [0, 0, 1, 1], [], []>, transpose_lhs_hint = false} : vector<72x3xf32>, vector<3x64xf32>, vector<72x64xf32> -> vector<72x64xf32>
    %convert_element_type3A_138 = arith.truncf %dot_general3A_137 : vector<72x64xf32> to vector<72x64xbf16>
    %convert_element_type3A_139 = arith.extf %convert_element_type3A_138 : vector<72x64xbf16> to vector<72x64xf32>
    %sub3A_140 = arith.subf %dot_general3A_137, %convert_element_type3A_139 : vector<72x64xf32>
    %convert_element_type3A_141 = arith.truncf %sub3A_140 : vector<72x64xf32> to vector<72x64xbf16>
    %convert_element_type3A_142 = arith.extf %convert_element_type3A_141 : vector<72x64xbf16> to vector<72x64xf32>
    %sub3A_143 = arith.subf %sub3A_140, %convert_element_type3A_142 : vector<72x64xf32>
    %convert_element_type3A_144 = arith.truncf %sub3A_143 : vector<72x64xf32> to vector<72x64xbf16>
    %slice3A_145 = vector.extract_strided_slice %convert_element_type3A_138 {offsets = [0, 0], sizes = [8, 64], strides = [1, 1]} : vector<72x64xbf16> to vector<8x64xbf16>
    %slice3A_146 = vector.extract_strided_slice %convert_element_type3A_141 {offsets = [0, 0], sizes = [8, 64], strides = [1, 1]} : vector<72x64xbf16> to vector<8x64xbf16>
    %slice3A_147 = vector.extract_strided_slice %convert_element_type3A_144 {offsets = [0, 0], sizes = [8, 64], strides = [1, 1]} : vector<72x64xbf16> to vector<8x64xbf16>
    %concatenate3A_148 = tpu.concatenate %slice3A_145, %slice3A_146, %slice3A_147 in 0 : vector<8x64xbf16>, vector<8x64xbf16>, vector<8x64xbf16> -> vector<24x64xbf16>
    %slice3A_149 = vector.extract_strided_slice %convert_element_type3A_138 {offsets = [8, 0], sizes = [8, 64], strides = [1, 1]} : vector<72x64xbf16> to vector<8x64xbf16>
    %slice3A_150 = vector.extract_strided_slice %convert_element_type3A_141 {offsets = [8, 0], sizes = [8, 64], strides = [1, 1]} : vector<72x64xbf16> to vector<8x64xbf16>
    %slice3A_151 = vector.extract_strided_slice %convert_element_type3A_144 {offsets = [8, 0], sizes = [8, 64], strides = [1, 1]} : vector<72x64xbf16> to vector<8x64xbf16>
    %concatenate3A_152 = tpu.concatenate %slice3A_149, %slice3A_150, %slice3A_151 in 0 : vector<8x64xbf16>, vector<8x64xbf16>, vector<8x64xbf16> -> vector<24x64xbf16>
    %slice3A_153 = vector.extract_strided_slice %convert_element_type3A_138 {offsets = [16, 0], sizes = [8, 64], strides = [1, 1]} : vector<72x64xbf16> to vector<8x64xbf16>
    %slice3A_154 = vector.extract_strided_slice %convert_element_type3A_141 {offsets = [16, 0], sizes = [8, 64], strides = [1, 1]} : vector<72x64xbf16> to vector<8x64xbf16>
    %slice3A_155 = vector.extract_strided_slice %convert_element_type3A_144 {offsets = [16, 0], sizes = [8, 64], strides = [1, 1]} : vector<72x64xbf16> to vector<8x64xbf16>
    %concatenate3A_156 = tpu.concatenate %slice3A_153, %slice3A_154, %slice3A_155 in 0 : vector<8x64xbf16>, vector<8x64xbf16>, vector<8x64xbf16> -> vector<24x64xbf16>
    %slice3A_157 = vector.extract_strided_slice %convert_element_type3A_138 {offsets = [24, 0], sizes = [8, 64], strides = [1, 1]} : vector<72x64xbf16> to vector<8x64xbf16>
    %slice3A_158 = vector.extract_strided_slice %convert_element_type3A_141 {offsets = [24, 0], sizes = [8, 64], strides = [1, 1]} : vector<72x64xbf16> to vector<8x64xbf16>
    %slice3A_159 = vector.extract_strided_slice %convert_element_type3A_144 {offsets = [24, 0], sizes = [8, 64], strides = [1, 1]} : vector<72x64xbf16> to vector<8x64xbf16>
    %concatenate3A_160 = tpu.concatenate %slice3A_157, %slice3A_158, %slice3A_159 in 0 : vector<8x64xbf16>, vector<8x64xbf16>, vector<8x64xbf16> -> vector<24x64xbf16>
    %slice3A_161 = vector.extract_strided_slice %convert_element_type3A_138 {offsets = [32, 0], sizes = [8, 64], strides = [1, 1]} : vector<72x64xbf16> to vector<8x64xbf16>
    %slice3A_162 = vector.extract_strided_slice %convert_element_type3A_141 {offsets = [32, 0], sizes = [8, 64], strides = [1, 1]} : vector<72x64xbf16> to vector<8x64xbf16>
    %slice3A_163 = vector.extract_strided_slice %convert_element_type3A_144 {offsets = [32, 0], sizes = [8, 64], strides = [1, 1]} : vector<72x64xbf16> to vector<8x64xbf16>
    %concatenate3A_164 = tpu.concatenate %slice3A_161, %slice3A_162, %slice3A_163 in 0 : vector<8x64xbf16>, vector<8x64xbf16>, vector<8x64xbf16> -> vector<24x64xbf16>
    %slice3A_165 = vector.extract_strided_slice %convert_element_type3A_138 {offsets = [40, 0], sizes = [8, 64], strides = [1, 1]} : vector<72x64xbf16> to vector<8x64xbf16>
    %slice3A_166 = vector.extract_strided_slice %convert_element_type3A_141 {offsets = [40, 0], sizes = [8, 64], strides = [1, 1]} : vector<72x64xbf16> to vector<8x64xbf16>
    %slice3A_167 = vector.extract_strided_slice %convert_element_type3A_144 {offsets = [40, 0], sizes = [8, 64], strides = [1, 1]} : vector<72x64xbf16> to vector<8x64xbf16>
    %concatenate3A_168 = tpu.concatenate %slice3A_165, %slice3A_166, %slice3A_167 in 0 : vector<8x64xbf16>, vector<8x64xbf16>, vector<8x64xbf16> -> vector<24x64xbf16>
    %slice3A_169 = vector.extract_strided_slice %convert_element_type3A_138 {offsets = [48, 0], sizes = [8, 64], strides = [1, 1]} : vector<72x64xbf16> to vector<8x64xbf16>
    %slice3A_170 = vector.extract_strided_slice %convert_element_type3A_141 {offsets = [48, 0], sizes = [8, 64], strides = [1, 1]} : vector<72x64xbf16> to vector<8x64xbf16>
    %slice3A_171 = vector.extract_strided_slice %convert_element_type3A_144 {offsets = [48, 0], sizes = [8, 64], strides = [1, 1]} : vector<72x64xbf16> to vector<8x64xbf16>
    %concatenate3A_172 = tpu.concatenate %slice3A_169, %slice3A_170, %slice3A_171 in 0 : vector<8x64xbf16>, vector<8x64xbf16>, vector<8x64xbf16> -> vector<24x64xbf16>
    %slice3A_173 = vector.extract_strided_slice %convert_element_type3A_138 {offsets = [56, 0], sizes = [8, 64], strides = [1, 1]} : vector<72x64xbf16> to vector<8x64xbf16>
    %slice3A_174 = vector.extract_strided_slice %convert_element_type3A_141 {offsets = [56, 0], sizes = [8, 64], strides = [1, 1]} : vector<72x64xbf16> to vector<8x64xbf16>
    %slice3A_175 = vector.extract_strided_slice %convert_element_type3A_144 {offsets = [56, 0], sizes = [8, 64], strides = [1, 1]} : vector<72x64xbf16> to vector<8x64xbf16>
    %concatenate3A_176 = tpu.concatenate %slice3A_173, %slice3A_174, %slice3A_175 in 0 : vector<8x64xbf16>, vector<8x64xbf16>, vector<8x64xbf16> -> vector<24x64xbf16>
    %slice3A_177 = vector.extract_strided_slice %convert_element_type3A_138 {offsets = [64, 0], sizes = [8, 64], strides = [1, 1]} : vector<72x64xbf16> to vector<8x64xbf16>
    %slice3A_178 = vector.extract_strided_slice %convert_element_type3A_141 {offsets = [64, 0], sizes = [8, 64], strides = [1, 1]} : vector<72x64xbf16> to vector<8x64xbf16>
    %slice3A_179 = vector.extract_strided_slice %convert_element_type3A_144 {offsets = [64, 0], sizes = [8, 64], strides = [1, 1]} : vector<72x64xbf16> to vector<8x64xbf16>
    %concatenate3A_180 = tpu.concatenate %slice3A_177, %slice3A_178, %slice3A_179 in 0 : vector<8x64xbf16>, vector<8x64xbf16>, vector<8x64xbf16> -> vector<24x64xbf16>
    %iota3A_181 = tpu.iota {dimensions = array<i32: 0>} : vector<64x1024xi32>
    %broadcast_in_dim3A_182 = arith.constant 0.000000e+00 : f32
    %broadcast_in_dim3A_183 = vector.broadcast %broadcast_in_dim3A_182 : f32 to vector<8x1024xf32>
    %reduce_max3A = arith.constant dense<0xFF800000> : vector<1024xf32>
    %reduce_max3A_184 = vector.multi_reduction <maximumf>, %neg3A_135, %reduce_max3A [0] : vector<64x1024xf32> to vector<1024xf32>
    %broadcast_in_dim3A_185 = vector.shape_cast %reduce_max3A_184 : vector<1024xf32> to vector<1x1024xf32>
    %ge3A_186 = vector.broadcast %broadcast_in_dim3A_185 : vector<1x1024xf32> to vector<64x1024xf32>
    %ge3A_187 = arith.cmpf oge, %neg3A_135, %ge3A_186 : vector<64x1024xf32>
    %jit3A_188 = arith.constant 64 : i32
    %broadcast_in_dim3A_189 = vector.broadcast %jit3A_188 : i32 to vector<64x1024xi32>
    %select_n3A_190 = arith.select %ge3A_187, %iota3A_181, %broadcast_in_dim3A_189 : vector<64x1024xi1>, vector<64x1024xi32>
    %reduce_min3A = arith.constant dense<2147483647> : vector<1024xi32>
    %reduce_min3A_191 = vector.multi_reduction <minsi>, %select_n3A_190, %reduce_min3A [0] : vector<64x1024xi32> to vector<1024xi32>
    %broadcast_in_dim3A_192 = vector.shape_cast %reduce_min3A_191 : vector<1024xi32> to vector<1x1024xi32>
    %eq3A_193 = vector.broadcast %broadcast_in_dim3A_192 : vector<1x1024xi32> to vector<64x1024xi32>
    %eq3A_194 = arith.cmpi eq, %iota3A_181, %eq3A_193 : vector<64x1024xi32>
    %convert_element_type3A_195 = arith.extui %eq3A_194 : vector<64x1024xi1> to vector<64x1024xi32>
    %convert_element_type3A_196 = arith.sitofp %convert_element_type3A_195 : vector<64x1024xi32> to vector<64x1024xf32>
    %convert_element_type3A_197 = arith.truncf %convert_element_type3A_196 : vector<64x1024xf32> to vector<64x1024xbf16>
    %jit3A_198 = arith.constant -1.000000e+30 : f32
    %broadcast_in_dim3A_199 = vector.broadcast %jit3A_198 : f32 to vector<64x1024xf32>
    %select_n3A_200 = arith.select %eq3A_194, %broadcast_in_dim3A_199, %neg3A_135 : vector<64x1024xi1>, vector<64x1024xf32>
    %dot_general3A_201 = arith.constant dense<0.000000e+00> : vector<24x1024xf32>
    %dot_general3A_202 = tpu.matmul %concatenate3A_148, %convert_element_type3A_197, %dot_general3A_201 {dimension_numbers = #tpu.dot_dimension_numbers<[1], [0], [0], [1], [0, 0, 1, 1], [], []>, transpose_lhs_hint = false} : vector<24x64xbf16>, vector<64x1024xbf16>, vector<24x1024xf32> -> vector<24x1024xf32>
    %slice3A_203 = vector.extract_strided_slice %dot_general3A_202 {offsets = [0, 0], sizes = [8, 1024], strides = [1, 1]} : vector<24x1024xf32> to vector<8x1024xf32>
    %add3A_204 = arith.addf %broadcast_in_dim3A_183, %slice3A_203 : vector<8x1024xf32>
    %slice3A_205 = vector.extract_strided_slice %dot_general3A_202 {offsets = [8, 0], sizes = [8, 1024], strides = [1, 1]} : vector<24x1024xf32> to vector<8x1024xf32>
    %add3A_206 = arith.addf %add3A_204, %slice3A_205 : vector<8x1024xf32>
    %slice3A_207 = vector.extract_strided_slice %dot_general3A_202 {offsets = [16, 0], sizes = [8, 1024], strides = [1, 1]} : vector<24x1024xf32> to vector<8x1024xf32>
    %add3A_208 = arith.addf %add3A_206, %slice3A_207 : vector<8x1024xf32>
    %reduce_max3A_209 = arith.constant dense<0xFF800000> : vector<1024xf32>
    %reduce_max3A_210 = vector.multi_reduction <maximumf>, %select_n3A_200, %reduce_max3A_209 [0] : vector<64x1024xf32> to vector<1024xf32>
    %broadcast_in_dim3A_211 = vector.shape_cast %reduce_max3A_210 : vector<1024xf32> to vector<1x1024xf32>
    %ge3A_212 = vector.broadcast %broadcast_in_dim3A_211 : vector<1x1024xf32> to vector<64x1024xf32>
    %ge3A_213 = arith.cmpf oge, %select_n3A_200, %ge3A_212 : vector<64x1024xf32>
    %jit3A_214 = arith.constant 64 : i32
    %broadcast_in_dim3A_215 = vector.broadcast %jit3A_214 : i32 to vector<64x1024xi32>
    %select_n3A_216 = arith.select %ge3A_213, %iota3A_181, %broadcast_in_dim3A_215 : vector<64x1024xi1>, vector<64x1024xi32>
    %reduce_min3A_217 = arith.constant dense<2147483647> : vector<1024xi32>
    %reduce_min3A_218 = vector.multi_reduction <minsi>, %select_n3A_216, %reduce_min3A_217 [0] : vector<64x1024xi32> to vector<1024xi32>
    %broadcast_in_dim3A_219 = vector.shape_cast %reduce_min3A_218 : vector<1024xi32> to vector<1x1024xi32>
    %eq3A_220 = vector.broadcast %broadcast_in_dim3A_219 : vector<1x1024xi32> to vector<64x1024xi32>
    %eq3A_221 = arith.cmpi eq, %iota3A_181, %eq3A_220 : vector<64x1024xi32>
    %convert_element_type3A_222 = arith.extui %eq3A_221 : vector<64x1024xi1> to vector<64x1024xi32>
    %convert_element_type3A_223 = arith.sitofp %convert_element_type3A_222 : vector<64x1024xi32> to vector<64x1024xf32>
    %convert_element_type3A_224 = arith.truncf %convert_element_type3A_223 : vector<64x1024xf32> to vector<64x1024xbf16>
    %jit3A_225 = arith.constant -1.000000e+30 : f32
    %broadcast_in_dim3A_226 = vector.broadcast %jit3A_225 : f32 to vector<64x1024xf32>
    %select_n3A_227 = arith.select %eq3A_221, %broadcast_in_dim3A_226, %select_n3A_200 : vector<64x1024xi1>, vector<64x1024xf32>
    %dot_general3A_228 = arith.constant dense<0.000000e+00> : vector<24x1024xf32>
    %dot_general3A_229 = tpu.matmul %concatenate3A_152, %convert_element_type3A_224, %dot_general3A_228 {dimension_numbers = #tpu.dot_dimension_numbers<[1], [0], [0], [1], [0, 0, 1, 1], [], []>, transpose_lhs_hint = false} : vector<24x64xbf16>, vector<64x1024xbf16>, vector<24x1024xf32> -> vector<24x1024xf32>
    %slice3A_230 = vector.extract_strided_slice %dot_general3A_229 {offsets = [0, 0], sizes = [8, 1024], strides = [1, 1]} : vector<24x1024xf32> to vector<8x1024xf32>
    %add3A_231 = arith.addf %add3A_208, %slice3A_230 : vector<8x1024xf32>
    %slice3A_232 = vector.extract_strided_slice %dot_general3A_229 {offsets = [8, 0], sizes = [8, 1024], strides = [1, 1]} : vector<24x1024xf32> to vector<8x1024xf32>
    %add3A_233 = arith.addf %add3A_231, %slice3A_232 : vector<8x1024xf32>
    %slice3A_234 = vector.extract_strided_slice %dot_general3A_229 {offsets = [16, 0], sizes = [8, 1024], strides = [1, 1]} : vector<24x1024xf32> to vector<8x1024xf32>
    %add3A_235 = arith.addf %add3A_233, %slice3A_234 : vector<8x1024xf32>
    %reduce_max3A_236 = arith.constant dense<0xFF800000> : vector<1024xf32>
    %reduce_max3A_237 = vector.multi_reduction <maximumf>, %select_n3A_227, %reduce_max3A_236 [0] : vector<64x1024xf32> to vector<1024xf32>
    %broadcast_in_dim3A_238 = vector.shape_cast %reduce_max3A_237 : vector<1024xf32> to vector<1x1024xf32>
    %ge3A_239 = vector.broadcast %broadcast_in_dim3A_238 : vector<1x1024xf32> to vector<64x1024xf32>
    %ge3A_240 = arith.cmpf oge, %select_n3A_227, %ge3A_239 : vector<64x1024xf32>
    %jit3A_241 = arith.constant 64 : i32
    %broadcast_in_dim3A_242 = vector.broadcast %jit3A_241 : i32 to vector<64x1024xi32>
    %select_n3A_243 = arith.select %ge3A_240, %iota3A_181, %broadcast_in_dim3A_242 : vector<64x1024xi1>, vector<64x1024xi32>
    %reduce_min3A_244 = arith.constant dense<2147483647> : vector<1024xi32>
    %reduce_min3A_245 = vector.multi_reduction <minsi>, %select_n3A_243, %reduce_min3A_244 [0] : vector<64x1024xi32> to vector<1024xi32>
    %broadcast_in_dim3A_246 = vector.shape_cast %reduce_min3A_245 : vector<1024xi32> to vector<1x1024xi32>
    %eq3A_247 = vector.broadcast %broadcast_in_dim3A_246 : vector<1x1024xi32> to vector<64x1024xi32>
    %eq3A_248 = arith.cmpi eq, %iota3A_181, %eq3A_247 : vector<64x1024xi32>
    %convert_element_type3A_249 = arith.extui %eq3A_248 : vector<64x1024xi1> to vector<64x1024xi32>
    %convert_element_type3A_250 = arith.sitofp %convert_element_type3A_249 : vector<64x1024xi32> to vector<64x1024xf32>
    %convert_element_type3A_251 = arith.truncf %convert_element_type3A_250 : vector<64x1024xf32> to vector<64x1024xbf16>
    %jit3A_252 = arith.constant -1.000000e+30 : f32
    %broadcast_in_dim3A_253 = vector.broadcast %jit3A_252 : f32 to vector<64x1024xf32>
    %select_n3A_254 = arith.select %eq3A_248, %broadcast_in_dim3A_253, %select_n3A_227 : vector<64x1024xi1>, vector<64x1024xf32>
    %dot_general3A_255 = arith.constant dense<0.000000e+00> : vector<24x1024xf32>
    %dot_general3A_256 = tpu.matmul %concatenate3A_156, %convert_element_type3A_251, %dot_general3A_255 {dimension_numbers = #tpu.dot_dimension_numbers<[1], [0], [0], [1], [0, 0, 1, 1], [], []>, transpose_lhs_hint = false} : vector<24x64xbf16>, vector<64x1024xbf16>, vector<24x1024xf32> -> vector<24x1024xf32>
    %slice3A_257 = vector.extract_strided_slice %dot_general3A_256 {offsets = [0, 0], sizes = [8, 1024], strides = [1, 1]} : vector<24x1024xf32> to vector<8x1024xf32>
    %add3A_258 = arith.addf %add3A_235, %slice3A_257 : vector<8x1024xf32>
    %slice3A_259 = vector.extract_strided_slice %dot_general3A_256 {offsets = [8, 0], sizes = [8, 1024], strides = [1, 1]} : vector<24x1024xf32> to vector<8x1024xf32>
    %add3A_260 = arith.addf %add3A_258, %slice3A_259 : vector<8x1024xf32>
    %slice3A_261 = vector.extract_strided_slice %dot_general3A_256 {offsets = [16, 0], sizes = [8, 1024], strides = [1, 1]} : vector<24x1024xf32> to vector<8x1024xf32>
    %add3A_262 = arith.addf %add3A_260, %slice3A_261 : vector<8x1024xf32>
    %reduce_max3A_263 = arith.constant dense<0xFF800000> : vector<1024xf32>
    %reduce_max3A_264 = vector.multi_reduction <maximumf>, %select_n3A_254, %reduce_max3A_263 [0] : vector<64x1024xf32> to vector<1024xf32>
    %broadcast_in_dim3A_265 = vector.shape_cast %reduce_max3A_264 : vector<1024xf32> to vector<1x1024xf32>
    %ge3A_266 = vector.broadcast %broadcast_in_dim3A_265 : vector<1x1024xf32> to vector<64x1024xf32>
    %ge3A_267 = arith.cmpf oge, %select_n3A_254, %ge3A_266 : vector<64x1024xf32>
    %jit3A_268 = arith.constant 64 : i32
    %broadcast_in_dim3A_269 = vector.broadcast %jit3A_268 : i32 to vector<64x1024xi32>
    %select_n3A_270 = arith.select %ge3A_267, %iota3A_181, %broadcast_in_dim3A_269 : vector<64x1024xi1>, vector<64x1024xi32>
    %reduce_min3A_271 = arith.constant dense<2147483647> : vector<1024xi32>
    %reduce_min3A_272 = vector.multi_reduction <minsi>, %select_n3A_270, %reduce_min3A_271 [0] : vector<64x1024xi32> to vector<1024xi32>
    %broadcast_in_dim3A_273 = vector.shape_cast %reduce_min3A_272 : vector<1024xi32> to vector<1x1024xi32>
    %eq3A_274 = vector.broadcast %broadcast_in_dim3A_273 : vector<1x1024xi32> to vector<64x1024xi32>
    %eq3A_275 = arith.cmpi eq, %iota3A_181, %eq3A_274 : vector<64x1024xi32>
    %convert_element_type3A_276 = arith.extui %eq3A_275 : vector<64x1024xi1> to vector<64x1024xi32>
    %convert_element_type3A_277 = arith.sitofp %convert_element_type3A_276 : vector<64x1024xi32> to vector<64x1024xf32>
    %convert_element_type3A_278 = arith.truncf %convert_element_type3A_277 : vector<64x1024xf32> to vector<64x1024xbf16>
    %jit3A_279 = arith.constant -1.000000e+30 : f32
    %broadcast_in_dim3A_280 = vector.broadcast %jit3A_279 : f32 to vector<64x1024xf32>
    %select_n3A_281 = arith.select %eq3A_275, %broadcast_in_dim3A_280, %select_n3A_254 : vector<64x1024xi1>, vector<64x1024xf32>
    %dot_general3A_282 = arith.constant dense<0.000000e+00> : vector<24x1024xf32>
    %dot_general3A_283 = tpu.matmul %concatenate3A_160, %convert_element_type3A_278, %dot_general3A_282 {dimension_numbers = #tpu.dot_dimension_numbers<[1], [0], [0], [1], [0, 0, 1, 1], [], []>, transpose_lhs_hint = false} : vector<24x64xbf16>, vector<64x1024xbf16>, vector<24x1024xf32> -> vector<24x1024xf32>
    %slice3A_284 = vector.extract_strided_slice %dot_general3A_283 {offsets = [0, 0], sizes = [8, 1024], strides = [1, 1]} : vector<24x1024xf32> to vector<8x1024xf32>
    %add3A_285 = arith.addf %add3A_262, %slice3A_284 : vector<8x1024xf32>
    %slice3A_286 = vector.extract_strided_slice %dot_general3A_283 {offsets = [8, 0], sizes = [8, 1024], strides = [1, 1]} : vector<24x1024xf32> to vector<8x1024xf32>
    %add3A_287 = arith.addf %add3A_285, %slice3A_286 : vector<8x1024xf32>
    %slice3A_288 = vector.extract_strided_slice %dot_general3A_283 {offsets = [16, 0], sizes = [8, 1024], strides = [1, 1]} : vector<24x1024xf32> to vector<8x1024xf32>
    %add3A_289 = arith.addf %add3A_287, %slice3A_288 : vector<8x1024xf32>
    %reduce_max3A_290 = arith.constant dense<0xFF800000> : vector<1024xf32>
    %reduce_max3A_291 = vector.multi_reduction <maximumf>, %select_n3A_281, %reduce_max3A_290 [0] : vector<64x1024xf32> to vector<1024xf32>
    %broadcast_in_dim3A_292 = vector.shape_cast %reduce_max3A_291 : vector<1024xf32> to vector<1x1024xf32>
    %ge3A_293 = vector.broadcast %broadcast_in_dim3A_292 : vector<1x1024xf32> to vector<64x1024xf32>
    %ge3A_294 = arith.cmpf oge, %select_n3A_281, %ge3A_293 : vector<64x1024xf32>
    %jit3A_295 = arith.constant 64 : i32
    %broadcast_in_dim3A_296 = vector.broadcast %jit3A_295 : i32 to vector<64x1024xi32>
    %select_n3A_297 = arith.select %ge3A_294, %iota3A_181, %broadcast_in_dim3A_296 : vector<64x1024xi1>, vector<64x1024xi32>
    %reduce_min3A_298 = arith.constant dense<2147483647> : vector<1024xi32>
    %reduce_min3A_299 = vector.multi_reduction <minsi>, %select_n3A_297, %reduce_min3A_298 [0] : vector<64x1024xi32> to vector<1024xi32>
    %broadcast_in_dim3A_300 = vector.shape_cast %reduce_min3A_299 : vector<1024xi32> to vector<1x1024xi32>
    %eq3A_301 = vector.broadcast %broadcast_in_dim3A_300 : vector<1x1024xi32> to vector<64x1024xi32>
    %eq3A_302 = arith.cmpi eq, %iota3A_181, %eq3A_301 : vector<64x1024xi32>
    %convert_element_type3A_303 = arith.extui %eq3A_302 : vector<64x1024xi1> to vector<64x1024xi32>
    %convert_element_type3A_304 = arith.sitofp %convert_element_type3A_303 : vector<64x1024xi32> to vector<64x1024xf32>
    %convert_element_type3A_305 = arith.truncf %convert_element_type3A_304 : vector<64x1024xf32> to vector<64x1024xbf16>
    %jit3A_306 = arith.constant -1.000000e+30 : f32
    %broadcast_in_dim3A_307 = vector.broadcast %jit3A_306 : f32 to vector<64x1024xf32>
    %select_n3A_308 = arith.select %eq3A_302, %broadcast_in_dim3A_307, %select_n3A_281 : vector<64x1024xi1>, vector<64x1024xf32>
    %dot_general3A_309 = arith.constant dense<0.000000e+00> : vector<24x1024xf32>
    %dot_general3A_310 = tpu.matmul %concatenate3A_164, %convert_element_type3A_305, %dot_general3A_309 {dimension_numbers = #tpu.dot_dimension_numbers<[1], [0], [0], [1], [0, 0, 1, 1], [], []>, transpose_lhs_hint = false} : vector<24x64xbf16>, vector<64x1024xbf16>, vector<24x1024xf32> -> vector<24x1024xf32>
    %slice3A_311 = vector.extract_strided_slice %dot_general3A_310 {offsets = [0, 0], sizes = [8, 1024], strides = [1, 1]} : vector<24x1024xf32> to vector<8x1024xf32>
    %add3A_312 = arith.addf %add3A_289, %slice3A_311 : vector<8x1024xf32>
    %slice3A_313 = vector.extract_strided_slice %dot_general3A_310 {offsets = [8, 0], sizes = [8, 1024], strides = [1, 1]} : vector<24x1024xf32> to vector<8x1024xf32>
    %add3A_314 = arith.addf %add3A_312, %slice3A_313 : vector<8x1024xf32>
    %slice3A_315 = vector.extract_strided_slice %dot_general3A_310 {offsets = [16, 0], sizes = [8, 1024], strides = [1, 1]} : vector<24x1024xf32> to vector<8x1024xf32>
    %add3A_316 = arith.addf %add3A_314, %slice3A_315 : vector<8x1024xf32>
    %reduce_max3A_317 = arith.constant dense<0xFF800000> : vector<1024xf32>
    %reduce_max3A_318 = vector.multi_reduction <maximumf>, %select_n3A_308, %reduce_max3A_317 [0] : vector<64x1024xf32> to vector<1024xf32>
    %broadcast_in_dim3A_319 = vector.shape_cast %reduce_max3A_318 : vector<1024xf32> to vector<1x1024xf32>
    %ge3A_320 = vector.broadcast %broadcast_in_dim3A_319 : vector<1x1024xf32> to vector<64x1024xf32>
    %ge3A_321 = arith.cmpf oge, %select_n3A_308, %ge3A_320 : vector<64x1024xf32>
    %jit3A_322 = arith.constant 64 : i32
    %broadcast_in_dim3A_323 = vector.broadcast %jit3A_322 : i32 to vector<64x1024xi32>
    %select_n3A_324 = arith.select %ge3A_321, %iota3A_181, %broadcast_in_dim3A_323 : vector<64x1024xi1>, vector<64x1024xi32>
    %reduce_min3A_325 = arith.constant dense<2147483647> : vector<1024xi32>
    %reduce_min3A_326 = vector.multi_reduction <minsi>, %select_n3A_324, %reduce_min3A_325 [0] : vector<64x1024xi32> to vector<1024xi32>
    %broadcast_in_dim3A_327 = vector.shape_cast %reduce_min3A_326 : vector<1024xi32> to vector<1x1024xi32>
    %eq3A_328 = vector.broadcast %broadcast_in_dim3A_327 : vector<1x1024xi32> to vector<64x1024xi32>
    %eq3A_329 = arith.cmpi eq, %iota3A_181, %eq3A_328 : vector<64x1024xi32>
    %convert_element_type3A_330 = arith.extui %eq3A_329 : vector<64x1024xi1> to vector<64x1024xi32>
    %convert_element_type3A_331 = arith.sitofp %convert_element_type3A_330 : vector<64x1024xi32> to vector<64x1024xf32>
    %convert_element_type3A_332 = arith.truncf %convert_element_type3A_331 : vector<64x1024xf32> to vector<64x1024xbf16>
    %jit3A_333 = arith.constant -1.000000e+30 : f32
    %broadcast_in_dim3A_334 = vector.broadcast %jit3A_333 : f32 to vector<64x1024xf32>
    %select_n3A_335 = arith.select %eq3A_329, %broadcast_in_dim3A_334, %select_n3A_308 : vector<64x1024xi1>, vector<64x1024xf32>
    %dot_general3A_336 = arith.constant dense<0.000000e+00> : vector<24x1024xf32>
    %dot_general3A_337 = tpu.matmul %concatenate3A_168, %convert_element_type3A_332, %dot_general3A_336 {dimension_numbers = #tpu.dot_dimension_numbers<[1], [0], [0], [1], [0, 0, 1, 1], [], []>, transpose_lhs_hint = false} : vector<24x64xbf16>, vector<64x1024xbf16>, vector<24x1024xf32> -> vector<24x1024xf32>
    %slice3A_338 = vector.extract_strided_slice %dot_general3A_337 {offsets = [0, 0], sizes = [8, 1024], strides = [1, 1]} : vector<24x1024xf32> to vector<8x1024xf32>
    %add3A_339 = arith.addf %add3A_316, %slice3A_338 : vector<8x1024xf32>
    %slice3A_340 = vector.extract_strided_slice %dot_general3A_337 {offsets = [8, 0], sizes = [8, 1024], strides = [1, 1]} : vector<24x1024xf32> to vector<8x1024xf32>
    %add3A_341 = arith.addf %add3A_339, %slice3A_340 : vector<8x1024xf32>
    %slice3A_342 = vector.extract_strided_slice %dot_general3A_337 {offsets = [16, 0], sizes = [8, 1024], strides = [1, 1]} : vector<24x1024xf32> to vector<8x1024xf32>
    %add3A_343 = arith.addf %add3A_341, %slice3A_342 : vector<8x1024xf32>
    %reduce_max3A_344 = arith.constant dense<0xFF800000> : vector<1024xf32>
    %reduce_max3A_345 = vector.multi_reduction <maximumf>, %select_n3A_335, %reduce_max3A_344 [0] : vector<64x1024xf32> to vector<1024xf32>
    %broadcast_in_dim3A_346 = vector.shape_cast %reduce_max3A_345 : vector<1024xf32> to vector<1x1024xf32>
    %ge3A_347 = vector.broadcast %broadcast_in_dim3A_346 : vector<1x1024xf32> to vector<64x1024xf32>
    %ge3A_348 = arith.cmpf oge, %select_n3A_335, %ge3A_347 : vector<64x1024xf32>
    %jit3A_349 = arith.constant 64 : i32
    %broadcast_in_dim3A_350 = vector.broadcast %jit3A_349 : i32 to vector<64x1024xi32>
    %select_n3A_351 = arith.select %ge3A_348, %iota3A_181, %broadcast_in_dim3A_350 : vector<64x1024xi1>, vector<64x1024xi32>
    %reduce_min3A_352 = arith.constant dense<2147483647> : vector<1024xi32>
    %reduce_min3A_353 = vector.multi_reduction <minsi>, %select_n3A_351, %reduce_min3A_352 [0] : vector<64x1024xi32> to vector<1024xi32>
    %broadcast_in_dim3A_354 = vector.shape_cast %reduce_min3A_353 : vector<1024xi32> to vector<1x1024xi32>
    %eq3A_355 = vector.broadcast %broadcast_in_dim3A_354 : vector<1x1024xi32> to vector<64x1024xi32>
    %eq3A_356 = arith.cmpi eq, %iota3A_181, %eq3A_355 : vector<64x1024xi32>
    %convert_element_type3A_357 = arith.extui %eq3A_356 : vector<64x1024xi1> to vector<64x1024xi32>
    %convert_element_type3A_358 = arith.sitofp %convert_element_type3A_357 : vector<64x1024xi32> to vector<64x1024xf32>
    %convert_element_type3A_359 = arith.truncf %convert_element_type3A_358 : vector<64x1024xf32> to vector<64x1024xbf16>
    %jit3A_360 = arith.constant -1.000000e+30 : f32
    %broadcast_in_dim3A_361 = vector.broadcast %jit3A_360 : f32 to vector<64x1024xf32>
    %select_n3A_362 = arith.select %eq3A_356, %broadcast_in_dim3A_361, %select_n3A_335 : vector<64x1024xi1>, vector<64x1024xf32>
    %dot_general3A_363 = arith.constant dense<0.000000e+00> : vector<24x1024xf32>
    %dot_general3A_364 = tpu.matmul %concatenate3A_172, %convert_element_type3A_359, %dot_general3A_363 {dimension_numbers = #tpu.dot_dimension_numbers<[1], [0], [0], [1], [0, 0, 1, 1], [], []>, transpose_lhs_hint = false} : vector<24x64xbf16>, vector<64x1024xbf16>, vector<24x1024xf32> -> vector<24x1024xf32>
    %slice3A_365 = vector.extract_strided_slice %dot_general3A_364 {offsets = [0, 0], sizes = [8, 1024], strides = [1, 1]} : vector<24x1024xf32> to vector<8x1024xf32>
    %add3A_366 = arith.addf %add3A_343, %slice3A_365 : vector<8x1024xf32>
    %slice3A_367 = vector.extract_strided_slice %dot_general3A_364 {offsets = [8, 0], sizes = [8, 1024], strides = [1, 1]} : vector<24x1024xf32> to vector<8x1024xf32>
    %add3A_368 = arith.addf %add3A_366, %slice3A_367 : vector<8x1024xf32>
    %slice3A_369 = vector.extract_strided_slice %dot_general3A_364 {offsets = [16, 0], sizes = [8, 1024], strides = [1, 1]} : vector<24x1024xf32> to vector<8x1024xf32>
    %add3A_370 = arith.addf %add3A_368, %slice3A_369 : vector<8x1024xf32>
    %reduce_max3A_371 = arith.constant dense<0xFF800000> : vector<1024xf32>
    %reduce_max3A_372 = vector.multi_reduction <maximumf>, %select_n3A_362, %reduce_max3A_371 [0] : vector<64x1024xf32> to vector<1024xf32>
    %broadcast_in_dim3A_373 = vector.shape_cast %reduce_max3A_372 : vector<1024xf32> to vector<1x1024xf32>
    %ge3A_374 = vector.broadcast %broadcast_in_dim3A_373 : vector<1x1024xf32> to vector<64x1024xf32>
    %ge3A_375 = arith.cmpf oge, %select_n3A_362, %ge3A_374 : vector<64x1024xf32>
    %jit3A_376 = arith.constant 64 : i32
    %broadcast_in_dim3A_377 = vector.broadcast %jit3A_376 : i32 to vector<64x1024xi32>
    %select_n3A_378 = arith.select %ge3A_375, %iota3A_181, %broadcast_in_dim3A_377 : vector<64x1024xi1>, vector<64x1024xi32>
    %reduce_min3A_379 = arith.constant dense<2147483647> : vector<1024xi32>
    %reduce_min3A_380 = vector.multi_reduction <minsi>, %select_n3A_378, %reduce_min3A_379 [0] : vector<64x1024xi32> to vector<1024xi32>
    %broadcast_in_dim3A_381 = vector.shape_cast %reduce_min3A_380 : vector<1024xi32> to vector<1x1024xi32>
    %eq3A_382 = vector.broadcast %broadcast_in_dim3A_381 : vector<1x1024xi32> to vector<64x1024xi32>
    %eq3A_383 = arith.cmpi eq, %iota3A_181, %eq3A_382 : vector<64x1024xi32>
    %convert_element_type3A_384 = arith.extui %eq3A_383 : vector<64x1024xi1> to vector<64x1024xi32>
    %convert_element_type3A_385 = arith.sitofp %convert_element_type3A_384 : vector<64x1024xi32> to vector<64x1024xf32>
    %convert_element_type3A_386 = arith.truncf %convert_element_type3A_385 : vector<64x1024xf32> to vector<64x1024xbf16>
    %jit3A_387 = arith.constant -1.000000e+30 : f32
    %broadcast_in_dim3A_388 = vector.broadcast %jit3A_387 : f32 to vector<64x1024xf32>
    %select_n3A_389 = arith.select %eq3A_383, %broadcast_in_dim3A_388, %select_n3A_362 : vector<64x1024xi1>, vector<64x1024xf32>
    %dot_general3A_390 = arith.constant dense<0.000000e+00> : vector<24x1024xf32>
    %dot_general3A_391 = tpu.matmul %concatenate3A_176, %convert_element_type3A_386, %dot_general3A_390 {dimension_numbers = #tpu.dot_dimension_numbers<[1], [0], [0], [1], [0, 0, 1, 1], [], []>, transpose_lhs_hint = false} : vector<24x64xbf16>, vector<64x1024xbf16>, vector<24x1024xf32> -> vector<24x1024xf32>
    %slice3A_392 = vector.extract_strided_slice %dot_general3A_391 {offsets = [0, 0], sizes = [8, 1024], strides = [1, 1]} : vector<24x1024xf32> to vector<8x1024xf32>
    %add3A_393 = arith.addf %add3A_370, %slice3A_392 : vector<8x1024xf32>
    %slice3A_394 = vector.extract_strided_slice %dot_general3A_391 {offsets = [8, 0], sizes = [8, 1024], strides = [1, 1]} : vector<24x1024xf32> to vector<8x1024xf32>
    %add3A_395 = arith.addf %add3A_393, %slice3A_394 : vector<8x1024xf32>
    %slice3A_396 = vector.extract_strided_slice %dot_general3A_391 {offsets = [16, 0], sizes = [8, 1024], strides = [1, 1]} : vector<24x1024xf32> to vector<8x1024xf32>
    %add3A_397 = arith.addf %add3A_395, %slice3A_396 : vector<8x1024xf32>
    %reduce_max3A_398 = arith.constant dense<0xFF800000> : vector<1024xf32>
    %reduce_max3A_399 = vector.multi_reduction <maximumf>, %select_n3A_389, %reduce_max3A_398 [0] : vector<64x1024xf32> to vector<1024xf32>
    %broadcast_in_dim3A_400 = vector.shape_cast %reduce_max3A_399 : vector<1024xf32> to vector<1x1024xf32>
    %ge3A_401 = vector.broadcast %broadcast_in_dim3A_400 : vector<1x1024xf32> to vector<64x1024xf32>
    %ge3A_402 = arith.cmpf oge, %select_n3A_389, %ge3A_401 : vector<64x1024xf32>
    %jit3A_403 = arith.constant 64 : i32
    %broadcast_in_dim3A_404 = vector.broadcast %jit3A_403 : i32 to vector<64x1024xi32>
    %select_n3A_405 = arith.select %ge3A_402, %iota3A_181, %broadcast_in_dim3A_404 : vector<64x1024xi1>, vector<64x1024xi32>
    %reduce_min3A_406 = arith.constant dense<2147483647> : vector<1024xi32>
    %reduce_min3A_407 = vector.multi_reduction <minsi>, %select_n3A_405, %reduce_min3A_406 [0] : vector<64x1024xi32> to vector<1024xi32>
    %broadcast_in_dim3A_408 = vector.shape_cast %reduce_min3A_407 : vector<1024xi32> to vector<1x1024xi32>
    %eq3A_409 = vector.broadcast %broadcast_in_dim3A_408 : vector<1x1024xi32> to vector<64x1024xi32>
    %eq3A_410 = arith.cmpi eq, %iota3A_181, %eq3A_409 : vector<64x1024xi32>
    %convert_element_type3A_411 = arith.extui %eq3A_410 : vector<64x1024xi1> to vector<64x1024xi32>
    %convert_element_type3A_412 = arith.sitofp %convert_element_type3A_411 : vector<64x1024xi32> to vector<64x1024xf32>
    %convert_element_type3A_413 = arith.truncf %convert_element_type3A_412 : vector<64x1024xf32> to vector<64x1024xbf16>
    %dot_general3A_414 = arith.constant dense<0.000000e+00> : vector<24x1024xf32>
    %dot_general3A_415 = tpu.matmul %concatenate3A_180, %convert_element_type3A_413, %dot_general3A_414 {dimension_numbers = #tpu.dot_dimension_numbers<[1], [0], [0], [1], [0, 0, 1, 1], [], []>, transpose_lhs_hint = false} : vector<24x64xbf16>, vector<64x1024xbf16>, vector<24x1024xf32> -> vector<24x1024xf32>
    %slice3A_416 = vector.extract_strided_slice %dot_general3A_415 {offsets = [0, 0], sizes = [8, 1024], strides = [1, 1]} : vector<24x1024xf32> to vector<8x1024xf32>
    %add3A_417 = arith.addf %add3A_397, %slice3A_416 : vector<8x1024xf32>
    %slice3A_418 = vector.extract_strided_slice %dot_general3A_415 {offsets = [8, 0], sizes = [8, 1024], strides = [1, 1]} : vector<24x1024xf32> to vector<8x1024xf32>
    %add3A_419 = arith.addf %add3A_417, %slice3A_418 : vector<8x1024xf32>
    %slice3A_420 = vector.extract_strided_slice %dot_general3A_415 {offsets = [16, 0], sizes = [8, 1024], strides = [1, 1]} : vector<24x1024xf32> to vector<8x1024xf32>
    %add3A_421 = arith.addf %add3A_419, %slice3A_420 : vector<8x1024xf32>
    %add3A_422 = vector.broadcast %get3A_15 : vector<8x1xf32> to vector<8x1024xf32>
    %add3A_423 = arith.addf %add3A_421, %add3A_422 : vector<8x1024xf32>
    %concatenate3A_424 = tpu.concatenate %add3A_99, %add3A_423 in 0 : vector<8x1024xf32>, vector<8x1024xf32> -> vector<16x1024xf32>
    %max3A = arith.constant 0.000000e+00 : f32
    %max3A_425 = vector.broadcast %max3A : f32 to vector<16x1024xf32>
    %max3A_426 = arith.maximumf %concatenate3A_424, %max3A_425 : vector<16x1024xf32>
    %get3A_427 = arith.constant 0 : index
    %get3A_428 = arith.constant 0 : index
    %get3A_429 = vector.load %arg6[%get3A_427, %get3A_428] : memref<16x144xf32, #tpu.memory_space<vmem>>, vector<16x144xf32>
    %get3A_430 = arith.constant 0 : index
    %get3A_431 = arith.constant 0 : index
    %get3A_432 = vector.load %arg7[%get3A_430, %get3A_431] : memref<16x1xf32, #tpu.memory_space<vmem>>, vector<16x1xf32>
    %get3A_433 = arith.constant 0 : index
    %get3A_434 = arith.constant 0 : index
    %get3A_435 = vector.load %arg8[%get3A_433, %get3A_434] : memref<144x16xf32, #tpu.memory_space<vmem>>, vector<144x16xf32>
    %get3A_436 = arith.constant 0 : index
    %get3A_437 = arith.constant 0 : index
    %get3A_438 = vector.load %arg9[%get3A_436, %get3A_437] : memref<16x1xf32, #tpu.memory_space<vmem>>, vector<16x1xf32>
    %get3A_439 = arith.constant 0 : index
    %get3A_440 = arith.constant 0 : index
    %get3A_441 = vector.load %arg11[%get3A_439, %get3A_440] : memref<1x64xi32, #tpu.memory_space<vmem>>, vector<1x64xi32>
    %iota3A_442 = tpu.iota {dimensions = array<i32: 1>} : vector<16x1024xi32>
    %jit3A_443 = arith.constant 32 : i32
    %eq3A_444 = arith.constant 0 : i32
    %eq3A_445 = arith.cmpi eq, %jit3A_443, %eq3A_444 : i32
    %jit3A_446 = arith.constant 1 : i32
    %select_n3A_447 = arith.select %eq3A_445, %jit3A_446, %jit3A_443 : i32
    %rem3A_448 = vector.broadcast %select_n3A_447 : i32 to vector<16x1024xi32>
    %rem3A_449 = arith.remsi %iota3A_442, %rem3A_448 : vector<16x1024xi32>
    %ne3A_450 = arith.constant 0 : i32
    %ne3A_451 = vector.broadcast %ne3A_450 : i32 to vector<16x1024xi32>
    %ne3A_452 = arith.cmpi ne, %rem3A_449, %ne3A_451 : vector<16x1024xi32>
    %lt3A_453 = arith.constant 0 : i32
    %lt3A_454 = vector.broadcast %lt3A_453 : i32 to vector<16x1024xi32>
    %lt3A_455 = arith.cmpi slt, %rem3A_449, %lt3A_454 : vector<16x1024xi32>
    %lt3A_456 = arith.constant 0 : i32
    %lt3A_457 = arith.cmpi slt, %select_n3A_447, %lt3A_456 : i32
    %ne3A_458 = vector.broadcast %lt3A_457 : i1 to vector<16x1024xi1>
    %ne3A_459 = vector.broadcast %ne3A_458 : vector<16x1024xi1> to vector<16x1024xi1>
    %ne3A_460 = arith.xori %lt3A_455, %ne3A_459 : vector<16x1024xi1>
    %and3A_461 = arith.andi %ne3A_460, %ne3A_452 : vector<16x1024xi1>
    %add3A_462 = vector.broadcast %select_n3A_447 : i32 to vector<16x1024xi32>
    %add3A_463 = arith.addi %rem3A_449, %add3A_462 : vector<16x1024xi32>
    %select_n3A_464 = arith.select %and3A_461, %add3A_463, %rem3A_449 : vector<16x1024xi1>, vector<16x1024xi32>
    %broadcast_in_dim3A_465 = arith.constant 0.000000e+00 : f32
    %broadcast_in_dim3A_466 = vector.broadcast %broadcast_in_dim3A_465 : f32 to vector<16x33xf32>
    %slice3A_467 = vector.extract_strided_slice %max3A_426 {offsets = [0, 0], sizes = [16, 991], strides = [1, 1]} : vector<16x1024xf32> to vector<16x991xf32>
    %concatenate3A_468 = tpu.concatenate %broadcast_in_dim3A_466, %slice3A_467 in 1 : vector<16x33xf32>, vector<16x991xf32> -> vector<16x1024xf32>
    %ge3A_469 = arith.constant 1 : i32
    %ge3A_470 = vector.broadcast %ge3A_469 : i32 to vector<16x1024xi32>
    %ge3A_471 = arith.cmpi sge, %select_n3A_464, %ge3A_470 : vector<16x1024xi32>
    %jit3A_472 = arith.constant 0.000000e+00 : f32
    %broadcast_in_dim3A_473 = vector.broadcast %jit3A_472 : f32 to vector<16x1024xf32>
    %select_n3A_474 = arith.select %ge3A_471, %concatenate3A_468, %broadcast_in_dim3A_473 : vector<16x1024xi1>, vector<16x1024xf32>
    %broadcast_in_dim3A_475 = arith.constant 0.000000e+00 : f32
    %broadcast_in_dim3A_476 = vector.broadcast %broadcast_in_dim3A_475 : f32 to vector<16x32xf32>
    %slice3A_477 = vector.extract_strided_slice %max3A_426 {offsets = [0, 0], sizes = [16, 992], strides = [1, 1]} : vector<16x1024xf32> to vector<16x992xf32>
    %concatenate3A_478 = tpu.concatenate %broadcast_in_dim3A_476, %slice3A_477 in 1 : vector<16x32xf32>, vector<16x992xf32> -> vector<16x1024xf32>
    %broadcast_in_dim3A_479 = arith.constant 0.000000e+00 : f32
    %broadcast_in_dim3A_480 = vector.broadcast %broadcast_in_dim3A_479 : f32 to vector<16x31xf32>
    %slice3A_481 = vector.extract_strided_slice %max3A_426 {offsets = [0, 0], sizes = [16, 993], strides = [1, 1]} : vector<16x1024xf32> to vector<16x993xf32>
    %concatenate3A_482 = tpu.concatenate %broadcast_in_dim3A_480, %slice3A_481 in 1 : vector<16x31xf32>, vector<16x993xf32> -> vector<16x1024xf32>
    %le3A_483 = arith.constant 30 : i32
    %le3A_484 = vector.broadcast %le3A_483 : i32 to vector<16x1024xi32>
    %le3A_485 = arith.cmpi sle, %select_n3A_464, %le3A_484 : vector<16x1024xi32>
    %jit3A_486 = arith.constant 0.000000e+00 : f32
    %broadcast_in_dim3A_487 = vector.broadcast %jit3A_486 : f32 to vector<16x1024xf32>
    %select_n3A_488 = arith.select %le3A_485, %concatenate3A_482, %broadcast_in_dim3A_487 : vector<16x1024xi1>, vector<16x1024xf32>
    %broadcast_in_dim3A_489 = arith.constant 0.000000e+00 : f32
    %broadcast_in_dim3A_490 = vector.broadcast %broadcast_in_dim3A_489 : f32 to vector<16x1xf32>
    %slice3A_491 = vector.extract_strided_slice %max3A_426 {offsets = [0, 0], sizes = [16, 1023], strides = [1, 1]} : vector<16x1024xf32> to vector<16x1023xf32>
    %concatenate3A_492 = tpu.concatenate %broadcast_in_dim3A_490, %slice3A_491 in 1 : vector<16x1xf32>, vector<16x1023xf32> -> vector<16x1024xf32>
    %ge3A_493 = arith.constant 1 : i32
    %ge3A_494 = vector.broadcast %ge3A_493 : i32 to vector<16x1024xi32>
    %ge3A_495 = arith.cmpi sge, %select_n3A_464, %ge3A_494 : vector<16x1024xi32>
    %jit3A_496 = arith.constant 0.000000e+00 : f32
    %broadcast_in_dim3A_497 = vector.broadcast %jit3A_496 : f32 to vector<16x1024xf32>
    %select_n3A_498 = arith.select %ge3A_495, %concatenate3A_492, %broadcast_in_dim3A_497 : vector<16x1024xi1>, vector<16x1024xf32>
    %slice3A_499 = vector.extract_strided_slice %max3A_426 {offsets = [0, 1], sizes = [16, 1023], strides = [1, 1]} : vector<16x1024xf32> to vector<16x1023xf32>
    %broadcast_in_dim3A_500 = arith.constant 0.000000e+00 : f32
    %broadcast_in_dim3A_501 = vector.broadcast %broadcast_in_dim3A_500 : f32 to vector<16x1xf32>
    %concatenate3A_502 = tpu.concatenate %slice3A_499, %broadcast_in_dim3A_501 in 1 : vector<16x1023xf32>, vector<16x1xf32> -> vector<16x1024xf32>
    %le3A_503 = arith.constant 30 : i32
    %le3A_504 = vector.broadcast %le3A_503 : i32 to vector<16x1024xi32>
    %le3A_505 = arith.cmpi sle, %select_n3A_464, %le3A_504 : vector<16x1024xi32>
    %jit3A_506 = arith.constant 0.000000e+00 : f32
    %broadcast_in_dim3A_507 = vector.broadcast %jit3A_506 : f32 to vector<16x1024xf32>
    %select_n3A_508 = arith.select %le3A_505, %concatenate3A_502, %broadcast_in_dim3A_507 : vector<16x1024xi1>, vector<16x1024xf32>
    %slice3A_509 = vector.extract_strided_slice %max3A_426 {offsets = [0, 31], sizes = [16, 993], strides = [1, 1]} : vector<16x1024xf32> to vector<16x993xf32>
    %broadcast_in_dim3A_510 = arith.constant 0.000000e+00 : f32
    %broadcast_in_dim3A_511 = vector.broadcast %broadcast_in_dim3A_510 : f32 to vector<16x31xf32>
    %concatenate3A_512 = tpu.concatenate %slice3A_509, %broadcast_in_dim3A_511 in 1 : vector<16x993xf32>, vector<16x31xf32> -> vector<16x1024xf32>
    %ge3A_513 = arith.constant 1 : i32
    %ge3A_514 = vector.broadcast %ge3A_513 : i32 to vector<16x1024xi32>
    %ge3A_515 = arith.cmpi sge, %select_n3A_464, %ge3A_514 : vector<16x1024xi32>
    %jit3A_516 = arith.constant 0.000000e+00 : f32
    %broadcast_in_dim3A_517 = vector.broadcast %jit3A_516 : f32 to vector<16x1024xf32>
    %select_n3A_518 = arith.select %ge3A_515, %concatenate3A_512, %broadcast_in_dim3A_517 : vector<16x1024xi1>, vector<16x1024xf32>
    %slice3A_519 = vector.extract_strided_slice %max3A_426 {offsets = [0, 32], sizes = [16, 992], strides = [1, 1]} : vector<16x1024xf32> to vector<16x992xf32>
    %broadcast_in_dim3A_520 = arith.constant 0.000000e+00 : f32
    %broadcast_in_dim3A_521 = vector.broadcast %broadcast_in_dim3A_520 : f32 to vector<16x32xf32>
    %concatenate3A_522 = tpu.concatenate %slice3A_519, %broadcast_in_dim3A_521 in 1 : vector<16x992xf32>, vector<16x32xf32> -> vector<16x1024xf32>
    %slice3A_523 = vector.extract_strided_slice %max3A_426 {offsets = [0, 33], sizes = [16, 991], strides = [1, 1]} : vector<16x1024xf32> to vector<16x991xf32>
    %broadcast_in_dim3A_524 = arith.constant 0.000000e+00 : f32
    %broadcast_in_dim3A_525 = vector.broadcast %broadcast_in_dim3A_524 : f32 to vector<16x33xf32>
    %concatenate3A_526 = tpu.concatenate %slice3A_523, %broadcast_in_dim3A_525 in 1 : vector<16x991xf32>, vector<16x33xf32> -> vector<16x1024xf32>
    %le3A_527 = arith.constant 30 : i32
    %le3A_528 = vector.broadcast %le3A_527 : i32 to vector<16x1024xi32>
    %le3A_529 = arith.cmpi sle, %select_n3A_464, %le3A_528 : vector<16x1024xi32>
    %jit3A_530 = arith.constant 0.000000e+00 : f32
    %broadcast_in_dim3A_531 = vector.broadcast %jit3A_530 : f32 to vector<16x1024xf32>
    %select_n3A_532 = arith.select %le3A_529, %concatenate3A_526, %broadcast_in_dim3A_531 : vector<16x1024xi1>, vector<16x1024xf32>
    %concatenate3A_533 = tpu.concatenate %select_n3A_474, %concatenate3A_478, %select_n3A_488, %select_n3A_498, %max3A_426, %select_n3A_508, %select_n3A_518, %concatenate3A_522, %select_n3A_532 in 0 : vector<16x1024xf32>, vector<16x1024xf32>, vector<16x1024xf32>, vector<16x1024xf32>, vector<16x1024xf32>, vector<16x1024xf32>, vector<16x1024xf32>, vector<16x1024xf32>, vector<16x1024xf32> -> vector<144x1024xf32>
    %dot_general3A_534 = arith.constant dense<0.000000e+00> : vector<16x1024xf32>
    %dot_general3A_535 = tpu.matmul %get3A_429, %concatenate3A_533, %dot_general3A_534 {dimension_numbers = #tpu.dot_dimension_numbers<[1], [0], [0], [1], [0, 0, 1, 1], [], []>, transpose_lhs_hint = false} : vector<16x144xf32>, vector<144x1024xf32>, vector<16x1024xf32> -> vector<16x1024xf32>
    %add3A_536 = vector.broadcast %get3A_432 : vector<16x1xf32> to vector<16x1024xf32>
    %add3A_537 = arith.addf %dot_general3A_535, %add3A_536 : vector<16x1024xf32>
    %iota3A_538 = tpu.iota {dimensions = array<i32: 0>} : vector<1024x64xi32>
    %eq3A_539 = vector.broadcast %get3A_441 : vector<1x64xi32> to vector<1024x64xi32>
    %eq3A_540 = arith.cmpi eq, %iota3A_538, %eq3A_539 : vector<1024x64xi32>
    %convert_element_type3A_541 = arith.extui %eq3A_540 : vector<1024x64xi1> to vector<1024x64xi32>
    %convert_element_type3A_542 = arith.sitofp %convert_element_type3A_541 : vector<1024x64xi32> to vector<1024x64xf32>
    %convert_element_type3A_543 = arith.truncf %convert_element_type3A_542 : vector<1024x64xf32> to vector<1024x64xbf16>
    %convert_element_type3A_544 = arith.truncf %max3A_426 : vector<16x1024xf32> to vector<16x1024xbf16>
    %convert_element_type3A_545 = arith.extf %convert_element_type3A_544 : vector<16x1024xbf16> to vector<16x1024xf32>
    %sub3A_546 = arith.subf %max3A_426, %convert_element_type3A_545 : vector<16x1024xf32>
    %convert_element_type3A_547 = arith.truncf %sub3A_546 : vector<16x1024xf32> to vector<16x1024xbf16>
    %convert_element_type3A_548 = arith.extf %convert_element_type3A_547 : vector<16x1024xbf16> to vector<16x1024xf32>
    %sub3A_549 = arith.subf %sub3A_546, %convert_element_type3A_548 : vector<16x1024xf32>
    %convert_element_type3A_550 = arith.truncf %sub3A_549 : vector<16x1024xf32> to vector<16x1024xbf16>
    %dot_general3A_551 = arith.constant dense<0.000000e+00> : vector<16x64xf32>
    %dot_general3A_552 = tpu.matmul %convert_element_type3A_544, %convert_element_type3A_543, %dot_general3A_551 {dimension_numbers = #tpu.dot_dimension_numbers<[1], [0], [0], [1], [0, 0, 1, 1], [], []>, transpose_lhs_hint = false} : vector<16x1024xbf16>, vector<1024x64xbf16>, vector<16x64xf32> -> vector<16x64xf32>
    %dot_general3A_553 = arith.constant dense<0.000000e+00> : vector<16x64xf32>
    %dot_general3A_554 = tpu.matmul %convert_element_type3A_547, %convert_element_type3A_543, %dot_general3A_553 {dimension_numbers = #tpu.dot_dimension_numbers<[1], [0], [0], [1], [0, 0, 1, 1], [], []>, transpose_lhs_hint = false} : vector<16x1024xbf16>, vector<1024x64xbf16>, vector<16x64xf32> -> vector<16x64xf32>
    %add3A_555 = arith.addf %dot_general3A_552, %dot_general3A_554 : vector<16x64xf32>
    %dot_general3A_556 = arith.constant dense<0.000000e+00> : vector<16x64xf32>
    %dot_general3A_557 = tpu.matmul %convert_element_type3A_550, %convert_element_type3A_543, %dot_general3A_556 {dimension_numbers = #tpu.dot_dimension_numbers<[1], [0], [0], [1], [0, 0, 1, 1], [], []>, transpose_lhs_hint = false} : vector<16x1024xbf16>, vector<1024x64xbf16>, vector<16x64xf32> -> vector<16x64xf32>
    %add3A_558 = arith.addf %add3A_555, %dot_general3A_557 : vector<16x64xf32>
    %transpose3A_559 = tpu.transpose %add3A_558, [1, 0] : vector<16x64xf32> -> vector<64x16xf32>
    %mul3A_560 = arith.mulf %max3A_426, %max3A_426 : vector<16x1024xf32>
    %reduce_sum3A_561 = arith.constant dense<0.000000e+00> : vector<1024xf32>
    %reduce_sum3A_562 = vector.multi_reduction <add>, %mul3A_560, %reduce_sum3A_561 [0] : vector<16x1024xf32> to vector<1024xf32>
    %broadcast_in_dim3A_563 = vector.shape_cast %reduce_sum3A_562 : vector<1024xf32> to vector<1x1024xf32>
    %mul3A_564 = arith.mulf %transpose3A_559, %transpose3A_559 : vector<64x16xf32>
    %reduce_sum3A_565 = arith.constant dense<0.000000e+00> : vector<64xf32>
    %reduce_sum3A_566 = vector.multi_reduction <add>, %mul3A_564, %reduce_sum3A_565 [1] : vector<64x16xf32> to vector<64xf32>
    %broadcast_in_dim3A_567 = vector.shape_cast %reduce_sum3A_566 : vector<64xf32> to vector<64x1xf32>
    %dot_general3A_568 = arith.constant dense<0.000000e+00> : vector<64x1024xf32>
    %dot_general3A_569 = tpu.matmul %transpose3A_559, %max3A_426, %dot_general3A_568 {dimension_numbers = #tpu.dot_dimension_numbers<[1], [0], [0], [1], [0, 0, 1, 1], [], []>, transpose_lhs_hint = false} : vector<64x16xf32>, vector<16x1024xf32>, vector<64x1024xf32> -> vector<64x1024xf32>
    %mul3A_570 = arith.constant 2.000000e+00 : f32
    %mul3A_571 = vector.broadcast %mul3A_570 : f32 to vector<64x1024xf32>
    %mul3A_572 = arith.mulf %mul3A_571, %dot_general3A_569 : vector<64x1024xf32>
    %sub3A_573 = vector.broadcast %broadcast_in_dim3A_563 : vector<1x1024xf32> to vector<64x1024xf32>
    %sub3A_574 = arith.subf %sub3A_573, %mul3A_572 : vector<64x1024xf32>
    %add3A_575 = vector.broadcast %broadcast_in_dim3A_567 : vector<64x1xf32> to vector<64x1024xf32>
    %add3A_576 = arith.addf %sub3A_574, %add3A_575 : vector<64x1024xf32>
    %neg3A_577 = arith.constant 0.000000e+00 : f32
    %neg3A_578 = vector.broadcast %neg3A_577 : f32 to vector<64x1024xf32>
    %neg3A_579 = arith.subf %neg3A_578, %add3A_576 : vector<64x1024xf32>
    %dot_general3A_580 = arith.constant dense<0.000000e+00> : vector<144x64xf32>
    %dot_general3A_581 = tpu.matmul %get3A_435, %add3A_558, %dot_general3A_580 {dimension_numbers = #tpu.dot_dimension_numbers<[1], [0], [0], [1], [0, 0, 1, 1], [], []>, transpose_lhs_hint = false} : vector<144x16xf32>, vector<16x64xf32>, vector<144x64xf32> -> vector<144x64xf32>
    %convert_element_type3A_582 = arith.truncf %dot_general3A_581 : vector<144x64xf32> to vector<144x64xbf16>
    %convert_element_type3A_583 = arith.extf %convert_element_type3A_582 : vector<144x64xbf16> to vector<144x64xf32>
    %sub3A_584 = arith.subf %dot_general3A_581, %convert_element_type3A_583 : vector<144x64xf32>
    %convert_element_type3A_585 = arith.truncf %sub3A_584 : vector<144x64xf32> to vector<144x64xbf16>
    %convert_element_type3A_586 = arith.extf %convert_element_type3A_585 : vector<144x64xbf16> to vector<144x64xf32>
    %sub3A_587 = arith.subf %sub3A_584, %convert_element_type3A_586 : vector<144x64xf32>
    %convert_element_type3A_588 = arith.truncf %sub3A_587 : vector<144x64xf32> to vector<144x64xbf16>
    %slice3A_589 = vector.extract_strided_slice %convert_element_type3A_582 {offsets = [0, 0], sizes = [16, 64], strides = [1, 1]} : vector<144x64xbf16> to vector<16x64xbf16>
    %slice3A_590 = vector.extract_strided_slice %convert_element_type3A_585 {offsets = [0, 0], sizes = [16, 64], strides = [1, 1]} : vector<144x64xbf16> to vector<16x64xbf16>
    %slice3A_591 = vector.extract_strided_slice %convert_element_type3A_588 {offsets = [0, 0], sizes = [16, 64], strides = [1, 1]} : vector<144x64xbf16> to vector<16x64xbf16>
    %concatenate3A_592 = tpu.concatenate %slice3A_589, %slice3A_590, %slice3A_591 in 0 : vector<16x64xbf16>, vector<16x64xbf16>, vector<16x64xbf16> -> vector<48x64xbf16>
    %slice3A_593 = vector.extract_strided_slice %convert_element_type3A_582 {offsets = [16, 0], sizes = [16, 64], strides = [1, 1]} : vector<144x64xbf16> to vector<16x64xbf16>
    %slice3A_594 = vector.extract_strided_slice %convert_element_type3A_585 {offsets = [16, 0], sizes = [16, 64], strides = [1, 1]} : vector<144x64xbf16> to vector<16x64xbf16>
    %slice3A_595 = vector.extract_strided_slice %convert_element_type3A_588 {offsets = [16, 0], sizes = [16, 64], strides = [1, 1]} : vector<144x64xbf16> to vector<16x64xbf16>
    %concatenate3A_596 = tpu.concatenate %slice3A_593, %slice3A_594, %slice3A_595 in 0 : vector<16x64xbf16>, vector<16x64xbf16>, vector<16x64xbf16> -> vector<48x64xbf16>
    %slice3A_597 = vector.extract_strided_slice %convert_element_type3A_582 {offsets = [32, 0], sizes = [16, 64], strides = [1, 1]} : vector<144x64xbf16> to vector<16x64xbf16>
    %slice3A_598 = vector.extract_strided_slice %convert_element_type3A_585 {offsets = [32, 0], sizes = [16, 64], strides = [1, 1]} : vector<144x64xbf16> to vector<16x64xbf16>
    %slice3A_599 = vector.extract_strided_slice %convert_element_type3A_588 {offsets = [32, 0], sizes = [16, 64], strides = [1, 1]} : vector<144x64xbf16> to vector<16x64xbf16>
    %concatenate3A_600 = tpu.concatenate %slice3A_597, %slice3A_598, %slice3A_599 in 0 : vector<16x64xbf16>, vector<16x64xbf16>, vector<16x64xbf16> -> vector<48x64xbf16>
    %slice3A_601 = vector.extract_strided_slice %convert_element_type3A_582 {offsets = [48, 0], sizes = [16, 64], strides = [1, 1]} : vector<144x64xbf16> to vector<16x64xbf16>
    %slice3A_602 = vector.extract_strided_slice %convert_element_type3A_585 {offsets = [48, 0], sizes = [16, 64], strides = [1, 1]} : vector<144x64xbf16> to vector<16x64xbf16>
    %slice3A_603 = vector.extract_strided_slice %convert_element_type3A_588 {offsets = [48, 0], sizes = [16, 64], strides = [1, 1]} : vector<144x64xbf16> to vector<16x64xbf16>
    %concatenate3A_604 = tpu.concatenate %slice3A_601, %slice3A_602, %slice3A_603 in 0 : vector<16x64xbf16>, vector<16x64xbf16>, vector<16x64xbf16> -> vector<48x64xbf16>
    %slice3A_605 = vector.extract_strided_slice %convert_element_type3A_582 {offsets = [64, 0], sizes = [16, 64], strides = [1, 1]} : vector<144x64xbf16> to vector<16x64xbf16>
    %slice3A_606 = vector.extract_strided_slice %convert_element_type3A_585 {offsets = [64, 0], sizes = [16, 64], strides = [1, 1]} : vector<144x64xbf16> to vector<16x64xbf16>
    %slice3A_607 = vector.extract_strided_slice %convert_element_type3A_588 {offsets = [64, 0], sizes = [16, 64], strides = [1, 1]} : vector<144x64xbf16> to vector<16x64xbf16>
    %concatenate3A_608 = tpu.concatenate %slice3A_605, %slice3A_606, %slice3A_607 in 0 : vector<16x64xbf16>, vector<16x64xbf16>, vector<16x64xbf16> -> vector<48x64xbf16>
    %slice3A_609 = vector.extract_strided_slice %convert_element_type3A_582 {offsets = [80, 0], sizes = [16, 64], strides = [1, 1]} : vector<144x64xbf16> to vector<16x64xbf16>
    %slice3A_610 = vector.extract_strided_slice %convert_element_type3A_585 {offsets = [80, 0], sizes = [16, 64], strides = [1, 1]} : vector<144x64xbf16> to vector<16x64xbf16>
    %slice3A_611 = vector.extract_strided_slice %convert_element_type3A_588 {offsets = [80, 0], sizes = [16, 64], strides = [1, 1]} : vector<144x64xbf16> to vector<16x64xbf16>
    %concatenate3A_612 = tpu.concatenate %slice3A_609, %slice3A_610, %slice3A_611 in 0 : vector<16x64xbf16>, vector<16x64xbf16>, vector<16x64xbf16> -> vector<48x64xbf16>
    %slice3A_613 = vector.extract_strided_slice %convert_element_type3A_582 {offsets = [96, 0], sizes = [16, 64], strides = [1, 1]} : vector<144x64xbf16> to vector<16x64xbf16>
    %slice3A_614 = vector.extract_strided_slice %convert_element_type3A_585 {offsets = [96, 0], sizes = [16, 64], strides = [1, 1]} : vector<144x64xbf16> to vector<16x64xbf16>
    %slice3A_615 = vector.extract_strided_slice %convert_element_type3A_588 {offsets = [96, 0], sizes = [16, 64], strides = [1, 1]} : vector<144x64xbf16> to vector<16x64xbf16>
    %concatenate3A_616 = tpu.concatenate %slice3A_613, %slice3A_614, %slice3A_615 in 0 : vector<16x64xbf16>, vector<16x64xbf16>, vector<16x64xbf16> -> vector<48x64xbf16>
    %slice3A_617 = vector.extract_strided_slice %convert_element_type3A_582 {offsets = [112, 0], sizes = [16, 64], strides = [1, 1]} : vector<144x64xbf16> to vector<16x64xbf16>
    %slice3A_618 = vector.extract_strided_slice %convert_element_type3A_585 {offsets = [112, 0], sizes = [16, 64], strides = [1, 1]} : vector<144x64xbf16> to vector<16x64xbf16>
    %slice3A_619 = vector.extract_strided_slice %convert_element_type3A_588 {offsets = [112, 0], sizes = [16, 64], strides = [1, 1]} : vector<144x64xbf16> to vector<16x64xbf16>
    %concatenate3A_620 = tpu.concatenate %slice3A_617, %slice3A_618, %slice3A_619 in 0 : vector<16x64xbf16>, vector<16x64xbf16>, vector<16x64xbf16> -> vector<48x64xbf16>
    %slice3A_621 = vector.extract_strided_slice %convert_element_type3A_582 {offsets = [128, 0], sizes = [16, 64], strides = [1, 1]} : vector<144x64xbf16> to vector<16x64xbf16>
    %slice3A_622 = vector.extract_strided_slice %convert_element_type3A_585 {offsets = [128, 0], sizes = [16, 64], strides = [1, 1]} : vector<144x64xbf16> to vector<16x64xbf16>
    %slice3A_623 = vector.extract_strided_slice %convert_element_type3A_588 {offsets = [128, 0], sizes = [16, 64], strides = [1, 1]} : vector<144x64xbf16> to vector<16x64xbf16>
    %concatenate3A_624 = tpu.concatenate %slice3A_621, %slice3A_622, %slice3A_623 in 0 : vector<16x64xbf16>, vector<16x64xbf16>, vector<16x64xbf16> -> vector<48x64xbf16>
    %iota3A_625 = tpu.iota {dimensions = array<i32: 0>} : vector<64x1024xi32>
    %broadcast_in_dim3A_626 = arith.constant 0.000000e+00 : f32
    %broadcast_in_dim3A_627 = vector.broadcast %broadcast_in_dim3A_626 : f32 to vector<16x1024xf32>
    %reduce_max3A_628 = arith.constant dense<0xFF800000> : vector<1024xf32>
    %reduce_max3A_629 = vector.multi_reduction <maximumf>, %neg3A_579, %reduce_max3A_628 [0] : vector<64x1024xf32> to vector<1024xf32>
    %broadcast_in_dim3A_630 = vector.shape_cast %reduce_max3A_629 : vector<1024xf32> to vector<1x1024xf32>
    %ge3A_631 = vector.broadcast %broadcast_in_dim3A_630 : vector<1x1024xf32> to vector<64x1024xf32>
    %ge3A_632 = arith.cmpf oge, %neg3A_579, %ge3A_631 : vector<64x1024xf32>
    %jit3A_633 = arith.constant 64 : i32
    %broadcast_in_dim3A_634 = vector.broadcast %jit3A_633 : i32 to vector<64x1024xi32>
    %select_n3A_635 = arith.select %ge3A_632, %iota3A_625, %broadcast_in_dim3A_634 : vector<64x1024xi1>, vector<64x1024xi32>
    %reduce_min3A_636 = arith.constant dense<2147483647> : vector<1024xi32>
    %reduce_min3A_637 = vector.multi_reduction <minsi>, %select_n3A_635, %reduce_min3A_636 [0] : vector<64x1024xi32> to vector<1024xi32>
    %broadcast_in_dim3A_638 = vector.shape_cast %reduce_min3A_637 : vector<1024xi32> to vector<1x1024xi32>
    %eq3A_639 = vector.broadcast %broadcast_in_dim3A_638 : vector<1x1024xi32> to vector<64x1024xi32>
    %eq3A_640 = arith.cmpi eq, %iota3A_625, %eq3A_639 : vector<64x1024xi32>
    %convert_element_type3A_641 = arith.extui %eq3A_640 : vector<64x1024xi1> to vector<64x1024xi32>
    %convert_element_type3A_642 = arith.sitofp %convert_element_type3A_641 : vector<64x1024xi32> to vector<64x1024xf32>
    %convert_element_type3A_643 = arith.truncf %convert_element_type3A_642 : vector<64x1024xf32> to vector<64x1024xbf16>
    %jit3A_644 = arith.constant -1.000000e+30 : f32
    %broadcast_in_dim3A_645 = vector.broadcast %jit3A_644 : f32 to vector<64x1024xf32>
    %select_n3A_646 = arith.select %eq3A_640, %broadcast_in_dim3A_645, %neg3A_579 : vector<64x1024xi1>, vector<64x1024xf32>
    %dot_general3A_647 = arith.constant dense<0.000000e+00> : vector<48x1024xf32>
    %dot_general3A_648 = tpu.matmul %concatenate3A_592, %convert_element_type3A_643, %dot_general3A_647 {dimension_numbers = #tpu.dot_dimension_numbers<[1], [0], [0], [1], [0, 0, 1, 1], [], []>, transpose_lhs_hint = false} : vector<48x64xbf16>, vector<64x1024xbf16>, vector<48x1024xf32> -> vector<48x1024xf32>
    %slice3A_649 = vector.extract_strided_slice %dot_general3A_648 {offsets = [0, 0], sizes = [16, 1024], strides = [1, 1]} : vector<48x1024xf32> to vector<16x1024xf32>
    %add3A_650 = arith.addf %broadcast_in_dim3A_627, %slice3A_649 : vector<16x1024xf32>
    %slice3A_651 = vector.extract_strided_slice %dot_general3A_648 {offsets = [16, 0], sizes = [16, 1024], strides = [1, 1]} : vector<48x1024xf32> to vector<16x1024xf32>
    %add3A_652 = arith.addf %add3A_650, %slice3A_651 : vector<16x1024xf32>
    %slice3A_653 = vector.extract_strided_slice %dot_general3A_648 {offsets = [32, 0], sizes = [16, 1024], strides = [1, 1]} : vector<48x1024xf32> to vector<16x1024xf32>
    %add3A_654 = arith.addf %add3A_652, %slice3A_653 : vector<16x1024xf32>
    %reduce_max3A_655 = arith.constant dense<0xFF800000> : vector<1024xf32>
    %reduce_max3A_656 = vector.multi_reduction <maximumf>, %select_n3A_646, %reduce_max3A_655 [0] : vector<64x1024xf32> to vector<1024xf32>
    %broadcast_in_dim3A_657 = vector.shape_cast %reduce_max3A_656 : vector<1024xf32> to vector<1x1024xf32>
    %ge3A_658 = vector.broadcast %broadcast_in_dim3A_657 : vector<1x1024xf32> to vector<64x1024xf32>
    %ge3A_659 = arith.cmpf oge, %select_n3A_646, %ge3A_658 : vector<64x1024xf32>
    %jit3A_660 = arith.constant 64 : i32
    %broadcast_in_dim3A_661 = vector.broadcast %jit3A_660 : i32 to vector<64x1024xi32>
    %select_n3A_662 = arith.select %ge3A_659, %iota3A_625, %broadcast_in_dim3A_661 : vector<64x1024xi1>, vector<64x1024xi32>
    %reduce_min3A_663 = arith.constant dense<2147483647> : vector<1024xi32>
    %reduce_min3A_664 = vector.multi_reduction <minsi>, %select_n3A_662, %reduce_min3A_663 [0] : vector<64x1024xi32> to vector<1024xi32>
    %broadcast_in_dim3A_665 = vector.shape_cast %reduce_min3A_664 : vector<1024xi32> to vector<1x1024xi32>
    %eq3A_666 = vector.broadcast %broadcast_in_dim3A_665 : vector<1x1024xi32> to vector<64x1024xi32>
    %eq3A_667 = arith.cmpi eq, %iota3A_625, %eq3A_666 : vector<64x1024xi32>
    %convert_element_type3A_668 = arith.extui %eq3A_667 : vector<64x1024xi1> to vector<64x1024xi32>
    %convert_element_type3A_669 = arith.sitofp %convert_element_type3A_668 : vector<64x1024xi32> to vector<64x1024xf32>
    %convert_element_type3A_670 = arith.truncf %convert_element_type3A_669 : vector<64x1024xf32> to vector<64x1024xbf16>
    %jit3A_671 = arith.constant -1.000000e+30 : f32
    %broadcast_in_dim3A_672 = vector.broadcast %jit3A_671 : f32 to vector<64x1024xf32>
    %select_n3A_673 = arith.select %eq3A_667, %broadcast_in_dim3A_672, %select_n3A_646 : vector<64x1024xi1>, vector<64x1024xf32>
    %dot_general3A_674 = arith.constant dense<0.000000e+00> : vector<48x1024xf32>
    %dot_general3A_675 = tpu.matmul %concatenate3A_596, %convert_element_type3A_670, %dot_general3A_674 {dimension_numbers = #tpu.dot_dimension_numbers<[1], [0], [0], [1], [0, 0, 1, 1], [], []>, transpose_lhs_hint = false} : vector<48x64xbf16>, vector<64x1024xbf16>, vector<48x1024xf32> -> vector<48x1024xf32>
    %slice3A_676 = vector.extract_strided_slice %dot_general3A_675 {offsets = [0, 0], sizes = [16, 1024], strides = [1, 1]} : vector<48x1024xf32> to vector<16x1024xf32>
    %add3A_677 = arith.addf %add3A_654, %slice3A_676 : vector<16x1024xf32>
    %slice3A_678 = vector.extract_strided_slice %dot_general3A_675 {offsets = [16, 0], sizes = [16, 1024], strides = [1, 1]} : vector<48x1024xf32> to vector<16x1024xf32>
    %add3A_679 = arith.addf %add3A_677, %slice3A_678 : vector<16x1024xf32>
    %slice3A_680 = vector.extract_strided_slice %dot_general3A_675 {offsets = [32, 0], sizes = [16, 1024], strides = [1, 1]} : vector<48x1024xf32> to vector<16x1024xf32>
    %add3A_681 = arith.addf %add3A_679, %slice3A_680 : vector<16x1024xf32>
    %reduce_max3A_682 = arith.constant dense<0xFF800000> : vector<1024xf32>
    %reduce_max3A_683 = vector.multi_reduction <maximumf>, %select_n3A_673, %reduce_max3A_682 [0] : vector<64x1024xf32> to vector<1024xf32>
    %broadcast_in_dim3A_684 = vector.shape_cast %reduce_max3A_683 : vector<1024xf32> to vector<1x1024xf32>
    %ge3A_685 = vector.broadcast %broadcast_in_dim3A_684 : vector<1x1024xf32> to vector<64x1024xf32>
    %ge3A_686 = arith.cmpf oge, %select_n3A_673, %ge3A_685 : vector<64x1024xf32>
    %jit3A_687 = arith.constant 64 : i32
    %broadcast_in_dim3A_688 = vector.broadcast %jit3A_687 : i32 to vector<64x1024xi32>
    %select_n3A_689 = arith.select %ge3A_686, %iota3A_625, %broadcast_in_dim3A_688 : vector<64x1024xi1>, vector<64x1024xi32>
    %reduce_min3A_690 = arith.constant dense<2147483647> : vector<1024xi32>
    %reduce_min3A_691 = vector.multi_reduction <minsi>, %select_n3A_689, %reduce_min3A_690 [0] : vector<64x1024xi32> to vector<1024xi32>
    %broadcast_in_dim3A_692 = vector.shape_cast %reduce_min3A_691 : vector<1024xi32> to vector<1x1024xi32>
    %eq3A_693 = vector.broadcast %broadcast_in_dim3A_692 : vector<1x1024xi32> to vector<64x1024xi32>
    %eq3A_694 = arith.cmpi eq, %iota3A_625, %eq3A_693 : vector<64x1024xi32>
    %convert_element_type3A_695 = arith.extui %eq3A_694 : vector<64x1024xi1> to vector<64x1024xi32>
    %convert_element_type3A_696 = arith.sitofp %convert_element_type3A_695 : vector<64x1024xi32> to vector<64x1024xf32>
    %convert_element_type3A_697 = arith.truncf %convert_element_type3A_696 : vector<64x1024xf32> to vector<64x1024xbf16>
    %jit3A_698 = arith.constant -1.000000e+30 : f32
    %broadcast_in_dim3A_699 = vector.broadcast %jit3A_698 : f32 to vector<64x1024xf32>
    %select_n3A_700 = arith.select %eq3A_694, %broadcast_in_dim3A_699, %select_n3A_673 : vector<64x1024xi1>, vector<64x1024xf32>
    %dot_general3A_701 = arith.constant dense<0.000000e+00> : vector<48x1024xf32>
    %dot_general3A_702 = tpu.matmul %concatenate3A_600, %convert_element_type3A_697, %dot_general3A_701 {dimension_numbers = #tpu.dot_dimension_numbers<[1], [0], [0], [1], [0, 0, 1, 1], [], []>, transpose_lhs_hint = false} : vector<48x64xbf16>, vector<64x1024xbf16>, vector<48x1024xf32> -> vector<48x1024xf32>
    %slice3A_703 = vector.extract_strided_slice %dot_general3A_702 {offsets = [0, 0], sizes = [16, 1024], strides = [1, 1]} : vector<48x1024xf32> to vector<16x1024xf32>
    %add3A_704 = arith.addf %add3A_681, %slice3A_703 : vector<16x1024xf32>
    %slice3A_705 = vector.extract_strided_slice %dot_general3A_702 {offsets = [16, 0], sizes = [16, 1024], strides = [1, 1]} : vector<48x1024xf32> to vector<16x1024xf32>
    %add3A_706 = arith.addf %add3A_704, %slice3A_705 : vector<16x1024xf32>
    %slice3A_707 = vector.extract_strided_slice %dot_general3A_702 {offsets = [32, 0], sizes = [16, 1024], strides = [1, 1]} : vector<48x1024xf32> to vector<16x1024xf32>
    %add3A_708 = arith.addf %add3A_706, %slice3A_707 : vector<16x1024xf32>
    %reduce_max3A_709 = arith.constant dense<0xFF800000> : vector<1024xf32>
    %reduce_max3A_710 = vector.multi_reduction <maximumf>, %select_n3A_700, %reduce_max3A_709 [0] : vector<64x1024xf32> to vector<1024xf32>
    %broadcast_in_dim3A_711 = vector.shape_cast %reduce_max3A_710 : vector<1024xf32> to vector<1x1024xf32>
    %ge3A_712 = vector.broadcast %broadcast_in_dim3A_711 : vector<1x1024xf32> to vector<64x1024xf32>
    %ge3A_713 = arith.cmpf oge, %select_n3A_700, %ge3A_712 : vector<64x1024xf32>
    %jit3A_714 = arith.constant 64 : i32
    %broadcast_in_dim3A_715 = vector.broadcast %jit3A_714 : i32 to vector<64x1024xi32>
    %select_n3A_716 = arith.select %ge3A_713, %iota3A_625, %broadcast_in_dim3A_715 : vector<64x1024xi1>, vector<64x1024xi32>
    %reduce_min3A_717 = arith.constant dense<2147483647> : vector<1024xi32>
    %reduce_min3A_718 = vector.multi_reduction <minsi>, %select_n3A_716, %reduce_min3A_717 [0] : vector<64x1024xi32> to vector<1024xi32>
    %broadcast_in_dim3A_719 = vector.shape_cast %reduce_min3A_718 : vector<1024xi32> to vector<1x1024xi32>
    %eq3A_720 = vector.broadcast %broadcast_in_dim3A_719 : vector<1x1024xi32> to vector<64x1024xi32>
    %eq3A_721 = arith.cmpi eq, %iota3A_625, %eq3A_720 : vector<64x1024xi32>
    %convert_element_type3A_722 = arith.extui %eq3A_721 : vector<64x1024xi1> to vector<64x1024xi32>
    %convert_element_type3A_723 = arith.sitofp %convert_element_type3A_722 : vector<64x1024xi32> to vector<64x1024xf32>
    %convert_element_type3A_724 = arith.truncf %convert_element_type3A_723 : vector<64x1024xf32> to vector<64x1024xbf16>
    %jit3A_725 = arith.constant -1.000000e+30 : f32
    %broadcast_in_dim3A_726 = vector.broadcast %jit3A_725 : f32 to vector<64x1024xf32>
    %select_n3A_727 = arith.select %eq3A_721, %broadcast_in_dim3A_726, %select_n3A_700 : vector<64x1024xi1>, vector<64x1024xf32>
    %dot_general3A_728 = arith.constant dense<0.000000e+00> : vector<48x1024xf32>
    %dot_general3A_729 = tpu.matmul %concatenate3A_604, %convert_element_type3A_724, %dot_general3A_728 {dimension_numbers = #tpu.dot_dimension_numbers<[1], [0], [0], [1], [0, 0, 1, 1], [], []>, transpose_lhs_hint = false} : vector<48x64xbf16>, vector<64x1024xbf16>, vector<48x1024xf32> -> vector<48x1024xf32>
    %slice3A_730 = vector.extract_strided_slice %dot_general3A_729 {offsets = [0, 0], sizes = [16, 1024], strides = [1, 1]} : vector<48x1024xf32> to vector<16x1024xf32>
    %add3A_731 = arith.addf %add3A_708, %slice3A_730 : vector<16x1024xf32>
    %slice3A_732 = vector.extract_strided_slice %dot_general3A_729 {offsets = [16, 0], sizes = [16, 1024], strides = [1, 1]} : vector<48x1024xf32> to vector<16x1024xf32>
    %add3A_733 = arith.addf %add3A_731, %slice3A_732 : vector<16x1024xf32>
    %slice3A_734 = vector.extract_strided_slice %dot_general3A_729 {offsets = [32, 0], sizes = [16, 1024], strides = [1, 1]} : vector<48x1024xf32> to vector<16x1024xf32>
    %add3A_735 = arith.addf %add3A_733, %slice3A_734 : vector<16x1024xf32>
    %reduce_max3A_736 = arith.constant dense<0xFF800000> : vector<1024xf32>
    %reduce_max3A_737 = vector.multi_reduction <maximumf>, %select_n3A_727, %reduce_max3A_736 [0] : vector<64x1024xf32> to vector<1024xf32>
    %broadcast_in_dim3A_738 = vector.shape_cast %reduce_max3A_737 : vector<1024xf32> to vector<1x1024xf32>
    %ge3A_739 = vector.broadcast %broadcast_in_dim3A_738 : vector<1x1024xf32> to vector<64x1024xf32>
    %ge3A_740 = arith.cmpf oge, %select_n3A_727, %ge3A_739 : vector<64x1024xf32>
    %jit3A_741 = arith.constant 64 : i32
    %broadcast_in_dim3A_742 = vector.broadcast %jit3A_741 : i32 to vector<64x1024xi32>
    %select_n3A_743 = arith.select %ge3A_740, %iota3A_625, %broadcast_in_dim3A_742 : vector<64x1024xi1>, vector<64x1024xi32>
    %reduce_min3A_744 = arith.constant dense<2147483647> : vector<1024xi32>
    %reduce_min3A_745 = vector.multi_reduction <minsi>, %select_n3A_743, %reduce_min3A_744 [0] : vector<64x1024xi32> to vector<1024xi32>
    %broadcast_in_dim3A_746 = vector.shape_cast %reduce_min3A_745 : vector<1024xi32> to vector<1x1024xi32>
    %eq3A_747 = vector.broadcast %broadcast_in_dim3A_746 : vector<1x1024xi32> to vector<64x1024xi32>
    %eq3A_748 = arith.cmpi eq, %iota3A_625, %eq3A_747 : vector<64x1024xi32>
    %convert_element_type3A_749 = arith.extui %eq3A_748 : vector<64x1024xi1> to vector<64x1024xi32>
    %convert_element_type3A_750 = arith.sitofp %convert_element_type3A_749 : vector<64x1024xi32> to vector<64x1024xf32>
    %convert_element_type3A_751 = arith.truncf %convert_element_type3A_750 : vector<64x1024xf32> to vector<64x1024xbf16>
    %jit3A_752 = arith.constant -1.000000e+30 : f32
    %broadcast_in_dim3A_753 = vector.broadcast %jit3A_752 : f32 to vector<64x1024xf32>
    %select_n3A_754 = arith.select %eq3A_748, %broadcast_in_dim3A_753, %select_n3A_727 : vector<64x1024xi1>, vector<64x1024xf32>
    %dot_general3A_755 = arith.constant dense<0.000000e+00> : vector<48x1024xf32>
    %dot_general3A_756 = tpu.matmul %concatenate3A_608, %convert_element_type3A_751, %dot_general3A_755 {dimension_numbers = #tpu.dot_dimension_numbers<[1], [0], [0], [1], [0, 0, 1, 1], [], []>, transpose_lhs_hint = false} : vector<48x64xbf16>, vector<64x1024xbf16>, vector<48x1024xf32> -> vector<48x1024xf32>
    %slice3A_757 = vector.extract_strided_slice %dot_general3A_756 {offsets = [0, 0], sizes = [16, 1024], strides = [1, 1]} : vector<48x1024xf32> to vector<16x1024xf32>
    %add3A_758 = arith.addf %add3A_735, %slice3A_757 : vector<16x1024xf32>
    %slice3A_759 = vector.extract_strided_slice %dot_general3A_756 {offsets = [16, 0], sizes = [16, 1024], strides = [1, 1]} : vector<48x1024xf32> to vector<16x1024xf32>
    %add3A_760 = arith.addf %add3A_758, %slice3A_759 : vector<16x1024xf32>
    %slice3A_761 = vector.extract_strided_slice %dot_general3A_756 {offsets = [32, 0], sizes = [16, 1024], strides = [1, 1]} : vector<48x1024xf32> to vector<16x1024xf32>
    %add3A_762 = arith.addf %add3A_760, %slice3A_761 : vector<16x1024xf32>
    %reduce_max3A_763 = arith.constant dense<0xFF800000> : vector<1024xf32>
    %reduce_max3A_764 = vector.multi_reduction <maximumf>, %select_n3A_754, %reduce_max3A_763 [0] : vector<64x1024xf32> to vector<1024xf32>
    %broadcast_in_dim3A_765 = vector.shape_cast %reduce_max3A_764 : vector<1024xf32> to vector<1x1024xf32>
    %ge3A_766 = vector.broadcast %broadcast_in_dim3A_765 : vector<1x1024xf32> to vector<64x1024xf32>
    %ge3A_767 = arith.cmpf oge, %select_n3A_754, %ge3A_766 : vector<64x1024xf32>
    %jit3A_768 = arith.constant 64 : i32
    %broadcast_in_dim3A_769 = vector.broadcast %jit3A_768 : i32 to vector<64x1024xi32>
    %select_n3A_770 = arith.select %ge3A_767, %iota3A_625, %broadcast_in_dim3A_769 : vector<64x1024xi1>, vector<64x1024xi32>
    %reduce_min3A_771 = arith.constant dense<2147483647> : vector<1024xi32>
    %reduce_min3A_772 = vector.multi_reduction <minsi>, %select_n3A_770, %reduce_min3A_771 [0] : vector<64x1024xi32> to vector<1024xi32>
    %broadcast_in_dim3A_773 = vector.shape_cast %reduce_min3A_772 : vector<1024xi32> to vector<1x1024xi32>
    %eq3A_774 = vector.broadcast %broadcast_in_dim3A_773 : vector<1x1024xi32> to vector<64x1024xi32>
    %eq3A_775 = arith.cmpi eq, %iota3A_625, %eq3A_774 : vector<64x1024xi32>
    %convert_element_type3A_776 = arith.extui %eq3A_775 : vector<64x1024xi1> to vector<64x1024xi32>
    %convert_element_type3A_777 = arith.sitofp %convert_element_type3A_776 : vector<64x1024xi32> to vector<64x1024xf32>
    %convert_element_type3A_778 = arith.truncf %convert_element_type3A_777 : vector<64x1024xf32> to vector<64x1024xbf16>
    %jit3A_779 = arith.constant -1.000000e+30 : f32
    %broadcast_in_dim3A_780 = vector.broadcast %jit3A_779 : f32 to vector<64x1024xf32>
    %select_n3A_781 = arith.select %eq3A_775, %broadcast_in_dim3A_780, %select_n3A_754 : vector<64x1024xi1>, vector<64x1024xf32>
    %dot_general3A_782 = arith.constant dense<0.000000e+00> : vector<48x1024xf32>
    %dot_general3A_783 = tpu.matmul %concatenate3A_612, %convert_element_type3A_778, %dot_general3A_782 {dimension_numbers = #tpu.dot_dimension_numbers<[1], [0], [0], [1], [0, 0, 1, 1], [], []>, transpose_lhs_hint = false} : vector<48x64xbf16>, vector<64x1024xbf16>, vector<48x1024xf32> -> vector<48x1024xf32>
    %slice3A_784 = vector.extract_strided_slice %dot_general3A_783 {offsets = [0, 0], sizes = [16, 1024], strides = [1, 1]} : vector<48x1024xf32> to vector<16x1024xf32>
    %add3A_785 = arith.addf %add3A_762, %slice3A_784 : vector<16x1024xf32>
    %slice3A_786 = vector.extract_strided_slice %dot_general3A_783 {offsets = [16, 0], sizes = [16, 1024], strides = [1, 1]} : vector<48x1024xf32> to vector<16x1024xf32>
    %add3A_787 = arith.addf %add3A_785, %slice3A_786 : vector<16x1024xf32>
    %slice3A_788 = vector.extract_strided_slice %dot_general3A_783 {offsets = [32, 0], sizes = [16, 1024], strides = [1, 1]} : vector<48x1024xf32> to vector<16x1024xf32>
    %add3A_789 = arith.addf %add3A_787, %slice3A_788 : vector<16x1024xf32>
    %reduce_max3A_790 = arith.constant dense<0xFF800000> : vector<1024xf32>
    %reduce_max3A_791 = vector.multi_reduction <maximumf>, %select_n3A_781, %reduce_max3A_790 [0] : vector<64x1024xf32> to vector<1024xf32>
    %broadcast_in_dim3A_792 = vector.shape_cast %reduce_max3A_791 : vector<1024xf32> to vector<1x1024xf32>
    %ge3A_793 = vector.broadcast %broadcast_in_dim3A_792 : vector<1x1024xf32> to vector<64x1024xf32>
    %ge3A_794 = arith.cmpf oge, %select_n3A_781, %ge3A_793 : vector<64x1024xf32>
    %jit3A_795 = arith.constant 64 : i32
    %broadcast_in_dim3A_796 = vector.broadcast %jit3A_795 : i32 to vector<64x1024xi32>
    %select_n3A_797 = arith.select %ge3A_794, %iota3A_625, %broadcast_in_dim3A_796 : vector<64x1024xi1>, vector<64x1024xi32>
    %reduce_min3A_798 = arith.constant dense<2147483647> : vector<1024xi32>
    %reduce_min3A_799 = vector.multi_reduction <minsi>, %select_n3A_797, %reduce_min3A_798 [0] : vector<64x1024xi32> to vector<1024xi32>
    %broadcast_in_dim3A_800 = vector.shape_cast %reduce_min3A_799 : vector<1024xi32> to vector<1x1024xi32>
    %eq3A_801 = vector.broadcast %broadcast_in_dim3A_800 : vector<1x1024xi32> to vector<64x1024xi32>
    %eq3A_802 = arith.cmpi eq, %iota3A_625, %eq3A_801 : vector<64x1024xi32>
    %convert_element_type3A_803 = arith.extui %eq3A_802 : vector<64x1024xi1> to vector<64x1024xi32>
    %convert_element_type3A_804 = arith.sitofp %convert_element_type3A_803 : vector<64x1024xi32> to vector<64x1024xf32>
    %convert_element_type3A_805 = arith.truncf %convert_element_type3A_804 : vector<64x1024xf32> to vector<64x1024xbf16>
    %jit3A_806 = arith.constant -1.000000e+30 : f32
    %broadcast_in_dim3A_807 = vector.broadcast %jit3A_806 : f32 to vector<64x1024xf32>
    %select_n3A_808 = arith.select %eq3A_802, %broadcast_in_dim3A_807, %select_n3A_781 : vector<64x1024xi1>, vector<64x1024xf32>
    %dot_general3A_809 = arith.constant dense<0.000000e+00> : vector<48x1024xf32>
    %dot_general3A_810 = tpu.matmul %concatenate3A_616, %convert_element_type3A_805, %dot_general3A_809 {dimension_numbers = #tpu.dot_dimension_numbers<[1], [0], [0], [1], [0, 0, 1, 1], [], []>, transpose_lhs_hint = false} : vector<48x64xbf16>, vector<64x1024xbf16>, vector<48x1024xf32> -> vector<48x1024xf32>
    %slice3A_811 = vector.extract_strided_slice %dot_general3A_810 {offsets = [0, 0], sizes = [16, 1024], strides = [1, 1]} : vector<48x1024xf32> to vector<16x1024xf32>
    %add3A_812 = arith.addf %add3A_789, %slice3A_811 : vector<16x1024xf32>
    %slice3A_813 = vector.extract_strided_slice %dot_general3A_810 {offsets = [16, 0], sizes = [16, 1024], strides = [1, 1]} : vector<48x1024xf32> to vector<16x1024xf32>
    %add3A_814 = arith.addf %add3A_812, %slice3A_813 : vector<16x1024xf32>
    %slice3A_815 = vector.extract_strided_slice %dot_general3A_810 {offsets = [32, 0], sizes = [16, 1024], strides = [1, 1]} : vector<48x1024xf32> to vector<16x1024xf32>
    %add3A_816 = arith.addf %add3A_814, %slice3A_815 : vector<16x1024xf32>
    %reduce_max3A_817 = arith.constant dense<0xFF800000> : vector<1024xf32>
    %reduce_max3A_818 = vector.multi_reduction <maximumf>, %select_n3A_808, %reduce_max3A_817 [0] : vector<64x1024xf32> to vector<1024xf32>
    %broadcast_in_dim3A_819 = vector.shape_cast %reduce_max3A_818 : vector<1024xf32> to vector<1x1024xf32>
    %ge3A_820 = vector.broadcast %broadcast_in_dim3A_819 : vector<1x1024xf32> to vector<64x1024xf32>
    %ge3A_821 = arith.cmpf oge, %select_n3A_808, %ge3A_820 : vector<64x1024xf32>
    %jit3A_822 = arith.constant 64 : i32
    %broadcast_in_dim3A_823 = vector.broadcast %jit3A_822 : i32 to vector<64x1024xi32>
    %select_n3A_824 = arith.select %ge3A_821, %iota3A_625, %broadcast_in_dim3A_823 : vector<64x1024xi1>, vector<64x1024xi32>
    %reduce_min3A_825 = arith.constant dense<2147483647> : vector<1024xi32>
    %reduce_min3A_826 = vector.multi_reduction <minsi>, %select_n3A_824, %reduce_min3A_825 [0] : vector<64x1024xi32> to vector<1024xi32>
    %broadcast_in_dim3A_827 = vector.shape_cast %reduce_min3A_826 : vector<1024xi32> to vector<1x1024xi32>
    %eq3A_828 = vector.broadcast %broadcast_in_dim3A_827 : vector<1x1024xi32> to vector<64x1024xi32>
    %eq3A_829 = arith.cmpi eq, %iota3A_625, %eq3A_828 : vector<64x1024xi32>
    %convert_element_type3A_830 = arith.extui %eq3A_829 : vector<64x1024xi1> to vector<64x1024xi32>
    %convert_element_type3A_831 = arith.sitofp %convert_element_type3A_830 : vector<64x1024xi32> to vector<64x1024xf32>
    %convert_element_type3A_832 = arith.truncf %convert_element_type3A_831 : vector<64x1024xf32> to vector<64x1024xbf16>
    %jit3A_833 = arith.constant -1.000000e+30 : f32
    %broadcast_in_dim3A_834 = vector.broadcast %jit3A_833 : f32 to vector<64x1024xf32>
    %select_n3A_835 = arith.select %eq3A_829, %broadcast_in_dim3A_834, %select_n3A_808 : vector<64x1024xi1>, vector<64x1024xf32>
    %dot_general3A_836 = arith.constant dense<0.000000e+00> : vector<48x1024xf32>
    %dot_general3A_837 = tpu.matmul %concatenate3A_620, %convert_element_type3A_832, %dot_general3A_836 {dimension_numbers = #tpu.dot_dimension_numbers<[1], [0], [0], [1], [0, 0, 1, 1], [], []>, transpose_lhs_hint = false} : vector<48x64xbf16>, vector<64x1024xbf16>, vector<48x1024xf32> -> vector<48x1024xf32>
    %slice3A_838 = vector.extract_strided_slice %dot_general3A_837 {offsets = [0, 0], sizes = [16, 1024], strides = [1, 1]} : vector<48x1024xf32> to vector<16x1024xf32>
    %add3A_839 = arith.addf %add3A_816, %slice3A_838 : vector<16x1024xf32>
    %slice3A_840 = vector.extract_strided_slice %dot_general3A_837 {offsets = [16, 0], sizes = [16, 1024], strides = [1, 1]} : vector<48x1024xf32> to vector<16x1024xf32>
    %add3A_841 = arith.addf %add3A_839, %slice3A_840 : vector<16x1024xf32>
    %slice3A_842 = vector.extract_strided_slice %dot_general3A_837 {offsets = [32, 0], sizes = [16, 1024], strides = [1, 1]} : vector<48x1024xf32> to vector<16x1024xf32>
    %add3A_843 = arith.addf %add3A_841, %slice3A_842 : vector<16x1024xf32>
    %reduce_max3A_844 = arith.constant dense<0xFF800000> : vector<1024xf32>
    %reduce_max3A_845 = vector.multi_reduction <maximumf>, %select_n3A_835, %reduce_max3A_844 [0] : vector<64x1024xf32> to vector<1024xf32>
    %broadcast_in_dim3A_846 = vector.shape_cast %reduce_max3A_845 : vector<1024xf32> to vector<1x1024xf32>
    %ge3A_847 = vector.broadcast %broadcast_in_dim3A_846 : vector<1x1024xf32> to vector<64x1024xf32>
    %ge3A_848 = arith.cmpf oge, %select_n3A_835, %ge3A_847 : vector<64x1024xf32>
    %jit3A_849 = arith.constant 64 : i32
    %broadcast_in_dim3A_850 = vector.broadcast %jit3A_849 : i32 to vector<64x1024xi32>
    %select_n3A_851 = arith.select %ge3A_848, %iota3A_625, %broadcast_in_dim3A_850 : vector<64x1024xi1>, vector<64x1024xi32>
    %reduce_min3A_852 = arith.constant dense<2147483647> : vector<1024xi32>
    %reduce_min3A_853 = vector.multi_reduction <minsi>, %select_n3A_851, %reduce_min3A_852 [0] : vector<64x1024xi32> to vector<1024xi32>
    %broadcast_in_dim3A_854 = vector.shape_cast %reduce_min3A_853 : vector<1024xi32> to vector<1x1024xi32>
    %eq3A_855 = vector.broadcast %broadcast_in_dim3A_854 : vector<1x1024xi32> to vector<64x1024xi32>
    %eq3A_856 = arith.cmpi eq, %iota3A_625, %eq3A_855 : vector<64x1024xi32>
    %convert_element_type3A_857 = arith.extui %eq3A_856 : vector<64x1024xi1> to vector<64x1024xi32>
    %convert_element_type3A_858 = arith.sitofp %convert_element_type3A_857 : vector<64x1024xi32> to vector<64x1024xf32>
    %convert_element_type3A_859 = arith.truncf %convert_element_type3A_858 : vector<64x1024xf32> to vector<64x1024xbf16>
    %dot_general3A_860 = arith.constant dense<0.000000e+00> : vector<48x1024xf32>
    %dot_general3A_861 = tpu.matmul %concatenate3A_624, %convert_element_type3A_859, %dot_general3A_860 {dimension_numbers = #tpu.dot_dimension_numbers<[1], [0], [0], [1], [0, 0, 1, 1], [], []>, transpose_lhs_hint = false} : vector<48x64xbf16>, vector<64x1024xbf16>, vector<48x1024xf32> -> vector<48x1024xf32>
    %slice3A_862 = vector.extract_strided_slice %dot_general3A_861 {offsets = [0, 0], sizes = [16, 1024], strides = [1, 1]} : vector<48x1024xf32> to vector<16x1024xf32>
    %add3A_863 = arith.addf %add3A_843, %slice3A_862 : vector<16x1024xf32>
    %slice3A_864 = vector.extract_strided_slice %dot_general3A_861 {offsets = [16, 0], sizes = [16, 1024], strides = [1, 1]} : vector<48x1024xf32> to vector<16x1024xf32>
    %add3A_865 = arith.addf %add3A_863, %slice3A_864 : vector<16x1024xf32>
    %slice3A_866 = vector.extract_strided_slice %dot_general3A_861 {offsets = [32, 0], sizes = [16, 1024], strides = [1, 1]} : vector<48x1024xf32> to vector<16x1024xf32>
    %add3A_867 = arith.addf %add3A_865, %slice3A_866 : vector<16x1024xf32>
    %add3A_868 = vector.broadcast %get3A_438 : vector<16x1xf32> to vector<16x1024xf32>
    %add3A_869 = arith.addf %add3A_867, %add3A_868 : vector<16x1024xf32>
    %concatenate3A_870 = tpu.concatenate %add3A_537, %add3A_869 in 0 : vector<16x1024xf32>, vector<16x1024xf32> -> vector<32x1024xf32>
    %max3A_871 = arith.constant 0.000000e+00 : f32
    %max3A_872 = vector.broadcast %max3A_871 : f32 to vector<32x1024xf32>
    %max3A_873 = arith.maximumf %concatenate3A_870, %max3A_872 : vector<32x1024xf32>
    %swap3A = arith.constant 0 : index
    %swap3A_874 = arith.constant 0 : index
    %swap3A_875 = arith.constant 0 : index
    %swap3A_876 = vector.load %arg12[%swap3A, %swap3A_874, %swap3A_875] : memref<2x32x1024xf32, #tpu.memory_space<vmem>>, vector<1x32x1024xf32>
    %swap3A_877 = vector.shape_cast %swap3A_876 : vector<1x32x1024xf32> to vector<32x1024xf32>
    %swap3A_878 = vector.shape_cast %max3A_873 : vector<32x1024xf32> to vector<1x32x1024xf32>
    tpu.vector_store %arg12[%swap3A, %swap3A_874, %swap3A_875], %swap3A_878 {strides = array<i32>} : memref<2x32x1024xf32, #tpu.memory_space<vmem>>, vector<1x32x1024xf32>,
    %get3A_879 = arith.constant 1 : index
    %get3A_880 = arith.constant 0 : index
    %get3A_881 = arith.constant 0 : index
    %get3A_882 = vector.load %arg1[%get3A_879, %get3A_880, %get3A_881] : memref<2x3x1024xf32, #tpu.memory_space<vmem>>, vector<1x3x1024xf32>
    %get3A_883 = vector.shape_cast %get3A_882 : vector<1x3x1024xf32> to vector<3x1024xf32>
    %get3A_884 = arith.constant 0 : index
    %get3A_885 = arith.constant 0 : index
    %get3A_886 = vector.load %arg2[%get3A_884, %get3A_885] : memref<8x27xf32, #tpu.memory_space<vmem>>, vector<8x27xf32>
    %get3A_887 = arith.constant 0 : index
    %get3A_888 = arith.constant 0 : index
    %get3A_889 = vector.load %arg3[%get3A_887, %get3A_888] : memref<8x1xf32, #tpu.memory_space<vmem>>, vector<8x1xf32>
    %get3A_890 = arith.constant 0 : index
    %get3A_891 = arith.constant 0 : index
    %get3A_892 = vector.load %arg4[%get3A_890, %get3A_891] : memref<72x3xf32, #tpu.memory_space<vmem>>, vector<72x3xf32>
    %get3A_893 = arith.constant 0 : index
    %get3A_894 = arith.constant 0 : index
    %get3A_895 = vector.load %arg5[%get3A_893, %get3A_894] : memref<8x1xf32, #tpu.memory_space<vmem>>, vector<8x1xf32>
    %get3A_896 = arith.constant 0 : index
    %get3A_897 = arith.constant 0 : index
    %get3A_898 = vector.load %arg10[%get3A_896, %get3A_897] : memref<1x64xi32, #tpu.memory_space<vmem>>, vector<1x64xi32>
    %iota3A_899 = tpu.iota {dimensions = array<i32: 1>} : vector<3x1024xi32>
    %jit3A_900 = arith.constant 32 : i32
    %eq3A_901 = arith.constant 0 : i32
    %eq3A_902 = arith.cmpi eq, %jit3A_900, %eq3A_901 : i32
    %jit3A_903 = arith.constant 1 : i32
    %select_n3A_904 = arith.select %eq3A_902, %jit3A_903, %jit3A_900 : i32
    %rem3A_905 = vector.broadcast %select_n3A_904 : i32 to vector<3x1024xi32>
    %rem3A_906 = arith.remsi %iota3A_899, %rem3A_905 : vector<3x1024xi32>
    %ne3A_907 = arith.constant 0 : i32
    %ne3A_908 = vector.broadcast %ne3A_907 : i32 to vector<3x1024xi32>
    %ne3A_909 = arith.cmpi ne, %rem3A_906, %ne3A_908 : vector<3x1024xi32>
    %lt3A_910 = arith.constant 0 : i32
    %lt3A_911 = vector.broadcast %lt3A_910 : i32 to vector<3x1024xi32>
    %lt3A_912 = arith.cmpi slt, %rem3A_906, %lt3A_911 : vector<3x1024xi32>
    %lt3A_913 = arith.constant 0 : i32
    %lt3A_914 = arith.cmpi slt, %select_n3A_904, %lt3A_913 : i32
    %ne3A_915 = vector.broadcast %lt3A_914 : i1 to vector<3x1024xi1>
    %ne3A_916 = vector.broadcast %ne3A_915 : vector<3x1024xi1> to vector<3x1024xi1>
    %ne3A_917 = arith.xori %lt3A_912, %ne3A_916 : vector<3x1024xi1>
    %and3A_918 = arith.andi %ne3A_917, %ne3A_909 : vector<3x1024xi1>
    %add3A_919 = vector.broadcast %select_n3A_904 : i32 to vector<3x1024xi32>
    %add3A_920 = arith.addi %rem3A_906, %add3A_919 : vector<3x1024xi32>
    %select_n3A_921 = arith.select %and3A_918, %add3A_920, %rem3A_906 : vector<3x1024xi1>, vector<3x1024xi32>
    %broadcast_in_dim3A_922 = arith.constant 0.000000e+00 : f32
    %broadcast_in_dim3A_923 = vector.broadcast %broadcast_in_dim3A_922 : f32 to vector<3x33xf32>
    %slice3A_924 = vector.extract_strided_slice %get3A_883 {offsets = [0, 0], sizes = [3, 991], strides = [1, 1]} : vector<3x1024xf32> to vector<3x991xf32>
    %concatenate3A_925 = tpu.concatenate %broadcast_in_dim3A_923, %slice3A_924 in 1 : vector<3x33xf32>, vector<3x991xf32> -> vector<3x1024xf32>
    %ge3A_926 = arith.constant 1 : i32
    %ge3A_927 = vector.broadcast %ge3A_926 : i32 to vector<3x1024xi32>
    %ge3A_928 = arith.cmpi sge, %select_n3A_921, %ge3A_927 : vector<3x1024xi32>
    %jit3A_929 = arith.constant 0.000000e+00 : f32
    %broadcast_in_dim3A_930 = vector.broadcast %jit3A_929 : f32 to vector<3x1024xf32>
    %select_n3A_931 = arith.select %ge3A_928, %concatenate3A_925, %broadcast_in_dim3A_930 : vector<3x1024xi1>, vector<3x1024xf32>
    %broadcast_in_dim3A_932 = arith.constant 0.000000e+00 : f32
    %broadcast_in_dim3A_933 = vector.broadcast %broadcast_in_dim3A_932 : f32 to vector<3x32xf32>
    %slice3A_934 = vector.extract_strided_slice %get3A_883 {offsets = [0, 0], sizes = [3, 992], strides = [1, 1]} : vector<3x1024xf32> to vector<3x992xf32>
    %concatenate3A_935 = tpu.concatenate %broadcast_in_dim3A_933, %slice3A_934 in 1 : vector<3x32xf32>, vector<3x992xf32> -> vector<3x1024xf32>
    %broadcast_in_dim3A_936 = arith.constant 0.000000e+00 : f32
    %broadcast_in_dim3A_937 = vector.broadcast %broadcast_in_dim3A_936 : f32 to vector<3x31xf32>
    %slice3A_938 = vector.extract_strided_slice %get3A_883 {offsets = [0, 0], sizes = [3, 993], strides = [1, 1]} : vector<3x1024xf32> to vector<3x993xf32>
    %concatenate3A_939 = tpu.concatenate %broadcast_in_dim3A_937, %slice3A_938 in 1 : vector<3x31xf32>, vector<3x993xf32> -> vector<3x1024xf32>
    %le3A_940 = arith.constant 30 : i32
    %le3A_941 = vector.broadcast %le3A_940 : i32 to vector<3x1024xi32>
    %le3A_942 = arith.cmpi sle, %select_n3A_921, %le3A_941 : vector<3x1024xi32>
    %jit3A_943 = arith.constant 0.000000e+00 : f32
    %broadcast_in_dim3A_944 = vector.broadcast %jit3A_943 : f32 to vector<3x1024xf32>
    %select_n3A_945 = arith.select %le3A_942, %concatenate3A_939, %broadcast_in_dim3A_944 : vector<3x1024xi1>, vector<3x1024xf32>
    %broadcast_in_dim3A_946 = arith.constant 0.000000e+00 : f32
    %broadcast_in_dim3A_947 = vector.broadcast %broadcast_in_dim3A_946 : f32 to vector<3x1xf32>
    %slice3A_948 = vector.extract_strided_slice %get3A_883 {offsets = [0, 0], sizes = [3, 1023], strides = [1, 1]} : vector<3x1024xf32> to vector<3x1023xf32>
    %concatenate3A_949 = tpu.concatenate %broadcast_in_dim3A_947, %slice3A_948 in 1 : vector<3x1xf32>, vector<3x1023xf32> -> vector<3x1024xf32>
    %ge3A_950 = arith.constant 1 : i32
    %ge3A_951 = vector.broadcast %ge3A_950 : i32 to vector<3x1024xi32>
    %ge3A_952 = arith.cmpi sge, %select_n3A_921, %ge3A_951 : vector<3x1024xi32>
    %jit3A_953 = arith.constant 0.000000e+00 : f32
    %broadcast_in_dim3A_954 = vector.broadcast %jit3A_953 : f32 to vector<3x1024xf32>
    %select_n3A_955 = arith.select %ge3A_952, %concatenate3A_949, %broadcast_in_dim3A_954 : vector<3x1024xi1>, vector<3x1024xf32>
    %slice3A_956 = vector.extract_strided_slice %get3A_883 {offsets = [0, 1], sizes = [3, 1023], strides = [1, 1]} : vector<3x1024xf32> to vector<3x1023xf32>
    %broadcast_in_dim3A_957 = arith.constant 0.000000e+00 : f32
    %broadcast_in_dim3A_958 = vector.broadcast %broadcast_in_dim3A_957 : f32 to vector<3x1xf32>
    %concatenate3A_959 = tpu.concatenate %slice3A_956, %broadcast_in_dim3A_958 in 1 : vector<3x1023xf32>, vector<3x1xf32> -> vector<3x1024xf32>
    %le3A_960 = arith.constant 30 : i32
    %le3A_961 = vector.broadcast %le3A_960 : i32 to vector<3x1024xi32>
    %le3A_962 = arith.cmpi sle, %select_n3A_921, %le3A_961 : vector<3x1024xi32>
    %jit3A_963 = arith.constant 0.000000e+00 : f32
    %broadcast_in_dim3A_964 = vector.broadcast %jit3A_963 : f32 to vector<3x1024xf32>
    %select_n3A_965 = arith.select %le3A_962, %concatenate3A_959, %broadcast_in_dim3A_964 : vector<3x1024xi1>, vector<3x1024xf32>
    %slice3A_966 = vector.extract_strided_slice %get3A_883 {offsets = [0, 31], sizes = [3, 993], strides = [1, 1]} : vector<3x1024xf32> to vector<3x993xf32>
    %broadcast_in_dim3A_967 = arith.constant 0.000000e+00 : f32
    %broadcast_in_dim3A_968 = vector.broadcast %broadcast_in_dim3A_967 : f32 to vector<3x31xf32>
    %concatenate3A_969 = tpu.concatenate %slice3A_966, %broadcast_in_dim3A_968 in 1 : vector<3x993xf32>, vector<3x31xf32> -> vector<3x1024xf32>
    %ge3A_970 = arith.constant 1 : i32
    %ge3A_971 = vector.broadcast %ge3A_970 : i32 to vector<3x1024xi32>
    %ge3A_972 = arith.cmpi sge, %select_n3A_921, %ge3A_971 : vector<3x1024xi32>
    %jit3A_973 = arith.constant 0.000000e+00 : f32
    %broadcast_in_dim3A_974 = vector.broadcast %jit3A_973 : f32 to vector<3x1024xf32>
    %select_n3A_975 = arith.select %ge3A_972, %concatenate3A_969, %broadcast_in_dim3A_974 : vector<3x1024xi1>, vector<3x1024xf32>
    %slice3A_976 = vector.extract_strided_slice %get3A_883 {offsets = [0, 32], sizes = [3, 992], strides = [1, 1]} : vector<3x1024xf32> to vector<3x992xf32>
    %broadcast_in_dim3A_977 = arith.constant 0.000000e+00 : f32
    %broadcast_in_dim3A_978 = vector.broadcast %broadcast_in_dim3A_977 : f32 to vector<3x32xf32>
    %concatenate3A_979 = tpu.concatenate %slice3A_976, %broadcast_in_dim3A_978 in 1 : vector<3x992xf32>, vector<3x32xf32> -> vector<3x1024xf32>
    %slice3A_980 = vector.extract_strided_slice %get3A_883 {offsets = [0, 33], sizes = [3, 991], strides = [1, 1]} : vector<3x1024xf32> to vector<3x991xf32>
    %broadcast_in_dim3A_981 = arith.constant 0.000000e+00 : f32
    %broadcast_in_dim3A_982 = vector.broadcast %broadcast_in_dim3A_981 : f32 to vector<3x33xf32>
    %concatenate3A_983 = tpu.concatenate %slice3A_980, %broadcast_in_dim3A_982 in 1 : vector<3x991xf32>, vector<3x33xf32> -> vector<3x1024xf32>
    %le3A_984 = arith.constant 30 : i32
    %le3A_985 = vector.broadcast %le3A_984 : i32 to vector<3x1024xi32>
    %le3A_986 = arith.cmpi sle, %select_n3A_921, %le3A_985 : vector<3x1024xi32>
    %jit3A_987 = arith.constant 0.000000e+00 : f32
    %broadcast_in_dim3A_988 = vector.broadcast %jit3A_987 : f32 to vector<3x1024xf32>
    %select_n3A_989 = arith.select %le3A_986, %concatenate3A_983, %broadcast_in_dim3A_988 : vector<3x1024xi1>, vector<3x1024xf32>
    %concatenate3A_990 = tpu.concatenate %select_n3A_931, %concatenate3A_935, %select_n3A_945, %select_n3A_955, %get3A_883, %select_n3A_965, %select_n3A_975, %concatenate3A_979, %select_n3A_989 in 0 : vector<3x1024xf32>, vector<3x1024xf32>, vector<3x1024xf32>, vector<3x1024xf32>, vector<3x1024xf32>, vector<3x1024xf32>, vector<3x1024xf32>, vector<3x1024xf32>, vector<3x1024xf32> -> vector<27x1024xf32>
    %dot_general3A_991 = arith.constant dense<0.000000e+00> : vector<8x1024xf32>
    %dot_general3A_992 = tpu.matmul %get3A_886, %concatenate3A_990, %dot_general3A_991 {dimension_numbers = #tpu.dot_dimension_numbers<[1], [0], [0], [1], [0, 0, 1, 1], [], []>, transpose_lhs_hint = false} : vector<8x27xf32>, vector<27x1024xf32>, vector<8x1024xf32> -> vector<8x1024xf32>
    %add3A_993 = vector.broadcast %get3A_889 : vector<8x1xf32> to vector<8x1024xf32>
    %add3A_994 = arith.addf %dot_general3A_992, %add3A_993 : vector<8x1024xf32>
    %iota3A_995 = tpu.iota {dimensions = array<i32: 0>} : vector<1024x64xi32>
    %eq3A_996 = vector.broadcast %get3A_898 : vector<1x64xi32> to vector<1024x64xi32>
    %eq3A_997 = arith.cmpi eq, %iota3A_995, %eq3A_996 : vector<1024x64xi32>
    %convert_element_type3A_998 = arith.extui %eq3A_997 : vector<1024x64xi1> to vector<1024x64xi32>
    %convert_element_type3A_999 = arith.sitofp %convert_element_type3A_998 : vector<1024x64xi32> to vector<1024x64xf32>
    %convert_element_type3A_1000 = arith.truncf %convert_element_type3A_999 : vector<1024x64xf32> to vector<1024x64xbf16>
    %convert_element_type3A_1001 = arith.truncf %get3A_883 : vector<3x1024xf32> to vector<3x1024xbf16>
    %convert_element_type3A_1002 = arith.extf %convert_element_type3A_1001 : vector<3x1024xbf16> to vector<3x1024xf32>
    %sub3A_1003 = arith.subf %get3A_883, %convert_element_type3A_1002 : vector<3x1024xf32>
    %convert_element_type3A_1004 = arith.truncf %sub3A_1003 : vector<3x1024xf32> to vector<3x1024xbf16>
    %convert_element_type3A_1005 = arith.extf %convert_element_type3A_1004 : vector<3x1024xbf16> to vector<3x1024xf32>
    %sub3A_1006 = arith.subf %sub3A_1003, %convert_element_type3A_1005 : vector<3x1024xf32>
    %convert_element_type3A_1007 = arith.truncf %sub3A_1006 : vector<3x1024xf32> to vector<3x1024xbf16>
    %dot_general3A_1008 = arith.constant dense<0.000000e+00> : vector<3x64xf32>
    %dot_general3A_1009 = tpu.matmul %convert_element_type3A_1001, %convert_element_type3A_1000, %dot_general3A_1008 {dimension_numbers = #tpu.dot_dimension_numbers<[1], [0], [0], [1], [0, 0, 1, 1], [], []>, transpose_lhs_hint = false} : vector<3x1024xbf16>, vector<1024x64xbf16>, vector<3x64xf32> -> vector<3x64xf32>
    %dot_general3A_1010 = arith.constant dense<0.000000e+00> : vector<3x64xf32>
    %dot_general3A_1011 = tpu.matmul %convert_element_type3A_1004, %convert_element_type3A_1000, %dot_general3A_1010 {dimension_numbers = #tpu.dot_dimension_numbers<[1], [0], [0], [1], [0, 0, 1, 1], [], []>, transpose_lhs_hint = false} : vector<3x1024xbf16>, vector<1024x64xbf16>, vector<3x64xf32> -> vector<3x64xf32>
    %add3A_1012 = arith.addf %dot_general3A_1009, %dot_general3A_1011 : vector<3x64xf32>
    %dot_general3A_1013 = arith.constant dense<0.000000e+00> : vector<3x64xf32>
    %dot_general3A_1014 = tpu.matmul %convert_element_type3A_1007, %convert_element_type3A_1000, %dot_general3A_1013 {dimension_numbers = #tpu.dot_dimension_numbers<[1], [0], [0], [1], [0, 0, 1, 1], [], []>, transpose_lhs_hint = false} : vector<3x1024xbf16>, vector<1024x64xbf16>, vector<3x64xf32> -> vector<3x64xf32>
    %add3A_1015 = arith.addf %add3A_1012, %dot_general3A_1014 : vector<3x64xf32>
    %transpose3A_1016 = tpu.transpose %add3A_1015, [1, 0] : vector<3x64xf32> -> vector<64x3xf32>
    %mul3A_1017 = arith.mulf %get3A_883, %get3A_883 : vector<3x1024xf32>
    %reduce_sum3A_1018 = arith.constant dense<0.000000e+00> : vector<1024xf32>
    %reduce_sum3A_1019 = vector.multi_reduction <add>, %mul3A_1017, %reduce_sum3A_1018 [0] : vector<3x1024xf32> to vector<1024xf32>
    %broadcast_in_dim3A_1020 = vector.shape_cast %reduce_sum3A_1019 : vector<1024xf32> to vector<1x1024xf32>
    %mul3A_1021 = arith.mulf %transpose3A_1016, %transpose3A_1016 : vector<64x3xf32>
    %reduce_sum3A_1022 = arith.constant dense<0.000000e+00> : vector<64xf32>
    %reduce_sum3A_1023 = vector.multi_reduction <add>, %mul3A_1021, %reduce_sum3A_1022 [1] : vector<64x3xf32> to vector<64xf32>
    %broadcast_in_dim3A_1024 = vector.shape_cast %reduce_sum3A_1023 : vector<64xf32> to vector<64x1xf32>
    %dot_general3A_1025 = arith.constant dense<0.000000e+00> : vector<64x1024xf32>
    %dot_general3A_1026 = tpu.matmul %transpose3A_1016, %get3A_883, %dot_general3A_1025 {dimension_numbers = #tpu.dot_dimension_numbers<[1], [0], [0], [1], [0, 0, 1, 1], [], []>, transpose_lhs_hint = false} : vector<64x3xf32>, vector<3x1024xf32>, vector<64x1024xf32> -> vector<64x1024xf32>
    %mul3A_1027 = arith.constant 2.000000e+00 : f32
    %mul3A_1028 = vector.broadcast %mul3A_1027 : f32 to vector<64x1024xf32>
    %mul3A_1029 = arith.mulf %mul3A_1028, %dot_general3A_1026 : vector<64x1024xf32>
    %sub3A_1030 = vector.broadcast %broadcast_in_dim3A_1020 : vector<1x1024xf32> to vector<64x1024xf32>
    %sub3A_1031 = arith.subf %sub3A_1030, %mul3A_1029 : vector<64x1024xf32>
    %add3A_1032 = vector.broadcast %broadcast_in_dim3A_1024 : vector<64x1xf32> to vector<64x1024xf32>
    %add3A_1033 = arith.addf %sub3A_1031, %add3A_1032 : vector<64x1024xf32>
    %neg3A_1034 = arith.constant 0.000000e+00 : f32
    %neg3A_1035 = vector.broadcast %neg3A_1034 : f32 to vector<64x1024xf32>
    %neg3A_1036 = arith.subf %neg3A_1035, %add3A_1033 : vector<64x1024xf32>
    %dot_general3A_1037 = arith.constant dense<0.000000e+00> : vector<72x64xf32>
    %dot_general3A_1038 = tpu.matmul %get3A_892, %add3A_1015, %dot_general3A_1037 {dimension_numbers = #tpu.dot_dimension_numbers<[1], [0], [0], [1], [0, 0, 1, 1], [], []>, transpose_lhs_hint = false} : vector<72x3xf32>, vector<3x64xf32>, vector<72x64xf32> -> vector<72x64xf32>
    %convert_element_type3A_1039 = arith.truncf %dot_general3A_1038 : vector<72x64xf32> to vector<72x64xbf16>
    %convert_element_type3A_1040 = arith.extf %convert_element_type3A_1039 : vector<72x64xbf16> to vector<72x64xf32>
    %sub3A_1041 = arith.subf %dot_general3A_1038, %convert_element_type3A_1040 : vector<72x64xf32>
    %convert_element_type3A_1042 = arith.truncf %sub3A_1041 : vector<72x64xf32> to vector<72x64xbf16>
    %convert_element_type3A_1043 = arith.extf %convert_element_type3A_1042 : vector<72x64xbf16> to vector<72x64xf32>
    %sub3A_1044 = arith.subf %sub3A_1041, %convert_element_type3A_1043 : vector<72x64xf32>
    %convert_element_type3A_1045 = arith.truncf %sub3A_1044 : vector<72x64xf32> to vector<72x64xbf16>
    %slice3A_1046 = vector.extract_strided_slice %convert_element_type3A_1039 {offsets = [0, 0], sizes = [8, 64], strides = [1, 1]} : vector<72x64xbf16> to vector<8x64xbf16>
    %slice3A_1047 = vector.extract_strided_slice %convert_element_type3A_1042 {offsets = [0, 0], sizes = [8, 64], strides = [1, 1]} : vector<72x64xbf16> to vector<8x64xbf16>
    %slice3A_1048 = vector.extract_strided_slice %convert_element_type3A_1045 {offsets = [0, 0], sizes = [8, 64], strides = [1, 1]} : vector<72x64xbf16> to vector<8x64xbf16>
    %concatenate3A_1049 = tpu.concatenate %slice3A_1046, %slice3A_1047, %slice3A_1048 in 0 : vector<8x64xbf16>, vector<8x64xbf16>, vector<8x64xbf16> -> vector<24x64xbf16>
    %slice3A_1050 = vector.extract_strided_slice %convert_element_type3A_1039 {offsets = [8, 0], sizes = [8, 64], strides = [1, 1]} : vector<72x64xbf16> to vector<8x64xbf16>
    %slice3A_1051 = vector.extract_strided_slice %convert_element_type3A_1042 {offsets = [8, 0], sizes = [8, 64], strides = [1, 1]} : vector<72x64xbf16> to vector<8x64xbf16>
    %slice3A_1052 = vector.extract_strided_slice %convert_element_type3A_1045 {offsets = [8, 0], sizes = [8, 64], strides = [1, 1]} : vector<72x64xbf16> to vector<8x64xbf16>
    %concatenate3A_1053 = tpu.concatenate %slice3A_1050, %slice3A_1051, %slice3A_1052 in 0 : vector<8x64xbf16>, vector<8x64xbf16>, vector<8x64xbf16> -> vector<24x64xbf16>
    %slice3A_1054 = vector.extract_strided_slice %convert_element_type3A_1039 {offsets = [16, 0], sizes = [8, 64], strides = [1, 1]} : vector<72x64xbf16> to vector<8x64xbf16>
    %slice3A_1055 = vector.extract_strided_slice %convert_element_type3A_1042 {offsets = [16, 0], sizes = [8, 64], strides = [1, 1]} : vector<72x64xbf16> to vector<8x64xbf16>
    %slice3A_1056 = vector.extract_strided_slice %convert_element_type3A_1045 {offsets = [16, 0], sizes = [8, 64], strides = [1, 1]} : vector<72x64xbf16> to vector<8x64xbf16>
    %concatenate3A_1057 = tpu.concatenate %slice3A_1054, %slice3A_1055, %slice3A_1056 in 0 : vector<8x64xbf16>, vector<8x64xbf16>, vector<8x64xbf16> -> vector<24x64xbf16>
    %slice3A_1058 = vector.extract_strided_slice %convert_element_type3A_1039 {offsets = [24, 0], sizes = [8, 64], strides = [1, 1]} : vector<72x64xbf16> to vector<8x64xbf16>
    %slice3A_1059 = vector.extract_strided_slice %convert_element_type3A_1042 {offsets = [24, 0], sizes = [8, 64], strides = [1, 1]} : vector<72x64xbf16> to vector<8x64xbf16>
    %slice3A_1060 = vector.extract_strided_slice %convert_element_type3A_1045 {offsets = [24, 0], sizes = [8, 64], strides = [1, 1]} : vector<72x64xbf16> to vector<8x64xbf16>
    %concatenate3A_1061 = tpu.concatenate %slice3A_1058, %slice3A_1059, %slice3A_1060 in 0 : vector<8x64xbf16>, vector<8x64xbf16>, vector<8x64xbf16> -> vector<24x64xbf16>
    %slice3A_1062 = vector.extract_strided_slice %convert_element_type3A_1039 {offsets = [32, 0], sizes = [8, 64], strides = [1, 1]} : vector<72x64xbf16> to vector<8x64xbf16>
    %slice3A_1063 = vector.extract_strided_slice %convert_element_type3A_1042 {offsets = [32, 0], sizes = [8, 64], strides = [1, 1]} : vector<72x64xbf16> to vector<8x64xbf16>
    %slice3A_1064 = vector.extract_strided_slice %convert_element_type3A_1045 {offsets = [32, 0], sizes = [8, 64], strides = [1, 1]} : vector<72x64xbf16> to vector<8x64xbf16>
    %concatenate3A_1065 = tpu.concatenate %slice3A_1062, %slice3A_1063, %slice3A_1064 in 0 : vector<8x64xbf16>, vector<8x64xbf16>, vector<8x64xbf16> -> vector<24x64xbf16>
    %slice3A_1066 = vector.extract_strided_slice %convert_element_type3A_1039 {offsets = [40, 0], sizes = [8, 64], strides = [1, 1]} : vector<72x64xbf16> to vector<8x64xbf16>
    %slice3A_1067 = vector.extract_strided_slice %convert_element_type3A_1042 {offsets = [40, 0], sizes = [8, 64], strides = [1, 1]} : vector<72x64xbf16> to vector<8x64xbf16>
    %slice3A_1068 = vector.extract_strided_slice %convert_element_type3A_1045 {offsets = [40, 0], sizes = [8, 64], strides = [1, 1]} : vector<72x64xbf16> to vector<8x64xbf16>
    %concatenate3A_1069 = tpu.concatenate %slice3A_1066, %slice3A_1067, %slice3A_1068 in 0 : vector<8x64xbf16>, vector<8x64xbf16>, vector<8x64xbf16> -> vector<24x64xbf16>
    %slice3A_1070 = vector.extract_strided_slice %convert_element_type3A_1039 {offsets = [48, 0], sizes = [8, 64], strides = [1, 1]} : vector<72x64xbf16> to vector<8x64xbf16>
    %slice3A_1071 = vector.extract_strided_slice %convert_element_type3A_1042 {offsets = [48, 0], sizes = [8, 64], strides = [1, 1]} : vector<72x64xbf16> to vector<8x64xbf16>
    %slice3A_1072 = vector.extract_strided_slice %convert_element_type3A_1045 {offsets = [48, 0], sizes = [8, 64], strides = [1, 1]} : vector<72x64xbf16> to vector<8x64xbf16>
    %concatenate3A_1073 = tpu.concatenate %slice3A_1070, %slice3A_1071, %slice3A_1072 in 0 : vector<8x64xbf16>, vector<8x64xbf16>, vector<8x64xbf16> -> vector<24x64xbf16>
    %slice3A_1074 = vector.extract_strided_slice %convert_element_type3A_1039 {offsets = [56, 0], sizes = [8, 64], strides = [1, 1]} : vector<72x64xbf16> to vector<8x64xbf16>
    %slice3A_1075 = vector.extract_strided_slice %convert_element_type3A_1042 {offsets = [56, 0], sizes = [8, 64], strides = [1, 1]} : vector<72x64xbf16> to vector<8x64xbf16>
    %slice3A_1076 = vector.extract_strided_slice %convert_element_type3A_1045 {offsets = [56, 0], sizes = [8, 64], strides = [1, 1]} : vector<72x64xbf16> to vector<8x64xbf16>
    %concatenate3A_1077 = tpu.concatenate %slice3A_1074, %slice3A_1075, %slice3A_1076 in 0 : vector<8x64xbf16>, vector<8x64xbf16>, vector<8x64xbf16> -> vector<24x64xbf16>
    %slice3A_1078 = vector.extract_strided_slice %convert_element_type3A_1039 {offsets = [64, 0], sizes = [8, 64], strides = [1, 1]} : vector<72x64xbf16> to vector<8x64xbf16>
    %slice3A_1079 = vector.extract_strided_slice %convert_element_type3A_1042 {offsets = [64, 0], sizes = [8, 64], strides = [1, 1]} : vector<72x64xbf16> to vector<8x64xbf16>
    %slice3A_1080 = vector.extract_strided_slice %convert_element_type3A_1045 {offsets = [64, 0], sizes = [8, 64], strides = [1, 1]} : vector<72x64xbf16> to vector<8x64xbf16>
    %concatenate3A_1081 = tpu.concatenate %slice3A_1078, %slice3A_1079, %slice3A_1080 in 0 : vector<8x64xbf16>, vector<8x64xbf16>, vector<8x64xbf16> -> vector<24x64xbf16>
    %iota3A_1082 = tpu.iota {dimensions = array<i32: 0>} : vector<64x1024xi32>
    %broadcast_in_dim3A_1083 = arith.constant 0.000000e+00 : f32
    %broadcast_in_dim3A_1084 = vector.broadcast %broadcast_in_dim3A_1083 : f32 to vector<8x1024xf32>
    %reduce_max3A_1085 = arith.constant dense<0xFF800000> : vector<1024xf32>
    %reduce_max3A_1086 = vector.multi_reduction <maximumf>, %neg3A_1036, %reduce_max3A_1085 [0] : vector<64x1024xf32> to vector<1024xf32>
    %broadcast_in_dim3A_1087 = vector.shape_cast %reduce_max3A_1086 : vector<1024xf32> to vector<1x1024xf32>
    %ge3A_1088 = vector.broadcast %broadcast_in_dim3A_1087 : vector<1x1024xf32> to vector<64x1024xf32>
    %ge3A_1089 = arith.cmpf oge, %neg3A_1036, %ge3A_1088 : vector<64x1024xf32>
    %jit3A_1090 = arith.constant 64 : i32
    %broadcast_in_dim3A_1091 = vector.broadcast %jit3A_1090 : i32 to vector<64x1024xi32>
    %select_n3A_1092 = arith.select %ge3A_1089, %iota3A_1082, %broadcast_in_dim3A_1091 : vector<64x1024xi1>, vector<64x1024xi32>
    %reduce_min3A_1093 = arith.constant dense<2147483647> : vector<1024xi32>
    %reduce_min3A_1094 = vector.multi_reduction <minsi>, %select_n3A_1092, %reduce_min3A_1093 [0] : vector<64x1024xi32> to vector<1024xi32>
    %broadcast_in_dim3A_1095 = vector.shape_cast %reduce_min3A_1094 : vector<1024xi32> to vector<1x1024xi32>
    %eq3A_1096 = vector.broadcast %broadcast_in_dim3A_1095 : vector<1x1024xi32> to vector<64x1024xi32>
    %eq3A_1097 = arith.cmpi eq, %iota3A_1082, %eq3A_1096 : vector<64x1024xi32>
    %convert_element_type3A_1098 = arith.extui %eq3A_1097 : vector<64x1024xi1> to vector<64x1024xi32>
    %convert_element_type3A_1099 = arith.sitofp %convert_element_type3A_1098 : vector<64x1024xi32> to vector<64x1024xf32>
    %convert_element_type3A_1100 = arith.truncf %convert_element_type3A_1099 : vector<64x1024xf32> to vector<64x1024xbf16>
    %jit3A_1101 = arith.constant -1.000000e+30 : f32
    %broadcast_in_dim3A_1102 = vector.broadcast %jit3A_1101 : f32 to vector<64x1024xf32>
    %select_n3A_1103 = arith.select %eq3A_1097, %broadcast_in_dim3A_1102, %neg3A_1036 : vector<64x1024xi1>, vector<64x1024xf32>
    %dot_general3A_1104 = arith.constant dense<0.000000e+00> : vector<24x1024xf32>
    %dot_general3A_1105 = tpu.matmul %concatenate3A_1049, %convert_element_type3A_1100, %dot_general3A_1104 {dimension_numbers = #tpu.dot_dimension_numbers<[1], [0], [0], [1], [0, 0, 1, 1], [], []>, transpose_lhs_hint = false} : vector<24x64xbf16>, vector<64x1024xbf16>, vector<24x1024xf32> -> vector<24x1024xf32>
    %slice3A_1106 = vector.extract_strided_slice %dot_general3A_1105 {offsets = [0, 0], sizes = [8, 1024], strides = [1, 1]} : vector<24x1024xf32> to vector<8x1024xf32>
    %add3A_1107 = arith.addf %broadcast_in_dim3A_1084, %slice3A_1106 : vector<8x1024xf32>
    %slice3A_1108 = vector.extract_strided_slice %dot_general3A_1105 {offsets = [8, 0], sizes = [8, 1024], strides = [1, 1]} : vector<24x1024xf32> to vector<8x1024xf32>
    %add3A_1109 = arith.addf %add3A_1107, %slice3A_1108 : vector<8x1024xf32>
    %slice3A_1110 = vector.extract_strided_slice %dot_general3A_1105 {offsets = [16, 0], sizes = [8, 1024], strides = [1, 1]} : vector<24x1024xf32> to vector<8x1024xf32>
    %add3A_1111 = arith.addf %add3A_1109, %slice3A_1110 : vector<8x1024xf32>
    %reduce_max3A_1112 = arith.constant dense<0xFF800000> : vector<1024xf32>
    %reduce_max3A_1113 = vector.multi_reduction <maximumf>, %select_n3A_1103, %reduce_max3A_1112 [0] : vector<64x1024xf32> to vector<1024xf32>
    %broadcast_in_dim3A_1114 = vector.shape_cast %reduce_max3A_1113 : vector<1024xf32> to vector<1x1024xf32>
    %ge3A_1115 = vector.broadcast %broadcast_in_dim3A_1114 : vector<1x1024xf32> to vector<64x1024xf32>
    %ge3A_1116 = arith.cmpf oge, %select_n3A_1103, %ge3A_1115 : vector<64x1024xf32>
    %jit3A_1117 = arith.constant 64 : i32
    %broadcast_in_dim3A_1118 = vector.broadcast %jit3A_1117 : i32 to vector<64x1024xi32>
    %select_n3A_1119 = arith.select %ge3A_1116, %iota3A_1082, %broadcast_in_dim3A_1118 : vector<64x1024xi1>, vector<64x1024xi32>
    %reduce_min3A_1120 = arith.constant dense<2147483647> : vector<1024xi32>
    %reduce_min3A_1121 = vector.multi_reduction <minsi>, %select_n3A_1119, %reduce_min3A_1120 [0] : vector<64x1024xi32> to vector<1024xi32>
    %broadcast_in_dim3A_1122 = vector.shape_cast %reduce_min3A_1121 : vector<1024xi32> to vector<1x1024xi32>
    %eq3A_1123 = vector.broadcast %broadcast_in_dim3A_1122 : vector<1x1024xi32> to vector<64x1024xi32>
    %eq3A_1124 = arith.cmpi eq, %iota3A_1082, %eq3A_1123 : vector<64x1024xi32>
    %convert_element_type3A_1125 = arith.extui %eq3A_1124 : vector<64x1024xi1> to vector<64x1024xi32>
    %convert_element_type3A_1126 = arith.sitofp %convert_element_type3A_1125 : vector<64x1024xi32> to vector<64x1024xf32>
    %convert_element_type3A_1127 = arith.truncf %convert_element_type3A_1126 : vector<64x1024xf32> to vector<64x1024xbf16>
    %jit3A_1128 = arith.constant -1.000000e+30 : f32
    %broadcast_in_dim3A_1129 = vector.broadcast %jit3A_1128 : f32 to vector<64x1024xf32>
    %select_n3A_1130 = arith.select %eq3A_1124, %broadcast_in_dim3A_1129, %select_n3A_1103 : vector<64x1024xi1>, vector<64x1024xf32>
    %dot_general3A_1131 = arith.constant dense<0.000000e+00> : vector<24x1024xf32>
    %dot_general3A_1132 = tpu.matmul %concatenate3A_1053, %convert_element_type3A_1127, %dot_general3A_1131 {dimension_numbers = #tpu.dot_dimension_numbers<[1], [0], [0], [1], [0, 0, 1, 1], [], []>, transpose_lhs_hint = false} : vector<24x64xbf16>, vector<64x1024xbf16>, vector<24x1024xf32> -> vector<24x1024xf32>
    %slice3A_1133 = vector.extract_strided_slice %dot_general3A_1132 {offsets = [0, 0], sizes = [8, 1024], strides = [1, 1]} : vector<24x1024xf32> to vector<8x1024xf32>
    %add3A_1134 = arith.addf %add3A_1111, %slice3A_1133 : vector<8x1024xf32>
    %slice3A_1135 = vector.extract_strided_slice %dot_general3A_1132 {offsets = [8, 0], sizes = [8, 1024], strides = [1, 1]} : vector<24x1024xf32> to vector<8x1024xf32>
    %add3A_1136 = arith.addf %add3A_1134, %slice3A_1135 : vector<8x1024xf32>
    %slice3A_1137 = vector.extract_strided_slice %dot_general3A_1132 {offsets = [16, 0], sizes = [8, 1024], strides = [1, 1]} : vector<24x1024xf32> to vector<8x1024xf32>
    %add3A_1138 = arith.addf %add3A_1136, %slice3A_1137 : vector<8x1024xf32>
    %reduce_max3A_1139 = arith.constant dense<0xFF800000> : vector<1024xf32>
    %reduce_max3A_1140 = vector.multi_reduction <maximumf>, %select_n3A_1130, %reduce_max3A_1139 [0] : vector<64x1024xf32> to vector<1024xf32>
    %broadcast_in_dim3A_1141 = vector.shape_cast %reduce_max3A_1140 : vector<1024xf32> to vector<1x1024xf32>
    %ge3A_1142 = vector.broadcast %broadcast_in_dim3A_1141 : vector<1x1024xf32> to vector<64x1024xf32>
    %ge3A_1143 = arith.cmpf oge, %select_n3A_1130, %ge3A_1142 : vector<64x1024xf32>
    %jit3A_1144 = arith.constant 64 : i32
    %broadcast_in_dim3A_1145 = vector.broadcast %jit3A_1144 : i32 to vector<64x1024xi32>
    %select_n3A_1146 = arith.select %ge3A_1143, %iota3A_1082, %broadcast_in_dim3A_1145 : vector<64x1024xi1>, vector<64x1024xi32>
    %reduce_min3A_1147 = arith.constant dense<2147483647> : vector<1024xi32>
    %reduce_min3A_1148 = vector.multi_reduction <minsi>, %select_n3A_1146, %reduce_min3A_1147 [0] : vector<64x1024xi32> to vector<1024xi32>
    %broadcast_in_dim3A_1149 = vector.shape_cast %reduce_min3A_1148 : vector<1024xi32> to vector<1x1024xi32>
    %eq3A_1150 = vector.broadcast %broadcast_in_dim3A_1149 : vector<1x1024xi32> to vector<64x1024xi32>
    %eq3A_1151 = arith.cmpi eq, %iota3A_1082, %eq3A_1150 : vector<64x1024xi32>
    %convert_element_type3A_1152 = arith.extui %eq3A_1151 : vector<64x1024xi1> to vector<64x1024xi32>
    %convert_element_type3A_1153 = arith.sitofp %convert_element_type3A_1152 : vector<64x1024xi32> to vector<64x1024xf32>
    %convert_element_type3A_1154 = arith.truncf %convert_element_type3A_1153 : vector<64x1024xf32> to vector<64x1024xbf16>
    %jit3A_1155 = arith.constant -1.000000e+30 : f32
    %broadcast_in_dim3A_1156 = vector.broadcast %jit3A_1155 : f32 to vector<64x1024xf32>
    %select_n3A_1157 = arith.select %eq3A_1151, %broadcast_in_dim3A_1156, %select_n3A_1130 : vector<64x1024xi1>, vector<64x1024xf32>
    %dot_general3A_1158 = arith.constant dense<0.000000e+00> : vector<24x1024xf32>
    %dot_general3A_1159 = tpu.matmul %concatenate3A_1057, %convert_element_type3A_1154, %dot_general3A_1158 {dimension_numbers = #tpu.dot_dimension_numbers<[1], [0], [0], [1], [0, 0, 1, 1], [], []>, transpose_lhs_hint = false} : vector<24x64xbf16>, vector<64x1024xbf16>, vector<24x1024xf32> -> vector<24x1024xf32>
    %slice3A_1160 = vector.extract_strided_slice %dot_general3A_1159 {offsets = [0, 0], sizes = [8, 1024], strides = [1, 1]} : vector<24x1024xf32> to vector<8x1024xf32>
    %add3A_1161 = arith.addf %add3A_1138, %slice3A_1160 : vector<8x1024xf32>
    %slice3A_1162 = vector.extract_strided_slice %dot_general3A_1159 {offsets = [8, 0], sizes = [8, 1024], strides = [1, 1]} : vector<24x1024xf32> to vector<8x1024xf32>
    %add3A_1163 = arith.addf %add3A_1161, %slice3A_1162 : vector<8x1024xf32>
    %slice3A_1164 = vector.extract_strided_slice %dot_general3A_1159 {offsets = [16, 0], sizes = [8, 1024], strides = [1, 1]} : vector<24x1024xf32> to vector<8x1024xf32>
    %add3A_1165 = arith.addf %add3A_1163, %slice3A_1164 : vector<8x1024xf32>
    %reduce_max3A_1166 = arith.constant dense<0xFF800000> : vector<1024xf32>
    %reduce_max3A_1167 = vector.multi_reduction <maximumf>, %select_n3A_1157, %reduce_max3A_1166 [0] : vector<64x1024xf32> to vector<1024xf32>
    %broadcast_in_dim3A_1168 = vector.shape_cast %reduce_max3A_1167 : vector<1024xf32> to vector<1x1024xf32>
    %ge3A_1169 = vector.broadcast %broadcast_in_dim3A_1168 : vector<1x1024xf32> to vector<64x1024xf32>
    %ge3A_1170 = arith.cmpf oge, %select_n3A_1157, %ge3A_1169 : vector<64x1024xf32>
    %jit3A_1171 = arith.constant 64 : i32
    %broadcast_in_dim3A_1172 = vector.broadcast %jit3A_1171 : i32 to vector<64x1024xi32>
    %select_n3A_1173 = arith.select %ge3A_1170, %iota3A_1082, %broadcast_in_dim3A_1172 : vector<64x1024xi1>, vector<64x1024xi32>
    %reduce_min3A_1174 = arith.constant dense<2147483647> : vector<1024xi32>
    %reduce_min3A_1175 = vector.multi_reduction <minsi>, %select_n3A_1173, %reduce_min3A_1174 [0] : vector<64x1024xi32> to vector<1024xi32>
    %broadcast_in_dim3A_1176 = vector.shape_cast %reduce_min3A_1175 : vector<1024xi32> to vector<1x1024xi32>
    %eq3A_1177 = vector.broadcast %broadcast_in_dim3A_1176 : vector<1x1024xi32> to vector<64x1024xi32>
    %eq3A_1178 = arith.cmpi eq, %iota3A_1082, %eq3A_1177 : vector<64x1024xi32>
    %convert_element_type3A_1179 = arith.extui %eq3A_1178 : vector<64x1024xi1> to vector<64x1024xi32>
    %convert_element_type3A_1180 = arith.sitofp %convert_element_type3A_1179 : vector<64x1024xi32> to vector<64x1024xf32>
    %convert_element_type3A_1181 = arith.truncf %convert_element_type3A_1180 : vector<64x1024xf32> to vector<64x1024xbf16>
    %jit3A_1182 = arith.constant -1.000000e+30 : f32
    %broadcast_in_dim3A_1183 = vector.broadcast %jit3A_1182 : f32 to vector<64x1024xf32>
    %select_n3A_1184 = arith.select %eq3A_1178, %broadcast_in_dim3A_1183, %select_n3A_1157 : vector<64x1024xi1>, vector<64x1024xf32>
    %dot_general3A_1185 = arith.constant dense<0.000000e+00> : vector<24x1024xf32>
    %dot_general3A_1186 = tpu.matmul %concatenate3A_1061, %convert_element_type3A_1181, %dot_general3A_1185 {dimension_numbers = #tpu.dot_dimension_numbers<[1], [0], [0], [1], [0, 0, 1, 1], [], []>, transpose_lhs_hint = false} : vector<24x64xbf16>, vector<64x1024xbf16>, vector<24x1024xf32> -> vector<24x1024xf32>
    %slice3A_1187 = vector.extract_strided_slice %dot_general3A_1186 {offsets = [0, 0], sizes = [8, 1024], strides = [1, 1]} : vector<24x1024xf32> to vector<8x1024xf32>
    %add3A_1188 = arith.addf %add3A_1165, %slice3A_1187 : vector<8x1024xf32>
    %slice3A_1189 = vector.extract_strided_slice %dot_general3A_1186 {offsets = [8, 0], sizes = [8, 1024], strides = [1, 1]} : vector<24x1024xf32> to vector<8x1024xf32>
    %add3A_1190 = arith.addf %add3A_1188, %slice3A_1189 : vector<8x1024xf32>
    %slice3A_1191 = vector.extract_strided_slice %dot_general3A_1186 {offsets = [16, 0], sizes = [8, 1024], strides = [1, 1]} : vector<24x1024xf32> to vector<8x1024xf32>
    %add3A_1192 = arith.addf %add3A_1190, %slice3A_1191 : vector<8x1024xf32>
    %reduce_max3A_1193 = arith.constant dense<0xFF800000> : vector<1024xf32>
    %reduce_max3A_1194 = vector.multi_reduction <maximumf>, %select_n3A_1184, %reduce_max3A_1193 [0] : vector<64x1024xf32> to vector<1024xf32>
    %broadcast_in_dim3A_1195 = vector.shape_cast %reduce_max3A_1194 : vector<1024xf32> to vector<1x1024xf32>
    %ge3A_1196 = vector.broadcast %broadcast_in_dim3A_1195 : vector<1x1024xf32> to vector<64x1024xf32>
    %ge3A_1197 = arith.cmpf oge, %select_n3A_1184, %ge3A_1196 : vector<64x1024xf32>
    %jit3A_1198 = arith.constant 64 : i32
    %broadcast_in_dim3A_1199 = vector.broadcast %jit3A_1198 : i32 to vector<64x1024xi32>
    %select_n3A_1200 = arith.select %ge3A_1197, %iota3A_1082, %broadcast_in_dim3A_1199 : vector<64x1024xi1>, vector<64x1024xi32>
    %reduce_min3A_1201 = arith.constant dense<2147483647> : vector<1024xi32>
    %reduce_min3A_1202 = vector.multi_reduction <minsi>, %select_n3A_1200, %reduce_min3A_1201 [0] : vector<64x1024xi32> to vector<1024xi32>
    %broadcast_in_dim3A_1203 = vector.shape_cast %reduce_min3A_1202 : vector<1024xi32> to vector<1x1024xi32>
    %eq3A_1204 = vector.broadcast %broadcast_in_dim3A_1203 : vector<1x1024xi32> to vector<64x1024xi32>
    %eq3A_1205 = arith.cmpi eq, %iota3A_1082, %eq3A_1204 : vector<64x1024xi32>
    %convert_element_type3A_1206 = arith.extui %eq3A_1205 : vector<64x1024xi1> to vector<64x1024xi32>
    %convert_element_type3A_1207 = arith.sitofp %convert_element_type3A_1206 : vector<64x1024xi32> to vector<64x1024xf32>
    %convert_element_type3A_1208 = arith.truncf %convert_element_type3A_1207 : vector<64x1024xf32> to vector<64x1024xbf16>
    %jit3A_1209 = arith.constant -1.000000e+30 : f32
    %broadcast_in_dim3A_1210 = vector.broadcast %jit3A_1209 : f32 to vector<64x1024xf32>
    %select_n3A_1211 = arith.select %eq3A_1205, %broadcast_in_dim3A_1210, %select_n3A_1184 : vector<64x1024xi1>, vector<64x1024xf32>
    %dot_general3A_1212 = arith.constant dense<0.000000e+00> : vector<24x1024xf32>
    %dot_general3A_1213 = tpu.matmul %concatenate3A_1065, %convert_element_type3A_1208, %dot_general3A_1212 {dimension_numbers = #tpu.dot_dimension_numbers<[1], [0], [0], [1], [0, 0, 1, 1], [], []>, transpose_lhs_hint = false} : vector<24x64xbf16>, vector<64x1024xbf16>, vector<24x1024xf32> -> vector<24x1024xf32>
    %slice3A_1214 = vector.extract_strided_slice %dot_general3A_1213 {offsets = [0, 0], sizes = [8, 1024], strides = [1, 1]} : vector<24x1024xf32> to vector<8x1024xf32>
    %add3A_1215 = arith.addf %add3A_1192, %slice3A_1214 : vector<8x1024xf32>
    %slice3A_1216 = vector.extract_strided_slice %dot_general3A_1213 {offsets = [8, 0], sizes = [8, 1024], strides = [1, 1]} : vector<24x1024xf32> to vector<8x1024xf32>
    %add3A_1217 = arith.addf %add3A_1215, %slice3A_1216 : vector<8x1024xf32>
    %slice3A_1218 = vector.extract_strided_slice %dot_general3A_1213 {offsets = [16, 0], sizes = [8, 1024], strides = [1, 1]} : vector<24x1024xf32> to vector<8x1024xf32>
    %add3A_1219 = arith.addf %add3A_1217, %slice3A_1218 : vector<8x1024xf32>
    %reduce_max3A_1220 = arith.constant dense<0xFF800000> : vector<1024xf32>
    %reduce_max3A_1221 = vector.multi_reduction <maximumf>, %select_n3A_1211, %reduce_max3A_1220 [0] : vector<64x1024xf32> to vector<1024xf32>
    %broadcast_in_dim3A_1222 = vector.shape_cast %reduce_max3A_1221 : vector<1024xf32> to vector<1x1024xf32>
    %ge3A_1223 = vector.broadcast %broadcast_in_dim3A_1222 : vector<1x1024xf32> to vector<64x1024xf32>
    %ge3A_1224 = arith.cmpf oge, %select_n3A_1211, %ge3A_1223 : vector<64x1024xf32>
    %jit3A_1225 = arith.constant 64 : i32
    %broadcast_in_dim3A_1226 = vector.broadcast %jit3A_1225 : i32 to vector<64x1024xi32>
    %select_n3A_1227 = arith.select %ge3A_1224, %iota3A_1082, %broadcast_in_dim3A_1226 : vector<64x1024xi1>, vector<64x1024xi32>
    %reduce_min3A_1228 = arith.constant dense<2147483647> : vector<1024xi32>
    %reduce_min3A_1229 = vector.multi_reduction <minsi>, %select_n3A_1227, %reduce_min3A_1228 [0] : vector<64x1024xi32> to vector<1024xi32>
    %broadcast_in_dim3A_1230 = vector.shape_cast %reduce_min3A_1229 : vector<1024xi32> to vector<1x1024xi32>
    %eq3A_1231 = vector.broadcast %broadcast_in_dim3A_1230 : vector<1x1024xi32> to vector<64x1024xi32>
    %eq3A_1232 = arith.cmpi eq, %iota3A_1082, %eq3A_1231 : vector<64x1024xi32>
    %convert_element_type3A_1233 = arith.extui %eq3A_1232 : vector<64x1024xi1> to vector<64x1024xi32>
    %convert_element_type3A_1234 = arith.sitofp %convert_element_type3A_1233 : vector<64x1024xi32> to vector<64x1024xf32>
    %convert_element_type3A_1235 = arith.truncf %convert_element_type3A_1234 : vector<64x1024xf32> to vector<64x1024xbf16>
    %jit3A_1236 = arith.constant -1.000000e+30 : f32
    %broadcast_in_dim3A_1237 = vector.broadcast %jit3A_1236 : f32 to vector<64x1024xf32>
    %select_n3A_1238 = arith.select %eq3A_1232, %broadcast_in_dim3A_1237, %select_n3A_1211 : vector<64x1024xi1>, vector<64x1024xf32>
    %dot_general3A_1239 = arith.constant dense<0.000000e+00> : vector<24x1024xf32>
    %dot_general3A_1240 = tpu.matmul %concatenate3A_1069, %convert_element_type3A_1235, %dot_general3A_1239 {dimension_numbers = #tpu.dot_dimension_numbers<[1], [0], [0], [1], [0, 0, 1, 1], [], []>, transpose_lhs_hint = false} : vector<24x64xbf16>, vector<64x1024xbf16>, vector<24x1024xf32> -> vector<24x1024xf32>
    %slice3A_1241 = vector.extract_strided_slice %dot_general3A_1240 {offsets = [0, 0], sizes = [8, 1024], strides = [1, 1]} : vector<24x1024xf32> to vector<8x1024xf32>
    %add3A_1242 = arith.addf %add3A_1219, %slice3A_1241 : vector<8x1024xf32>
    %slice3A_1243 = vector.extract_strided_slice %dot_general3A_1240 {offsets = [8, 0], sizes = [8, 1024], strides = [1, 1]} : vector<24x1024xf32> to vector<8x1024xf32>
    %add3A_1244 = arith.addf %add3A_1242, %slice3A_1243 : vector<8x1024xf32>
    %slice3A_1245 = vector.extract_strided_slice %dot_general3A_1240 {offsets = [16, 0], sizes = [8, 1024], strides = [1, 1]} : vector<24x1024xf32> to vector<8x1024xf32>
    %add3A_1246 = arith.addf %add3A_1244, %slice3A_1245 : vector<8x1024xf32>
    %reduce_max3A_1247 = arith.constant dense<0xFF800000> : vector<1024xf32>
    %reduce_max3A_1248 = vector.multi_reduction <maximumf>, %select_n3A_1238, %reduce_max3A_1247 [0] : vector<64x1024xf32> to vector<1024xf32>
    %broadcast_in_dim3A_1249 = vector.shape_cast %reduce_max3A_1248 : vector<1024xf32> to vector<1x1024xf32>
    %ge3A_1250 = vector.broadcast %broadcast_in_dim3A_1249 : vector<1x1024xf32> to vector<64x1024xf32>
    %ge3A_1251 = arith.cmpf oge, %select_n3A_1238, %ge3A_1250 : vector<64x1024xf32>
    %jit3A_1252 = arith.constant 64 : i32
    %broadcast_in_dim3A_1253 = vector.broadcast %jit3A_1252 : i32 to vector<64x1024xi32>
    %select_n3A_1254 = arith.select %ge3A_1251, %iota3A_1082, %broadcast_in_dim3A_1253 : vector<64x1024xi1>, vector<64x1024xi32>
    %reduce_min3A_1255 = arith.constant dense<2147483647> : vector<1024xi32>
    %reduce_min3A_1256 = vector.multi_reduction <minsi>, %select_n3A_1254, %reduce_min3A_1255 [0] : vector<64x1024xi32> to vector<1024xi32>
    %broadcast_in_dim3A_1257 = vector.shape_cast %reduce_min3A_1256 : vector<1024xi32> to vector<1x1024xi32>
    %eq3A_1258 = vector.broadcast %broadcast_in_dim3A_1257 : vector<1x1024xi32> to vector<64x1024xi32>
    %eq3A_1259 = arith.cmpi eq, %iota3A_1082, %eq3A_1258 : vector<64x1024xi32>
    %convert_element_type3A_1260 = arith.extui %eq3A_1259 : vector<64x1024xi1> to vector<64x1024xi32>
    %convert_element_type3A_1261 = arith.sitofp %convert_element_type3A_1260 : vector<64x1024xi32> to vector<64x1024xf32>
    %convert_element_type3A_1262 = arith.truncf %convert_element_type3A_1261 : vector<64x1024xf32> to vector<64x1024xbf16>
    %jit3A_1263 = arith.constant -1.000000e+30 : f32
    %broadcast_in_dim3A_1264 = vector.broadcast %jit3A_1263 : f32 to vector<64x1024xf32>
    %select_n3A_1265 = arith.select %eq3A_1259, %broadcast_in_dim3A_1264, %select_n3A_1238 : vector<64x1024xi1>, vector<64x1024xf32>
    %dot_general3A_1266 = arith.constant dense<0.000000e+00> : vector<24x1024xf32>
    %dot_general3A_1267 = tpu.matmul %concatenate3A_1073, %convert_element_type3A_1262, %dot_general3A_1266 {dimension_numbers = #tpu.dot_dimension_numbers<[1], [0], [0], [1], [0, 0, 1, 1], [], []>, transpose_lhs_hint = false} : vector<24x64xbf16>, vector<64x1024xbf16>, vector<24x1024xf32> -> vector<24x1024xf32>
    %slice3A_1268 = vector.extract_strided_slice %dot_general3A_1267 {offsets = [0, 0], sizes = [8, 1024], strides = [1, 1]} : vector<24x1024xf32> to vector<8x1024xf32>
    %add3A_1269 = arith.addf %add3A_1246, %slice3A_1268 : vector<8x1024xf32>
    %slice3A_1270 = vector.extract_strided_slice %dot_general3A_1267 {offsets = [8, 0], sizes = [8, 1024], strides = [1, 1]} : vector<24x1024xf32> to vector<8x1024xf32>
    %add3A_1271 = arith.addf %add3A_1269, %slice3A_1270 : vector<8x1024xf32>
    %slice3A_1272 = vector.extract_strided_slice %dot_general3A_1267 {offsets = [16, 0], sizes = [8, 1024], strides = [1, 1]} : vector<24x1024xf32> to vector<8x1024xf32>
    %add3A_1273 = arith.addf %add3A_1271, %slice3A_1272 : vector<8x1024xf32>
    %reduce_max3A_1274 = arith.constant dense<0xFF800000> : vector<1024xf32>
    %reduce_max3A_1275 = vector.multi_reduction <maximumf>, %select_n3A_1265, %reduce_max3A_1274 [0] : vector<64x1024xf32> to vector<1024xf32>
    %broadcast_in_dim3A_1276 = vector.shape_cast %reduce_max3A_1275 : vector<1024xf32> to vector<1x1024xf32>
    %ge3A_1277 = vector.broadcast %broadcast_in_dim3A_1276 : vector<1x1024xf32> to vector<64x1024xf32>
    %ge3A_1278 = arith.cmpf oge, %select_n3A_1265, %ge3A_1277 : vector<64x1024xf32>
    %jit3A_1279 = arith.constant 64 : i32
    %broadcast_in_dim3A_1280 = vector.broadcast %jit3A_1279 : i32 to vector<64x1024xi32>
    %select_n3A_1281 = arith.select %ge3A_1278, %iota3A_1082, %broadcast_in_dim3A_1280 : vector<64x1024xi1>, vector<64x1024xi32>
    %reduce_min3A_1282 = arith.constant dense<2147483647> : vector<1024xi32>
    %reduce_min3A_1283 = vector.multi_reduction <minsi>, %select_n3A_1281, %reduce_min3A_1282 [0] : vector<64x1024xi32> to vector<1024xi32>
    %broadcast_in_dim3A_1284 = vector.shape_cast %reduce_min3A_1283 : vector<1024xi32> to vector<1x1024xi32>
    %eq3A_1285 = vector.broadcast %broadcast_in_dim3A_1284 : vector<1x1024xi32> to vector<64x1024xi32>
    %eq3A_1286 = arith.cmpi eq, %iota3A_1082, %eq3A_1285 : vector<64x1024xi32>
    %convert_element_type3A_1287 = arith.extui %eq3A_1286 : vector<64x1024xi1> to vector<64x1024xi32>
    %convert_element_type3A_1288 = arith.sitofp %convert_element_type3A_1287 : vector<64x1024xi32> to vector<64x1024xf32>
    %convert_element_type3A_1289 = arith.truncf %convert_element_type3A_1288 : vector<64x1024xf32> to vector<64x1024xbf16>
    %jit3A_1290 = arith.constant -1.000000e+30 : f32
    %broadcast_in_dim3A_1291 = vector.broadcast %jit3A_1290 : f32 to vector<64x1024xf32>
    %select_n3A_1292 = arith.select %eq3A_1286, %broadcast_in_dim3A_1291, %select_n3A_1265 : vector<64x1024xi1>, vector<64x1024xf32>
    %dot_general3A_1293 = arith.constant dense<0.000000e+00> : vector<24x1024xf32>
    %dot_general3A_1294 = tpu.matmul %concatenate3A_1077, %convert_element_type3A_1289, %dot_general3A_1293 {dimension_numbers = #tpu.dot_dimension_numbers<[1], [0], [0], [1], [0, 0, 1, 1], [], []>, transpose_lhs_hint = false} : vector<24x64xbf16>, vector<64x1024xbf16>, vector<24x1024xf32> -> vector<24x1024xf32>
    %slice3A_1295 = vector.extract_strided_slice %dot_general3A_1294 {offsets = [0, 0], sizes = [8, 1024], strides = [1, 1]} : vector<24x1024xf32> to vector<8x1024xf32>
    %add3A_1296 = arith.addf %add3A_1273, %slice3A_1295 : vector<8x1024xf32>
    %slice3A_1297 = vector.extract_strided_slice %dot_general3A_1294 {offsets = [8, 0], sizes = [8, 1024], strides = [1, 1]} : vector<24x1024xf32> to vector<8x1024xf32>
    %add3A_1298 = arith.addf %add3A_1296, %slice3A_1297 : vector<8x1024xf32>
    %slice3A_1299 = vector.extract_strided_slice %dot_general3A_1294 {offsets = [16, 0], sizes = [8, 1024], strides = [1, 1]} : vector<24x1024xf32> to vector<8x1024xf32>
    %add3A_1300 = arith.addf %add3A_1298, %slice3A_1299 : vector<8x1024xf32>
    %reduce_max3A_1301 = arith.constant dense<0xFF800000> : vector<1024xf32>
    %reduce_max3A_1302 = vector.multi_reduction <maximumf>, %select_n3A_1292, %reduce_max3A_1301 [0] : vector<64x1024xf32> to vector<1024xf32>
    %broadcast_in_dim3A_1303 = vector.shape_cast %reduce_max3A_1302 : vector<1024xf32> to vector<1x1024xf32>
    %ge3A_1304 = vector.broadcast %broadcast_in_dim3A_1303 : vector<1x1024xf32> to vector<64x1024xf32>
    %ge3A_1305 = arith.cmpf oge, %select_n3A_1292, %ge3A_1304 : vector<64x1024xf32>
    %jit3A_1306 = arith.constant 64 : i32
    %broadcast_in_dim3A_1307 = vector.broadcast %jit3A_1306 : i32 to vector<64x1024xi32>
    %select_n3A_1308 = arith.select %ge3A_1305, %iota3A_1082, %broadcast_in_dim3A_1307 : vector<64x1024xi1>, vector<64x1024xi32>
    %reduce_min3A_1309 = arith.constant dense<2147483647> : vector<1024xi32>
    %reduce_min3A_1310 = vector.multi_reduction <minsi>, %select_n3A_1308, %reduce_min3A_1309 [0] : vector<64x1024xi32> to vector<1024xi32>
    %broadcast_in_dim3A_1311 = vector.shape_cast %reduce_min3A_1310 : vector<1024xi32> to vector<1x1024xi32>
    %eq3A_1312 = vector.broadcast %broadcast_in_dim3A_1311 : vector<1x1024xi32> to vector<64x1024xi32>
    %eq3A_1313 = arith.cmpi eq, %iota3A_1082, %eq3A_1312 : vector<64x1024xi32>
    %convert_element_type3A_1314 = arith.extui %eq3A_1313 : vector<64x1024xi1> to vector<64x1024xi32>
    %convert_element_type3A_1315 = arith.sitofp %convert_element_type3A_1314 : vector<64x1024xi32> to vector<64x1024xf32>
    %convert_element_type3A_1316 = arith.truncf %convert_element_type3A_1315 : vector<64x1024xf32> to vector<64x1024xbf16>
    %dot_general3A_1317 = arith.constant dense<0.000000e+00> : vector<24x1024xf32>
    %dot_general3A_1318 = tpu.matmul %concatenate3A_1081, %convert_element_type3A_1316, %dot_general3A_1317 {dimension_numbers = #tpu.dot_dimension_numbers<[1], [0], [0], [1], [0, 0, 1, 1], [], []>, transpose_lhs_hint = false} : vector<24x64xbf16>, vector<64x1024xbf16>, vector<24x1024xf32> -> vector<24x1024xf32>
    %slice3A_1319 = vector.extract_strided_slice %dot_general3A_1318 {offsets = [0, 0], sizes = [8, 1024], strides = [1, 1]} : vector<24x1024xf32> to vector<8x1024xf32>
    %add3A_1320 = arith.addf %add3A_1300, %slice3A_1319 : vector<8x1024xf32>
    %slice3A_1321 = vector.extract_strided_slice %dot_general3A_1318 {offsets = [8, 0], sizes = [8, 1024], strides = [1, 1]} : vector<24x1024xf32> to vector<8x1024xf32>
    %add3A_1322 = arith.addf %add3A_1320, %slice3A_1321 : vector<8x1024xf32>
    %slice3A_1323 = vector.extract_strided_slice %dot_general3A_1318 {offsets = [16, 0], sizes = [8, 1024], strides = [1, 1]} : vector<24x1024xf32> to vector<8x1024xf32>
    %add3A_1324 = arith.addf %add3A_1322, %slice3A_1323 : vector<8x1024xf32>
    %add3A_1325 = vector.broadcast %get3A_895 : vector<8x1xf32> to vector<8x1024xf32>
    %add3A_1326 = arith.addf %add3A_1324, %add3A_1325 : vector<8x1024xf32>
    %concatenate3A_1327 = tpu.concatenate %add3A_994, %add3A_1326 in 0 : vector<8x1024xf32>, vector<8x1024xf32> -> vector<16x1024xf32>
    %max3A_1328 = arith.constant 0.000000e+00 : f32
    %max3A_1329 = vector.broadcast %max3A_1328 : f32 to vector<16x1024xf32>
    %max3A_1330 = arith.maximumf %concatenate3A_1327, %max3A_1329 : vector<16x1024xf32>
    %get3A_1331 = arith.constant 0 : index
    %get3A_1332 = arith.constant 0 : index
    %get3A_1333 = vector.load %arg6[%get3A_1331, %get3A_1332] : memref<16x144xf32, #tpu.memory_space<vmem>>, vector<16x144xf32>
    %get3A_1334 = arith.constant 0 : index
    %get3A_1335 = arith.constant 0 : index
    %get3A_1336 = vector.load %arg7[%get3A_1334, %get3A_1335] : memref<16x1xf32, #tpu.memory_space<vmem>>, vector<16x1xf32>
    %get3A_1337 = arith.constant 0 : index
    %get3A_1338 = arith.constant 0 : index
    %get3A_1339 = vector.load %arg8[%get3A_1337, %get3A_1338] : memref<144x16xf32, #tpu.memory_space<vmem>>, vector<144x16xf32>
    %get3A_1340 = arith.constant 0 : index
    %get3A_1341 = arith.constant 0 : index
    %get3A_1342 = vector.load %arg9[%get3A_1340, %get3A_1341] : memref<16x1xf32, #tpu.memory_space<vmem>>, vector<16x1xf32>
    %get3A_1343 = arith.constant 0 : index
    %get3A_1344 = arith.constant 0 : index
    %get3A_1345 = vector.load %arg11[%get3A_1343, %get3A_1344] : memref<1x64xi32, #tpu.memory_space<vmem>>, vector<1x64xi32>
    %iota3A_1346 = tpu.iota {dimensions = array<i32: 1>} : vector<16x1024xi32>
    %jit3A_1347 = arith.constant 32 : i32
    %eq3A_1348 = arith.constant 0 : i32
    %eq3A_1349 = arith.cmpi eq, %jit3A_1347, %eq3A_1348 : i32
    %jit3A_1350 = arith.constant 1 : i32
    %select_n3A_1351 = arith.select %eq3A_1349, %jit3A_1350, %jit3A_1347 : i32
    %rem3A_1352 = vector.broadcast %select_n3A_1351 : i32 to vector<16x1024xi32>
    %rem3A_1353 = arith.remsi %iota3A_1346, %rem3A_1352 : vector<16x1024xi32>
    %ne3A_1354 = arith.constant 0 : i32
    %ne3A_1355 = vector.broadcast %ne3A_1354 : i32 to vector<16x1024xi32>
    %ne3A_1356 = arith.cmpi ne, %rem3A_1353, %ne3A_1355 : vector<16x1024xi32>
    %lt3A_1357 = arith.constant 0 : i32
    %lt3A_1358 = vector.broadcast %lt3A_1357 : i32 to vector<16x1024xi32>
    %lt3A_1359 = arith.cmpi slt, %rem3A_1353, %lt3A_1358 : vector<16x1024xi32>
    %lt3A_1360 = arith.constant 0 : i32
    %lt3A_1361 = arith.cmpi slt, %select_n3A_1351, %lt3A_1360 : i32
    %ne3A_1362 = vector.broadcast %lt3A_1361 : i1 to vector<16x1024xi1>
    %ne3A_1363 = vector.broadcast %ne3A_1362 : vector<16x1024xi1> to vector<16x1024xi1>
    %ne3A_1364 = arith.xori %lt3A_1359, %ne3A_1363 : vector<16x1024xi1>
    %and3A_1365 = arith.andi %ne3A_1364, %ne3A_1356 : vector<16x1024xi1>
    %add3A_1366 = vector.broadcast %select_n3A_1351 : i32 to vector<16x1024xi32>
    %add3A_1367 = arith.addi %rem3A_1353, %add3A_1366 : vector<16x1024xi32>
    %select_n3A_1368 = arith.select %and3A_1365, %add3A_1367, %rem3A_1353 : vector<16x1024xi1>, vector<16x1024xi32>
    %broadcast_in_dim3A_1369 = arith.constant 0.000000e+00 : f32
    %broadcast_in_dim3A_1370 = vector.broadcast %broadcast_in_dim3A_1369 : f32 to vector<16x33xf32>
    %slice3A_1371 = vector.extract_strided_slice %max3A_1330 {offsets = [0, 0], sizes = [16, 991], strides = [1, 1]} : vector<16x1024xf32> to vector<16x991xf32>
    %concatenate3A_1372 = tpu.concatenate %broadcast_in_dim3A_1370, %slice3A_1371 in 1 : vector<16x33xf32>, vector<16x991xf32> -> vector<16x1024xf32>
    %ge3A_1373 = arith.constant 1 : i32
    %ge3A_1374 = vector.broadcast %ge3A_1373 : i32 to vector<16x1024xi32>
    %ge3A_1375 = arith.cmpi sge, %select_n3A_1368, %ge3A_1374 : vector<16x1024xi32>
    %jit3A_1376 = arith.constant 0.000000e+00 : f32
    %broadcast_in_dim3A_1377 = vector.broadcast %jit3A_1376 : f32 to vector<16x1024xf32>
    %select_n3A_1378 = arith.select %ge3A_1375, %concatenate3A_1372, %broadcast_in_dim3A_1377 : vector<16x1024xi1>, vector<16x1024xf32>
    %broadcast_in_dim3A_1379 = arith.constant 0.000000e+00 : f32
    %broadcast_in_dim3A_1380 = vector.broadcast %broadcast_in_dim3A_1379 : f32 to vector<16x32xf32>
    %slice3A_1381 = vector.extract_strided_slice %max3A_1330 {offsets = [0, 0], sizes = [16, 992], strides = [1, 1]} : vector<16x1024xf32> to vector<16x992xf32>
    %concatenate3A_1382 = tpu.concatenate %broadcast_in_dim3A_1380, %slice3A_1381 in 1 : vector<16x32xf32>, vector<16x992xf32> -> vector<16x1024xf32>
    %broadcast_in_dim3A_1383 = arith.constant 0.000000e+00 : f32
    %broadcast_in_dim3A_1384 = vector.broadcast %broadcast_in_dim3A_1383 : f32 to vector<16x31xf32>
    %slice3A_1385 = vector.extract_strided_slice %max3A_1330 {offsets = [0, 0], sizes = [16, 993], strides = [1, 1]} : vector<16x1024xf32> to vector<16x993xf32>
    %concatenate3A_1386 = tpu.concatenate %broadcast_in_dim3A_1384, %slice3A_1385 in 1 : vector<16x31xf32>, vector<16x993xf32> -> vector<16x1024xf32>
    %le3A_1387 = arith.constant 30 : i32
    %le3A_1388 = vector.broadcast %le3A_1387 : i32 to vector<16x1024xi32>
    %le3A_1389 = arith.cmpi sle, %select_n3A_1368, %le3A_1388 : vector<16x1024xi32>
    %jit3A_1390 = arith.constant 0.000000e+00 : f32
    %broadcast_in_dim3A_1391 = vector.broadcast %jit3A_1390 : f32 to vector<16x1024xf32>
    %select_n3A_1392 = arith.select %le3A_1389, %concatenate3A_1386, %broadcast_in_dim3A_1391 : vector<16x1024xi1>, vector<16x1024xf32>
    %broadcast_in_dim3A_1393 = arith.constant 0.000000e+00 : f32
    %broadcast_in_dim3A_1394 = vector.broadcast %broadcast_in_dim3A_1393 : f32 to vector<16x1xf32>
    %slice3A_1395 = vector.extract_strided_slice %max3A_1330 {offsets = [0, 0], sizes = [16, 1023], strides = [1, 1]} : vector<16x1024xf32> to vector<16x1023xf32>
    %concatenate3A_1396 = tpu.concatenate %broadcast_in_dim3A_1394, %slice3A_1395 in 1 : vector<16x1xf32>, vector<16x1023xf32> -> vector<16x1024xf32>
    %ge3A_1397 = arith.constant 1 : i32
    %ge3A_1398 = vector.broadcast %ge3A_1397 : i32 to vector<16x1024xi32>
    %ge3A_1399 = arith.cmpi sge, %select_n3A_1368, %ge3A_1398 : vector<16x1024xi32>
    %jit3A_1400 = arith.constant 0.000000e+00 : f32
    %broadcast_in_dim3A_1401 = vector.broadcast %jit3A_1400 : f32 to vector<16x1024xf32>
    %select_n3A_1402 = arith.select %ge3A_1399, %concatenate3A_1396, %broadcast_in_dim3A_1401 : vector<16x1024xi1>, vector<16x1024xf32>
    %slice3A_1403 = vector.extract_strided_slice %max3A_1330 {offsets = [0, 1], sizes = [16, 1023], strides = [1, 1]} : vector<16x1024xf32> to vector<16x1023xf32>
    %broadcast_in_dim3A_1404 = arith.constant 0.000000e+00 : f32
    %broadcast_in_dim3A_1405 = vector.broadcast %broadcast_in_dim3A_1404 : f32 to vector<16x1xf32>
    %concatenate3A_1406 = tpu.concatenate %slice3A_1403, %broadcast_in_dim3A_1405 in 1 : vector<16x1023xf32>, vector<16x1xf32> -> vector<16x1024xf32>
    %le3A_1407 = arith.constant 30 : i32
    %le3A_1408 = vector.broadcast %le3A_1407 : i32 to vector<16x1024xi32>
    %le3A_1409 = arith.cmpi sle, %select_n3A_1368, %le3A_1408 : vector<16x1024xi32>
    %jit3A_1410 = arith.constant 0.000000e+00 : f32
    %broadcast_in_dim3A_1411 = vector.broadcast %jit3A_1410 : f32 to vector<16x1024xf32>
    %select_n3A_1412 = arith.select %le3A_1409, %concatenate3A_1406, %broadcast_in_dim3A_1411 : vector<16x1024xi1>, vector<16x1024xf32>
    %slice3A_1413 = vector.extract_strided_slice %max3A_1330 {offsets = [0, 31], sizes = [16, 993], strides = [1, 1]} : vector<16x1024xf32> to vector<16x993xf32>
    %broadcast_in_dim3A_1414 = arith.constant 0.000000e+00 : f32
    %broadcast_in_dim3A_1415 = vector.broadcast %broadcast_in_dim3A_1414 : f32 to vector<16x31xf32>
    %concatenate3A_1416 = tpu.concatenate %slice3A_1413, %broadcast_in_dim3A_1415 in 1 : vector<16x993xf32>, vector<16x31xf32> -> vector<16x1024xf32>
    %ge3A_1417 = arith.constant 1 : i32
    %ge3A_1418 = vector.broadcast %ge3A_1417 : i32 to vector<16x1024xi32>
    %ge3A_1419 = arith.cmpi sge, %select_n3A_1368, %ge3A_1418 : vector<16x1024xi32>
    %jit3A_1420 = arith.constant 0.000000e+00 : f32
    %broadcast_in_dim3A_1421 = vector.broadcast %jit3A_1420 : f32 to vector<16x1024xf32>
    %select_n3A_1422 = arith.select %ge3A_1419, %concatenate3A_1416, %broadcast_in_dim3A_1421 : vector<16x1024xi1>, vector<16x1024xf32>
    %slice3A_1423 = vector.extract_strided_slice %max3A_1330 {offsets = [0, 32], sizes = [16, 992], strides = [1, 1]} : vector<16x1024xf32> to vector<16x992xf32>
    %broadcast_in_dim3A_1424 = arith.constant 0.000000e+00 : f32
    %broadcast_in_dim3A_1425 = vector.broadcast %broadcast_in_dim3A_1424 : f32 to vector<16x32xf32>
    %concatenate3A_1426 = tpu.concatenate %slice3A_1423, %broadcast_in_dim3A_1425 in 1 : vector<16x992xf32>, vector<16x32xf32> -> vector<16x1024xf32>
    %slice3A_1427 = vector.extract_strided_slice %max3A_1330 {offsets = [0, 33], sizes = [16, 991], strides = [1, 1]} : vector<16x1024xf32> to vector<16x991xf32>
    %broadcast_in_dim3A_1428 = arith.constant 0.000000e+00 : f32
    %broadcast_in_dim3A_1429 = vector.broadcast %broadcast_in_dim3A_1428 : f32 to vector<16x33xf32>
    %concatenate3A_1430 = tpu.concatenate %slice3A_1427, %broadcast_in_dim3A_1429 in 1 : vector<16x991xf32>, vector<16x33xf32> -> vector<16x1024xf32>
    %le3A_1431 = arith.constant 30 : i32
    %le3A_1432 = vector.broadcast %le3A_1431 : i32 to vector<16x1024xi32>
    %le3A_1433 = arith.cmpi sle, %select_n3A_1368, %le3A_1432 : vector<16x1024xi32>
    %jit3A_1434 = arith.constant 0.000000e+00 : f32
    %broadcast_in_dim3A_1435 = vector.broadcast %jit3A_1434 : f32 to vector<16x1024xf32>
    %select_n3A_1436 = arith.select %le3A_1433, %concatenate3A_1430, %broadcast_in_dim3A_1435 : vector<16x1024xi1>, vector<16x1024xf32>
    %concatenate3A_1437 = tpu.concatenate %select_n3A_1378, %concatenate3A_1382, %select_n3A_1392, %select_n3A_1402, %max3A_1330, %select_n3A_1412, %select_n3A_1422, %concatenate3A_1426, %select_n3A_1436 in 0 : vector<16x1024xf32>, vector<16x1024xf32>, vector<16x1024xf32>, vector<16x1024xf32>, vector<16x1024xf32>, vector<16x1024xf32>, vector<16x1024xf32>, vector<16x1024xf32>, vector<16x1024xf32> -> vector<144x1024xf32>
    %dot_general3A_1438 = arith.constant dense<0.000000e+00> : vector<16x1024xf32>
    %dot_general3A_1439 = tpu.matmul %get3A_1333, %concatenate3A_1437, %dot_general3A_1438 {dimension_numbers = #tpu.dot_dimension_numbers<[1], [0], [0], [1], [0, 0, 1, 1], [], []>, transpose_lhs_hint = false} : vector<16x144xf32>, vector<144x1024xf32>, vector<16x1024xf32> -> vector<16x1024xf32>
    %add3A_1440 = vector.broadcast %get3A_1336 : vector<16x1xf32> to vector<16x1024xf32>
    %add3A_1441 = arith.addf %dot_general3A_1439, %add3A_1440 : vector<16x1024xf32>
    %iota3A_1442 = tpu.iota {dimensions = array<i32: 0>} : vector<1024x64xi32>
    %eq3A_1443 = vector.broadcast %get3A_1345 : vector<1x64xi32> to vector<1024x64xi32>
    %eq3A_1444 = arith.cmpi eq, %iota3A_1442, %eq3A_1443 : vector<1024x64xi32>
    %convert_element_type3A_1445 = arith.extui %eq3A_1444 : vector<1024x64xi1> to vector<1024x64xi32>
    %convert_element_type3A_1446 = arith.sitofp %convert_element_type3A_1445 : vector<1024x64xi32> to vector<1024x64xf32>
    %convert_element_type3A_1447 = arith.truncf %convert_element_type3A_1446 : vector<1024x64xf32> to vector<1024x64xbf16>
    %convert_element_type3A_1448 = arith.truncf %max3A_1330 : vector<16x1024xf32> to vector<16x1024xbf16>
    %convert_element_type3A_1449 = arith.extf %convert_element_type3A_1448 : vector<16x1024xbf16> to vector<16x1024xf32>
    %sub3A_1450 = arith.subf %max3A_1330, %convert_element_type3A_1449 : vector<16x1024xf32>
    %convert_element_type3A_1451 = arith.truncf %sub3A_1450 : vector<16x1024xf32> to vector<16x1024xbf16>
    %convert_element_type3A_1452 = arith.extf %convert_element_type3A_1451 : vector<16x1024xbf16> to vector<16x1024xf32>
    %sub3A_1453 = arith.subf %sub3A_1450, %convert_element_type3A_1452 : vector<16x1024xf32>
    %convert_element_type3A_1454 = arith.truncf %sub3A_1453 : vector<16x1024xf32> to vector<16x1024xbf16>
    %dot_general3A_1455 = arith.constant dense<0.000000e+00> : vector<16x64xf32>
    %dot_general3A_1456 = tpu.matmul %convert_element_type3A_1448, %convert_element_type3A_1447, %dot_general3A_1455 {dimension_numbers = #tpu.dot_dimension_numbers<[1], [0], [0], [1], [0, 0, 1, 1], [], []>, transpose_lhs_hint = false} : vector<16x1024xbf16>, vector<1024x64xbf16>, vector<16x64xf32> -> vector<16x64xf32>
    %dot_general3A_1457 = arith.constant dense<0.000000e+00> : vector<16x64xf32>
    %dot_general3A_1458 = tpu.matmul %convert_element_type3A_1451, %convert_element_type3A_1447, %dot_general3A_1457 {dimension_numbers = #tpu.dot_dimension_numbers<[1], [0], [0], [1], [0, 0, 1, 1], [], []>, transpose_lhs_hint = false} : vector<16x1024xbf16>, vector<1024x64xbf16>, vector<16x64xf32> -> vector<16x64xf32>
    %add3A_1459 = arith.addf %dot_general3A_1456, %dot_general3A_1458 : vector<16x64xf32>
    %dot_general3A_1460 = arith.constant dense<0.000000e+00> : vector<16x64xf32>
    %dot_general3A_1461 = tpu.matmul %convert_element_type3A_1454, %convert_element_type3A_1447, %dot_general3A_1460 {dimension_numbers = #tpu.dot_dimension_numbers<[1], [0], [0], [1], [0, 0, 1, 1], [], []>, transpose_lhs_hint = false} : vector<16x1024xbf16>, vector<1024x64xbf16>, vector<16x64xf32> -> vector<16x64xf32>
    %add3A_1462 = arith.addf %add3A_1459, %dot_general3A_1461 : vector<16x64xf32>
    %transpose3A_1463 = tpu.transpose %add3A_1462, [1, 0] : vector<16x64xf32> -> vector<64x16xf32>
    %mul3A_1464 = arith.mulf %max3A_1330, %max3A_1330 : vector<16x1024xf32>
    %reduce_sum3A_1465 = arith.constant dense<0.000000e+00> : vector<1024xf32>
    %reduce_sum3A_1466 = vector.multi_reduction <add>, %mul3A_1464, %reduce_sum3A_1465 [0] : vector<16x1024xf32> to vector<1024xf32>
    %broadcast_in_dim3A_1467 = vector.shape_cast %reduce_sum3A_1466 : vector<1024xf32> to vector<1x1024xf32>
    %mul3A_1468 = arith.mulf %transpose3A_1463, %transpose3A_1463 : vector<64x16xf32>
    %reduce_sum3A_1469 = arith.constant dense<0.000000e+00> : vector<64xf32>
    %reduce_sum3A_1470 = vector.multi_reduction <add>, %mul3A_1468, %reduce_sum3A_1469 [1] : vector<64x16xf32> to vector<64xf32>
    %broadcast_in_dim3A_1471 = vector.shape_cast %reduce_sum3A_1470 : vector<64xf32> to vector<64x1xf32>
    %dot_general3A_1472 = arith.constant dense<0.000000e+00> : vector<64x1024xf32>
    %dot_general3A_1473 = tpu.matmul %transpose3A_1463, %max3A_1330, %dot_general3A_1472 {dimension_numbers = #tpu.dot_dimension_numbers<[1], [0], [0], [1], [0, 0, 1, 1], [], []>, transpose_lhs_hint = false} : vector<64x16xf32>, vector<16x1024xf32>, vector<64x1024xf32> -> vector<64x1024xf32>
    %mul3A_1474 = arith.constant 2.000000e+00 : f32
    %mul3A_1475 = vector.broadcast %mul3A_1474 : f32 to vector<64x1024xf32>
    %mul3A_1476 = arith.mulf %mul3A_1475, %dot_general3A_1473 : vector<64x1024xf32>
    %sub3A_1477 = vector.broadcast %broadcast_in_dim3A_1467 : vector<1x1024xf32> to vector<64x1024xf32>
    %sub3A_1478 = arith.subf %sub3A_1477, %mul3A_1476 : vector<64x1024xf32>
    %add3A_1479 = vector.broadcast %broadcast_in_dim3A_1471 : vector<64x1xf32> to vector<64x1024xf32>
    %add3A_1480 = arith.addf %sub3A_1478, %add3A_1479 : vector<64x1024xf32>
    %neg3A_1481 = arith.constant 0.000000e+00 : f32
    %neg3A_1482 = vector.broadcast %neg3A_1481 : f32 to vector<64x1024xf32>
    %neg3A_1483 = arith.subf %neg3A_1482, %add3A_1480 : vector<64x1024xf32>
    %dot_general3A_1484 = arith.constant dense<0.000000e+00> : vector<144x64xf32>
    %dot_general3A_1485 = tpu.matmul %get3A_1339, %add3A_1462, %dot_general3A_1484 {dimension_numbers = #tpu.dot_dimension_numbers<[1], [0], [0], [1], [0, 0, 1, 1], [], []>, transpose_lhs_hint = false} : vector<144x16xf32>, vector<16x64xf32>, vector<144x64xf32> -> vector<144x64xf32>
    %convert_element_type3A_1486 = arith.truncf %dot_general3A_1485 : vector<144x64xf32> to vector<144x64xbf16>
    %convert_element_type3A_1487 = arith.extf %convert_element_type3A_1486 : vector<144x64xbf16> to vector<144x64xf32>
    %sub3A_1488 = arith.subf %dot_general3A_1485, %convert_element_type3A_1487 : vector<144x64xf32>
    %convert_element_type3A_1489 = arith.truncf %sub3A_1488 : vector<144x64xf32> to vector<144x64xbf16>
    %convert_element_type3A_1490 = arith.extf %convert_element_type3A_1489 : vector<144x64xbf16> to vector<144x64xf32>
    %sub3A_1491 = arith.subf %sub3A_1488, %convert_element_type3A_1490 : vector<144x64xf32>
    %convert_element_type3A_1492 = arith.truncf %sub3A_1491 : vector<144x64xf32> to vector<144x64xbf16>
    %slice3A_1493 = vector.extract_strided_slice %convert_element_type3A_1486 {offsets = [0, 0], sizes = [16, 64], strides = [1, 1]} : vector<144x64xbf16> to vector<16x64xbf16>
    %slice3A_1494 = vector.extract_strided_slice %convert_element_type3A_1489 {offsets = [0, 0], sizes = [16, 64], strides = [1, 1]} : vector<144x64xbf16> to vector<16x64xbf16>
    %slice3A_1495 = vector.extract_strided_slice %convert_element_type3A_1492 {offsets = [0, 0], sizes = [16, 64], strides = [1, 1]} : vector<144x64xbf16> to vector<16x64xbf16>
    %concatenate3A_1496 = tpu.concatenate %slice3A_1493, %slice3A_1494, %slice3A_1495 in 0 : vector<16x64xbf16>, vector<16x64xbf16>, vector<16x64xbf16> -> vector<48x64xbf16>
    %slice3A_1497 = vector.extract_strided_slice %convert_element_type3A_1486 {offsets = [16, 0], sizes = [16, 64], strides = [1, 1]} : vector<144x64xbf16> to vector<16x64xbf16>
    %slice3A_1498 = vector.extract_strided_slice %convert_element_type3A_1489 {offsets = [16, 0], sizes = [16, 64], strides = [1, 1]} : vector<144x64xbf16> to vector<16x64xbf16>
    %slice3A_1499 = vector.extract_strided_slice %convert_element_type3A_1492 {offsets = [16, 0], sizes = [16, 64], strides = [1, 1]} : vector<144x64xbf16> to vector<16x64xbf16>
    %concatenate3A_1500 = tpu.concatenate %slice3A_1497, %slice3A_1498, %slice3A_1499 in 0 : vector<16x64xbf16>, vector<16x64xbf16>, vector<16x64xbf16> -> vector<48x64xbf16>
    %slice3A_1501 = vector.extract_strided_slice %convert_element_type3A_1486 {offsets = [32, 0], sizes = [16, 64], strides = [1, 1]} : vector<144x64xbf16> to vector<16x64xbf16>
    %slice3A_1502 = vector.extract_strided_slice %convert_element_type3A_1489 {offsets = [32, 0], sizes = [16, 64], strides = [1, 1]} : vector<144x64xbf16> to vector<16x64xbf16>
    %slice3A_1503 = vector.extract_strided_slice %convert_element_type3A_1492 {offsets = [32, 0], sizes = [16, 64], strides = [1, 1]} : vector<144x64xbf16> to vector<16x64xbf16>
    %concatenate3A_1504 = tpu.concatenate %slice3A_1501, %slice3A_1502, %slice3A_1503 in 0 : vector<16x64xbf16>, vector<16x64xbf16>, vector<16x64xbf16> -> vector<48x64xbf16>
    %slice3A_1505 = vector.extract_strided_slice %convert_element_type3A_1486 {offsets = [48, 0], sizes = [16, 64], strides = [1, 1]} : vector<144x64xbf16> to vector<16x64xbf16>
    %slice3A_1506 = vector.extract_strided_slice %convert_element_type3A_1489 {offsets = [48, 0], sizes = [16, 64], strides = [1, 1]} : vector<144x64xbf16> to vector<16x64xbf16>
    %slice3A_1507 = vector.extract_strided_slice %convert_element_type3A_1492 {offsets = [48, 0], sizes = [16, 64], strides = [1, 1]} : vector<144x64xbf16> to vector<16x64xbf16>
    %concatenate3A_1508 = tpu.concatenate %slice3A_1505, %slice3A_1506, %slice3A_1507 in 0 : vector<16x64xbf16>, vector<16x64xbf16>, vector<16x64xbf16> -> vector<48x64xbf16>
    %slice3A_1509 = vector.extract_strided_slice %convert_element_type3A_1486 {offsets = [64, 0], sizes = [16, 64], strides = [1, 1]} : vector<144x64xbf16> to vector<16x64xbf16>
    %slice3A_1510 = vector.extract_strided_slice %convert_element_type3A_1489 {offsets = [64, 0], sizes = [16, 64], strides = [1, 1]} : vector<144x64xbf16> to vector<16x64xbf16>
    %slice3A_1511 = vector.extract_strided_slice %convert_element_type3A_1492 {offsets = [64, 0], sizes = [16, 64], strides = [1, 1]} : vector<144x64xbf16> to vector<16x64xbf16>
    %concatenate3A_1512 = tpu.concatenate %slice3A_1509, %slice3A_1510, %slice3A_1511 in 0 : vector<16x64xbf16>, vector<16x64xbf16>, vector<16x64xbf16> -> vector<48x64xbf16>
    %slice3A_1513 = vector.extract_strided_slice %convert_element_type3A_1486 {offsets = [80, 0], sizes = [16, 64], strides = [1, 1]} : vector<144x64xbf16> to vector<16x64xbf16>
    %slice3A_1514 = vector.extract_strided_slice %convert_element_type3A_1489 {offsets = [80, 0], sizes = [16, 64], strides = [1, 1]} : vector<144x64xbf16> to vector<16x64xbf16>
    %slice3A_1515 = vector.extract_strided_slice %convert_element_type3A_1492 {offsets = [80, 0], sizes = [16, 64], strides = [1, 1]} : vector<144x64xbf16> to vector<16x64xbf16>
    %concatenate3A_1516 = tpu.concatenate %slice3A_1513, %slice3A_1514, %slice3A_1515 in 0 : vector<16x64xbf16>, vector<16x64xbf16>, vector<16x64xbf16> -> vector<48x64xbf16>
    %slice3A_1517 = vector.extract_strided_slice %convert_element_type3A_1486 {offsets = [96, 0], sizes = [16, 64], strides = [1, 1]} : vector<144x64xbf16> to vector<16x64xbf16>
    %slice3A_1518 = vector.extract_strided_slice %convert_element_type3A_1489 {offsets = [96, 0], sizes = [16, 64], strides = [1, 1]} : vector<144x64xbf16> to vector<16x64xbf16>
    %slice3A_1519 = vector.extract_strided_slice %convert_element_type3A_1492 {offsets = [96, 0], sizes = [16, 64], strides = [1, 1]} : vector<144x64xbf16> to vector<16x64xbf16>
    %concatenate3A_1520 = tpu.concatenate %slice3A_1517, %slice3A_1518, %slice3A_1519 in 0 : vector<16x64xbf16>, vector<16x64xbf16>, vector<16x64xbf16> -> vector<48x64xbf16>
    %slice3A_1521 = vector.extract_strided_slice %convert_element_type3A_1486 {offsets = [112, 0], sizes = [16, 64], strides = [1, 1]} : vector<144x64xbf16> to vector<16x64xbf16>
    %slice3A_1522 = vector.extract_strided_slice %convert_element_type3A_1489 {offsets = [112, 0], sizes = [16, 64], strides = [1, 1]} : vector<144x64xbf16> to vector<16x64xbf16>
    %slice3A_1523 = vector.extract_strided_slice %convert_element_type3A_1492 {offsets = [112, 0], sizes = [16, 64], strides = [1, 1]} : vector<144x64xbf16> to vector<16x64xbf16>
    %concatenate3A_1524 = tpu.concatenate %slice3A_1521, %slice3A_1522, %slice3A_1523 in 0 : vector<16x64xbf16>, vector<16x64xbf16>, vector<16x64xbf16> -> vector<48x64xbf16>
    %slice3A_1525 = vector.extract_strided_slice %convert_element_type3A_1486 {offsets = [128, 0], sizes = [16, 64], strides = [1, 1]} : vector<144x64xbf16> to vector<16x64xbf16>
    %slice3A_1526 = vector.extract_strided_slice %convert_element_type3A_1489 {offsets = [128, 0], sizes = [16, 64], strides = [1, 1]} : vector<144x64xbf16> to vector<16x64xbf16>
    %slice3A_1527 = vector.extract_strided_slice %convert_element_type3A_1492 {offsets = [128, 0], sizes = [16, 64], strides = [1, 1]} : vector<144x64xbf16> to vector<16x64xbf16>
    %concatenate3A_1528 = tpu.concatenate %slice3A_1525, %slice3A_1526, %slice3A_1527 in 0 : vector<16x64xbf16>, vector<16x64xbf16>, vector<16x64xbf16> -> vector<48x64xbf16>
    %iota3A_1529 = tpu.iota {dimensions = array<i32: 0>} : vector<64x1024xi32>
    %broadcast_in_dim3A_1530 = arith.constant 0.000000e+00 : f32
    %broadcast_in_dim3A_1531 = vector.broadcast %broadcast_in_dim3A_1530 : f32 to vector<16x1024xf32>
    %reduce_max3A_1532 = arith.constant dense<0xFF800000> : vector<1024xf32>
    %reduce_max3A_1533 = vector.multi_reduction <maximumf>, %neg3A_1483, %reduce_max3A_1532 [0] : vector<64x1024xf32> to vector<1024xf32>
    %broadcast_in_dim3A_1534 = vector.shape_cast %reduce_max3A_1533 : vector<1024xf32> to vector<1x1024xf32>
    %ge3A_1535 = vector.broadcast %broadcast_in_dim3A_1534 : vector<1x1024xf32> to vector<64x1024xf32>
    %ge3A_1536 = arith.cmpf oge, %neg3A_1483, %ge3A_1535 : vector<64x1024xf32>
    %jit3A_1537 = arith.constant 64 : i32
    %broadcast_in_dim3A_1538 = vector.broadcast %jit3A_1537 : i32 to vector<64x1024xi32>
    %select_n3A_1539 = arith.select %ge3A_1536, %iota3A_1529, %broadcast_in_dim3A_1538 : vector<64x1024xi1>, vector<64x1024xi32>
    %reduce_min3A_1540 = arith.constant dense<2147483647> : vector<1024xi32>
    %reduce_min3A_1541 = vector.multi_reduction <minsi>, %select_n3A_1539, %reduce_min3A_1540 [0] : vector<64x1024xi32> to vector<1024xi32>
    %broadcast_in_dim3A_1542 = vector.shape_cast %reduce_min3A_1541 : vector<1024xi32> to vector<1x1024xi32>
    %eq3A_1543 = vector.broadcast %broadcast_in_dim3A_1542 : vector<1x1024xi32> to vector<64x1024xi32>
    %eq3A_1544 = arith.cmpi eq, %iota3A_1529, %eq3A_1543 : vector<64x1024xi32>
    %convert_element_type3A_1545 = arith.extui %eq3A_1544 : vector<64x1024xi1> to vector<64x1024xi32>
    %convert_element_type3A_1546 = arith.sitofp %convert_element_type3A_1545 : vector<64x1024xi32> to vector<64x1024xf32>
    %convert_element_type3A_1547 = arith.truncf %convert_element_type3A_1546 : vector<64x1024xf32> to vector<64x1024xbf16>
    %jit3A_1548 = arith.constant -1.000000e+30 : f32
    %broadcast_in_dim3A_1549 = vector.broadcast %jit3A_1548 : f32 to vector<64x1024xf32>
    %select_n3A_1550 = arith.select %eq3A_1544, %broadcast_in_dim3A_1549, %neg3A_1483 : vector<64x1024xi1>, vector<64x1024xf32>
    %dot_general3A_1551 = arith.constant dense<0.000000e+00> : vector<48x1024xf32>
    %dot_general3A_1552 = tpu.matmul %concatenate3A_1496, %convert_element_type3A_1547, %dot_general3A_1551 {dimension_numbers = #tpu.dot_dimension_numbers<[1], [0], [0], [1], [0, 0, 1, 1], [], []>, transpose_lhs_hint = false} : vector<48x64xbf16>, vector<64x1024xbf16>, vector<48x1024xf32> -> vector<48x1024xf32>
    %slice3A_1553 = vector.extract_strided_slice %dot_general3A_1552 {offsets = [0, 0], sizes = [16, 1024], strides = [1, 1]} : vector<48x1024xf32> to vector<16x1024xf32>
    %add3A_1554 = arith.addf %broadcast_in_dim3A_1531, %slice3A_1553 : vector<16x1024xf32>
    %slice3A_1555 = vector.extract_strided_slice %dot_general3A_1552 {offsets = [16, 0], sizes = [16, 1024], strides = [1, 1]} : vector<48x1024xf32> to vector<16x1024xf32>
    %add3A_1556 = arith.addf %add3A_1554, %slice3A_1555 : vector<16x1024xf32>
    %slice3A_1557 = vector.extract_strided_slice %dot_general3A_1552 {offsets = [32, 0], sizes = [16, 1024], strides = [1, 1]} : vector<48x1024xf32> to vector<16x1024xf32>
    %add3A_1558 = arith.addf %add3A_1556, %slice3A_1557 : vector<16x1024xf32>
    %reduce_max3A_1559 = arith.constant dense<0xFF800000> : vector<1024xf32>
    %reduce_max3A_1560 = vector.multi_reduction <maximumf>, %select_n3A_1550, %reduce_max3A_1559 [0] : vector<64x1024xf32> to vector<1024xf32>
    %broadcast_in_dim3A_1561 = vector.shape_cast %reduce_max3A_1560 : vector<1024xf32> to vector<1x1024xf32>
    %ge3A_1562 = vector.broadcast %broadcast_in_dim3A_1561 : vector<1x1024xf32> to vector<64x1024xf32>
    %ge3A_1563 = arith.cmpf oge, %select_n3A_1550, %ge3A_1562 : vector<64x1024xf32>
    %jit3A_1564 = arith.constant 64 : i32
    %broadcast_in_dim3A_1565 = vector.broadcast %jit3A_1564 : i32 to vector<64x1024xi32>
    %select_n3A_1566 = arith.select %ge3A_1563, %iota3A_1529, %broadcast_in_dim3A_1565 : vector<64x1024xi1>, vector<64x1024xi32>
    %reduce_min3A_1567 = arith.constant dense<2147483647> : vector<1024xi32>
    %reduce_min3A_1568 = vector.multi_reduction <minsi>, %select_n3A_1566, %reduce_min3A_1567 [0] : vector<64x1024xi32> to vector<1024xi32>
    %broadcast_in_dim3A_1569 = vector.shape_cast %reduce_min3A_1568 : vector<1024xi32> to vector<1x1024xi32>
    %eq3A_1570 = vector.broadcast %broadcast_in_dim3A_1569 : vector<1x1024xi32> to vector<64x1024xi32>
    %eq3A_1571 = arith.cmpi eq, %iota3A_1529, %eq3A_1570 : vector<64x1024xi32>
    %convert_element_type3A_1572 = arith.extui %eq3A_1571 : vector<64x1024xi1> to vector<64x1024xi32>
    %convert_element_type3A_1573 = arith.sitofp %convert_element_type3A_1572 : vector<64x1024xi32> to vector<64x1024xf32>
    %convert_element_type3A_1574 = arith.truncf %convert_element_type3A_1573 : vector<64x1024xf32> to vector<64x1024xbf16>
    %jit3A_1575 = arith.constant -1.000000e+30 : f32
    %broadcast_in_dim3A_1576 = vector.broadcast %jit3A_1575 : f32 to vector<64x1024xf32>
    %select_n3A_1577 = arith.select %eq3A_1571, %broadcast_in_dim3A_1576, %select_n3A_1550 : vector<64x1024xi1>, vector<64x1024xf32>
    %dot_general3A_1578 = arith.constant dense<0.000000e+00> : vector<48x1024xf32>
    %dot_general3A_1579 = tpu.matmul %concatenate3A_1500, %convert_element_type3A_1574, %dot_general3A_1578 {dimension_numbers = #tpu.dot_dimension_numbers<[1], [0], [0], [1], [0, 0, 1, 1], [], []>, transpose_lhs_hint = false} : vector<48x64xbf16>, vector<64x1024xbf16>, vector<48x1024xf32> -> vector<48x1024xf32>
    %slice3A_1580 = vector.extract_strided_slice %dot_general3A_1579 {offsets = [0, 0], sizes = [16, 1024], strides = [1, 1]} : vector<48x1024xf32> to vector<16x1024xf32>
    %add3A_1581 = arith.addf %add3A_1558, %slice3A_1580 : vector<16x1024xf32>
    %slice3A_1582 = vector.extract_strided_slice %dot_general3A_1579 {offsets = [16, 0], sizes = [16, 1024], strides = [1, 1]} : vector<48x1024xf32> to vector<16x1024xf32>
    %add3A_1583 = arith.addf %add3A_1581, %slice3A_1582 : vector<16x1024xf32>
    %slice3A_1584 = vector.extract_strided_slice %dot_general3A_1579 {offsets = [32, 0], sizes = [16, 1024], strides = [1, 1]} : vector<48x1024xf32> to vector<16x1024xf32>
    %add3A_1585 = arith.addf %add3A_1583, %slice3A_1584 : vector<16x1024xf32>
    %reduce_max3A_1586 = arith.constant dense<0xFF800000> : vector<1024xf32>
    %reduce_max3A_1587 = vector.multi_reduction <maximumf>, %select_n3A_1577, %reduce_max3A_1586 [0] : vector<64x1024xf32> to vector<1024xf32>
    %broadcast_in_dim3A_1588 = vector.shape_cast %reduce_max3A_1587 : vector<1024xf32> to vector<1x1024xf32>
    %ge3A_1589 = vector.broadcast %broadcast_in_dim3A_1588 : vector<1x1024xf32> to vector<64x1024xf32>
    %ge3A_1590 = arith.cmpf oge, %select_n3A_1577, %ge3A_1589 : vector<64x1024xf32>
    %jit3A_1591 = arith.constant 64 : i32
    %broadcast_in_dim3A_1592 = vector.broadcast %jit3A_1591 : i32 to vector<64x1024xi32>
    %select_n3A_1593 = arith.select %ge3A_1590, %iota3A_1529, %broadcast_in_dim3A_1592 : vector<64x1024xi1>, vector<64x1024xi32>
    %reduce_min3A_1594 = arith.constant dense<2147483647> : vector<1024xi32>
    %reduce_min3A_1595 = vector.multi_reduction <minsi>, %select_n3A_1593, %reduce_min3A_1594 [0] : vector<64x1024xi32> to vector<1024xi32>
    %broadcast_in_dim3A_1596 = vector.shape_cast %reduce_min3A_1595 : vector<1024xi32> to vector<1x1024xi32>
    %eq3A_1597 = vector.broadcast %broadcast_in_dim3A_1596 : vector<1x1024xi32> to vector<64x1024xi32>
    %eq3A_1598 = arith.cmpi eq, %iota3A_1529, %eq3A_1597 : vector<64x1024xi32>
    %convert_element_type3A_1599 = arith.extui %eq3A_1598 : vector<64x1024xi1> to vector<64x1024xi32>
    %convert_element_type3A_1600 = arith.sitofp %convert_element_type3A_1599 : vector<64x1024xi32> to vector<64x1024xf32>
    %convert_element_type3A_1601 = arith.truncf %convert_element_type3A_1600 : vector<64x1024xf32> to vector<64x1024xbf16>
    %jit3A_1602 = arith.constant -1.000000e+30 : f32
    %broadcast_in_dim3A_1603 = vector.broadcast %jit3A_1602 : f32 to vector<64x1024xf32>
    %select_n3A_1604 = arith.select %eq3A_1598, %broadcast_in_dim3A_1603, %select_n3A_1577 : vector<64x1024xi1>, vector<64x1024xf32>
    %dot_general3A_1605 = arith.constant dense<0.000000e+00> : vector<48x1024xf32>
    %dot_general3A_1606 = tpu.matmul %concatenate3A_1504, %convert_element_type3A_1601, %dot_general3A_1605 {dimension_numbers = #tpu.dot_dimension_numbers<[1], [0], [0], [1], [0, 0, 1, 1], [], []>, transpose_lhs_hint = false} : vector<48x64xbf16>, vector<64x1024xbf16>, vector<48x1024xf32> -> vector<48x1024xf32>
    %slice3A_1607 = vector.extract_strided_slice %dot_general3A_1606 {offsets = [0, 0], sizes = [16, 1024], strides = [1, 1]} : vector<48x1024xf32> to vector<16x1024xf32>
    %add3A_1608 = arith.addf %add3A_1585, %slice3A_1607 : vector<16x1024xf32>
    %slice3A_1609 = vector.extract_strided_slice %dot_general3A_1606 {offsets = [16, 0], sizes = [16, 1024], strides = [1, 1]} : vector<48x1024xf32> to vector<16x1024xf32>
    %add3A_1610 = arith.addf %add3A_1608, %slice3A_1609 : vector<16x1024xf32>
    %slice3A_1611 = vector.extract_strided_slice %dot_general3A_1606 {offsets = [32, 0], sizes = [16, 1024], strides = [1, 1]} : vector<48x1024xf32> to vector<16x1024xf32>
    %add3A_1612 = arith.addf %add3A_1610, %slice3A_1611 : vector<16x1024xf32>
    %reduce_max3A_1613 = arith.constant dense<0xFF800000> : vector<1024xf32>
    %reduce_max3A_1614 = vector.multi_reduction <maximumf>, %select_n3A_1604, %reduce_max3A_1613 [0] : vector<64x1024xf32> to vector<1024xf32>
    %broadcast_in_dim3A_1615 = vector.shape_cast %reduce_max3A_1614 : vector<1024xf32> to vector<1x1024xf32>
    %ge3A_1616 = vector.broadcast %broadcast_in_dim3A_1615 : vector<1x1024xf32> to vector<64x1024xf32>
    %ge3A_1617 = arith.cmpf oge, %select_n3A_1604, %ge3A_1616 : vector<64x1024xf32>
    %jit3A_1618 = arith.constant 64 : i32
    %broadcast_in_dim3A_1619 = vector.broadcast %jit3A_1618 : i32 to vector<64x1024xi32>
    %select_n3A_1620 = arith.select %ge3A_1617, %iota3A_1529, %broadcast_in_dim3A_1619 : vector<64x1024xi1>, vector<64x1024xi32>
    %reduce_min3A_1621 = arith.constant dense<2147483647> : vector<1024xi32>
    %reduce_min3A_1622 = vector.multi_reduction <minsi>, %select_n3A_1620, %reduce_min3A_1621 [0] : vector<64x1024xi32> to vector<1024xi32>
    %broadcast_in_dim3A_1623 = vector.shape_cast %reduce_min3A_1622 : vector<1024xi32> to vector<1x1024xi32>
    %eq3A_1624 = vector.broadcast %broadcast_in_dim3A_1623 : vector<1x1024xi32> to vector<64x1024xi32>
    %eq3A_1625 = arith.cmpi eq, %iota3A_1529, %eq3A_1624 : vector<64x1024xi32>
    %convert_element_type3A_1626 = arith.extui %eq3A_1625 : vector<64x1024xi1> to vector<64x1024xi32>
    %convert_element_type3A_1627 = arith.sitofp %convert_element_type3A_1626 : vector<64x1024xi32> to vector<64x1024xf32>
    %convert_element_type3A_1628 = arith.truncf %convert_element_type3A_1627 : vector<64x1024xf32> to vector<64x1024xbf16>
    %jit3A_1629 = arith.constant -1.000000e+30 : f32
    %broadcast_in_dim3A_1630 = vector.broadcast %jit3A_1629 : f32 to vector<64x1024xf32>
    %select_n3A_1631 = arith.select %eq3A_1625, %broadcast_in_dim3A_1630, %select_n3A_1604 : vector<64x1024xi1>, vector<64x1024xf32>
    %dot_general3A_1632 = arith.constant dense<0.000000e+00> : vector<48x1024xf32>
    %dot_general3A_1633 = tpu.matmul %concatenate3A_1508, %convert_element_type3A_1628, %dot_general3A_1632 {dimension_numbers = #tpu.dot_dimension_numbers<[1], [0], [0], [1], [0, 0, 1, 1], [], []>, transpose_lhs_hint = false} : vector<48x64xbf16>, vector<64x1024xbf16>, vector<48x1024xf32> -> vector<48x1024xf32>
    %slice3A_1634 = vector.extract_strided_slice %dot_general3A_1633 {offsets = [0, 0], sizes = [16, 1024], strides = [1, 1]} : vector<48x1024xf32> to vector<16x1024xf32>
    %add3A_1635 = arith.addf %add3A_1612, %slice3A_1634 : vector<16x1024xf32>
    %slice3A_1636 = vector.extract_strided_slice %dot_general3A_1633 {offsets = [16, 0], sizes = [16, 1024], strides = [1, 1]} : vector<48x1024xf32> to vector<16x1024xf32>
    %add3A_1637 = arith.addf %add3A_1635, %slice3A_1636 : vector<16x1024xf32>
    %slice3A_1638 = vector.extract_strided_slice %dot_general3A_1633 {offsets = [32, 0], sizes = [16, 1024], strides = [1, 1]} : vector<48x1024xf32> to vector<16x1024xf32>
    %add3A_1639 = arith.addf %add3A_1637, %slice3A_1638 : vector<16x1024xf32>
    %reduce_max3A_1640 = arith.constant dense<0xFF800000> : vector<1024xf32>
    %reduce_max3A_1641 = vector.multi_reduction <maximumf>, %select_n3A_1631, %reduce_max3A_1640 [0] : vector<64x1024xf32> to vector<1024xf32>
    %broadcast_in_dim3A_1642 = vector.shape_cast %reduce_max3A_1641 : vector<1024xf32> to vector<1x1024xf32>
    %ge3A_1643 = vector.broadcast %broadcast_in_dim3A_1642 : vector<1x1024xf32> to vector<64x1024xf32>
    %ge3A_1644 = arith.cmpf oge, %select_n3A_1631, %ge3A_1643 : vector<64x1024xf32>
    %jit3A_1645 = arith.constant 64 : i32
    %broadcast_in_dim3A_1646 = vector.broadcast %jit3A_1645 : i32 to vector<64x1024xi32>
    %select_n3A_1647 = arith.select %ge3A_1644, %iota3A_1529, %broadcast_in_dim3A_1646 : vector<64x1024xi1>, vector<64x1024xi32>
    %reduce_min3A_1648 = arith.constant dense<2147483647> : vector<1024xi32>
    %reduce_min3A_1649 = vector.multi_reduction <minsi>, %select_n3A_1647, %reduce_min3A_1648 [0] : vector<64x1024xi32> to vector<1024xi32>
    %broadcast_in_dim3A_1650 = vector.shape_cast %reduce_min3A_1649 : vector<1024xi32> to vector<1x1024xi32>
    %eq3A_1651 = vector.broadcast %broadcast_in_dim3A_1650 : vector<1x1024xi32> to vector<64x1024xi32>
    %eq3A_1652 = arith.cmpi eq, %iota3A_1529, %eq3A_1651 : vector<64x1024xi32>
    %convert_element_type3A_1653 = arith.extui %eq3A_1652 : vector<64x1024xi1> to vector<64x1024xi32>
    %convert_element_type3A_1654 = arith.sitofp %convert_element_type3A_1653 : vector<64x1024xi32> to vector<64x1024xf32>
    %convert_element_type3A_1655 = arith.truncf %convert_element_type3A_1654 : vector<64x1024xf32> to vector<64x1024xbf16>
    %jit3A_1656 = arith.constant -1.000000e+30 : f32
    %broadcast_in_dim3A_1657 = vector.broadcast %jit3A_1656 : f32 to vector<64x1024xf32>
    %select_n3A_1658 = arith.select %eq3A_1652, %broadcast_in_dim3A_1657, %select_n3A_1631 : vector<64x1024xi1>, vector<64x1024xf32>
    %dot_general3A_1659 = arith.constant dense<0.000000e+00> : vector<48x1024xf32>
    %dot_general3A_1660 = tpu.matmul %concatenate3A_1512, %convert_element_type3A_1655, %dot_general3A_1659 {dimension_numbers = #tpu.dot_dimension_numbers<[1], [0], [0], [1], [0, 0, 1, 1], [], []>, transpose_lhs_hint = false} : vector<48x64xbf16>, vector<64x1024xbf16>, vector<48x1024xf32> -> vector<48x1024xf32>
    %slice3A_1661 = vector.extract_strided_slice %dot_general3A_1660 {offsets = [0, 0], sizes = [16, 1024], strides = [1, 1]} : vector<48x1024xf32> to vector<16x1024xf32>
    %add3A_1662 = arith.addf %add3A_1639, %slice3A_1661 : vector<16x1024xf32>
    %slice3A_1663 = vector.extract_strided_slice %dot_general3A_1660 {offsets = [16, 0], sizes = [16, 1024], strides = [1, 1]} : vector<48x1024xf32> to vector<16x1024xf32>
    %add3A_1664 = arith.addf %add3A_1662, %slice3A_1663 : vector<16x1024xf32>
    %slice3A_1665 = vector.extract_strided_slice %dot_general3A_1660 {offsets = [32, 0], sizes = [16, 1024], strides = [1, 1]} : vector<48x1024xf32> to vector<16x1024xf32>
    %add3A_1666 = arith.addf %add3A_1664, %slice3A_1665 : vector<16x1024xf32>
    %reduce_max3A_1667 = arith.constant dense<0xFF800000> : vector<1024xf32>
    %reduce_max3A_1668 = vector.multi_reduction <maximumf>, %select_n3A_1658, %reduce_max3A_1667 [0] : vector<64x1024xf32> to vector<1024xf32>
    %broadcast_in_dim3A_1669 = vector.shape_cast %reduce_max3A_1668 : vector<1024xf32> to vector<1x1024xf32>
    %ge3A_1670 = vector.broadcast %broadcast_in_dim3A_1669 : vector<1x1024xf32> to vector<64x1024xf32>
    %ge3A_1671 = arith.cmpf oge, %select_n3A_1658, %ge3A_1670 : vector<64x1024xf32>
    %jit3A_1672 = arith.constant 64 : i32
    %broadcast_in_dim3A_1673 = vector.broadcast %jit3A_1672 : i32 to vector<64x1024xi32>
    %select_n3A_1674 = arith.select %ge3A_1671, %iota3A_1529, %broadcast_in_dim3A_1673 : vector<64x1024xi1>, vector<64x1024xi32>
    %reduce_min3A_1675 = arith.constant dense<2147483647> : vector<1024xi32>
    %reduce_min3A_1676 = vector.multi_reduction <minsi>, %select_n3A_1674, %reduce_min3A_1675 [0] : vector<64x1024xi32> to vector<1024xi32>
    %broadcast_in_dim3A_1677 = vector.shape_cast %reduce_min3A_1676 : vector<1024xi32> to vector<1x1024xi32>
    %eq3A_1678 = vector.broadcast %broadcast_in_dim3A_1677 : vector<1x1024xi32> to vector<64x1024xi32>
    %eq3A_1679 = arith.cmpi eq, %iota3A_1529, %eq3A_1678 : vector<64x1024xi32>
    %convert_element_type3A_1680 = arith.extui %eq3A_1679 : vector<64x1024xi1> to vector<64x1024xi32>
    %convert_element_type3A_1681 = arith.sitofp %convert_element_type3A_1680 : vector<64x1024xi32> to vector<64x1024xf32>
    %convert_element_type3A_1682 = arith.truncf %convert_element_type3A_1681 : vector<64x1024xf32> to vector<64x1024xbf16>
    %jit3A_1683 = arith.constant -1.000000e+30 : f32
    %broadcast_in_dim3A_1684 = vector.broadcast %jit3A_1683 : f32 to vector<64x1024xf32>
    %select_n3A_1685 = arith.select %eq3A_1679, %broadcast_in_dim3A_1684, %select_n3A_1658 : vector<64x1024xi1>, vector<64x1024xf32>
    %dot_general3A_1686 = arith.constant dense<0.000000e+00> : vector<48x1024xf32>
    %dot_general3A_1687 = tpu.matmul %concatenate3A_1516, %convert_element_type3A_1682, %dot_general3A_1686 {dimension_numbers = #tpu.dot_dimension_numbers<[1], [0], [0], [1], [0, 0, 1, 1], [], []>, transpose_lhs_hint = false} : vector<48x64xbf16>, vector<64x1024xbf16>, vector<48x1024xf32> -> vector<48x1024xf32>
    %slice3A_1688 = vector.extract_strided_slice %dot_general3A_1687 {offsets = [0, 0], sizes = [16, 1024], strides = [1, 1]} : vector<48x1024xf32> to vector<16x1024xf32>
    %add3A_1689 = arith.addf %add3A_1666, %slice3A_1688 : vector<16x1024xf32>
    %slice3A_1690 = vector.extract_strided_slice %dot_general3A_1687 {offsets = [16, 0], sizes = [16, 1024], strides = [1, 1]} : vector<48x1024xf32> to vector<16x1024xf32>
    %add3A_1691 = arith.addf %add3A_1689, %slice3A_1690 : vector<16x1024xf32>
    %slice3A_1692 = vector.extract_strided_slice %dot_general3A_1687 {offsets = [32, 0], sizes = [16, 1024], strides = [1, 1]} : vector<48x1024xf32> to vector<16x1024xf32>
    %add3A_1693 = arith.addf %add3A_1691, %slice3A_1692 : vector<16x1024xf32>
    %reduce_max3A_1694 = arith.constant dense<0xFF800000> : vector<1024xf32>
    %reduce_max3A_1695 = vector.multi_reduction <maximumf>, %select_n3A_1685, %reduce_max3A_1694 [0] : vector<64x1024xf32> to vector<1024xf32>
    %broadcast_in_dim3A_1696 = vector.shape_cast %reduce_max3A_1695 : vector<1024xf32> to vector<1x1024xf32>
    %ge3A_1697 = vector.broadcast %broadcast_in_dim3A_1696 : vector<1x1024xf32> to vector<64x1024xf32>
    %ge3A_1698 = arith.cmpf oge, %select_n3A_1685, %ge3A_1697 : vector<64x1024xf32>
    %jit3A_1699 = arith.constant 64 : i32
    %broadcast_in_dim3A_1700 = vector.broadcast %jit3A_1699 : i32 to vector<64x1024xi32>
    %select_n3A_1701 = arith.select %ge3A_1698, %iota3A_1529, %broadcast_in_dim3A_1700 : vector<64x1024xi1>, vector<64x1024xi32>
    %reduce_min3A_1702 = arith.constant dense<2147483647> : vector<1024xi32>
    %reduce_min3A_1703 = vector.multi_reduction <minsi>, %select_n3A_1701, %reduce_min3A_1702 [0] : vector<64x1024xi32> to vector<1024xi32>
    %broadcast_in_dim3A_1704 = vector.shape_cast %reduce_min3A_1703 : vector<1024xi32> to vector<1x1024xi32>
    %eq3A_1705 = vector.broadcast %broadcast_in_dim3A_1704 : vector<1x1024xi32> to vector<64x1024xi32>
    %eq3A_1706 = arith.cmpi eq, %iota3A_1529, %eq3A_1705 : vector<64x1024xi32>
    %convert_element_type3A_1707 = arith.extui %eq3A_1706 : vector<64x1024xi1> to vector<64x1024xi32>
    %convert_element_type3A_1708 = arith.sitofp %convert_element_type3A_1707 : vector<64x1024xi32> to vector<64x1024xf32>
    %convert_element_type3A_1709 = arith.truncf %convert_element_type3A_1708 : vector<64x1024xf32> to vector<64x1024xbf16>
    %jit3A_1710 = arith.constant -1.000000e+30 : f32
    %broadcast_in_dim3A_1711 = vector.broadcast %jit3A_1710 : f32 to vector<64x1024xf32>
    %select_n3A_1712 = arith.select %eq3A_1706, %broadcast_in_dim3A_1711, %select_n3A_1685 : vector<64x1024xi1>, vector<64x1024xf32>
    %dot_general3A_1713 = arith.constant dense<0.000000e+00> : vector<48x1024xf32>
    %dot_general3A_1714 = tpu.matmul %concatenate3A_1520, %convert_element_type3A_1709, %dot_general3A_1713 {dimension_numbers = #tpu.dot_dimension_numbers<[1], [0], [0], [1], [0, 0, 1, 1], [], []>, transpose_lhs_hint = false} : vector<48x64xbf16>, vector<64x1024xbf16>, vector<48x1024xf32> -> vector<48x1024xf32>
    %slice3A_1715 = vector.extract_strided_slice %dot_general3A_1714 {offsets = [0, 0], sizes = [16, 1024], strides = [1, 1]} : vector<48x1024xf32> to vector<16x1024xf32>
    %add3A_1716 = arith.addf %add3A_1693, %slice3A_1715 : vector<16x1024xf32>
    %slice3A_1717 = vector.extract_strided_slice %dot_general3A_1714 {offsets = [16, 0], sizes = [16, 1024], strides = [1, 1]} : vector<48x1024xf32> to vector<16x1024xf32>
    %add3A_1718 = arith.addf %add3A_1716, %slice3A_1717 : vector<16x1024xf32>
    %slice3A_1719 = vector.extract_strided_slice %dot_general3A_1714 {offsets = [32, 0], sizes = [16, 1024], strides = [1, 1]} : vector<48x1024xf32> to vector<16x1024xf32>
    %add3A_1720 = arith.addf %add3A_1718, %slice3A_1719 : vector<16x1024xf32>
    %reduce_max3A_1721 = arith.constant dense<0xFF800000> : vector<1024xf32>
    %reduce_max3A_1722 = vector.multi_reduction <maximumf>, %select_n3A_1712, %reduce_max3A_1721 [0] : vector<64x1024xf32> to vector<1024xf32>
    %broadcast_in_dim3A_1723 = vector.shape_cast %reduce_max3A_1722 : vector<1024xf32> to vector<1x1024xf32>
    %ge3A_1724 = vector.broadcast %broadcast_in_dim3A_1723 : vector<1x1024xf32> to vector<64x1024xf32>
    %ge3A_1725 = arith.cmpf oge, %select_n3A_1712, %ge3A_1724 : vector<64x1024xf32>
    %jit3A_1726 = arith.constant 64 : i32
    %broadcast_in_dim3A_1727 = vector.broadcast %jit3A_1726 : i32 to vector<64x1024xi32>
    %select_n3A_1728 = arith.select %ge3A_1725, %iota3A_1529, %broadcast_in_dim3A_1727 : vector<64x1024xi1>, vector<64x1024xi32>
    %reduce_min3A_1729 = arith.constant dense<2147483647> : vector<1024xi32>
    %reduce_min3A_1730 = vector.multi_reduction <minsi>, %select_n3A_1728, %reduce_min3A_1729 [0] : vector<64x1024xi32> to vector<1024xi32>
    %broadcast_in_dim3A_1731 = vector.shape_cast %reduce_min3A_1730 : vector<1024xi32> to vector<1x1024xi32>
    %eq3A_1732 = vector.broadcast %broadcast_in_dim3A_1731 : vector<1x1024xi32> to vector<64x1024xi32>
    %eq3A_1733 = arith.cmpi eq, %iota3A_1529, %eq3A_1732 : vector<64x1024xi32>
    %convert_element_type3A_1734 = arith.extui %eq3A_1733 : vector<64x1024xi1> to vector<64x1024xi32>
    %convert_element_type3A_1735 = arith.sitofp %convert_element_type3A_1734 : vector<64x1024xi32> to vector<64x1024xf32>
    %convert_element_type3A_1736 = arith.truncf %convert_element_type3A_1735 : vector<64x1024xf32> to vector<64x1024xbf16>
    %jit3A_1737 = arith.constant -1.000000e+30 : f32
    %broadcast_in_dim3A_1738 = vector.broadcast %jit3A_1737 : f32 to vector<64x1024xf32>
    %select_n3A_1739 = arith.select %eq3A_1733, %broadcast_in_dim3A_1738, %select_n3A_1712 : vector<64x1024xi1>, vector<64x1024xf32>
    %dot_general3A_1740 = arith.constant dense<0.000000e+00> : vector<48x1024xf32>
    %dot_general3A_1741 = tpu.matmul %concatenate3A_1524, %convert_element_type3A_1736, %dot_general3A_1740 {dimension_numbers = #tpu.dot_dimension_numbers<[1], [0], [0], [1], [0, 0, 1, 1], [], []>, transpose_lhs_hint = false} : vector<48x64xbf16>, vector<64x1024xbf16>, vector<48x1024xf32> -> vector<48x1024xf32>
    %slice3A_1742 = vector.extract_strided_slice %dot_general3A_1741 {offsets = [0, 0], sizes = [16, 1024], strides = [1, 1]} : vector<48x1024xf32> to vector<16x1024xf32>
    %add3A_1743 = arith.addf %add3A_1720, %slice3A_1742 : vector<16x1024xf32>
    %slice3A_1744 = vector.extract_strided_slice %dot_general3A_1741 {offsets = [16, 0], sizes = [16, 1024], strides = [1, 1]} : vector<48x1024xf32> to vector<16x1024xf32>
    %add3A_1745 = arith.addf %add3A_1743, %slice3A_1744 : vector<16x1024xf32>
    %slice3A_1746 = vector.extract_strided_slice %dot_general3A_1741 {offsets = [32, 0], sizes = [16, 1024], strides = [1, 1]} : vector<48x1024xf32> to vector<16x1024xf32>
    %add3A_1747 = arith.addf %add3A_1745, %slice3A_1746 : vector<16x1024xf32>
    %reduce_max3A_1748 = arith.constant dense<0xFF800000> : vector<1024xf32>
    %reduce_max3A_1749 = vector.multi_reduction <maximumf>, %select_n3A_1739, %reduce_max3A_1748 [0] : vector<64x1024xf32> to vector<1024xf32>
    %broadcast_in_dim3A_1750 = vector.shape_cast %reduce_max3A_1749 : vector<1024xf32> to vector<1x1024xf32>
    %ge3A_1751 = vector.broadcast %broadcast_in_dim3A_1750 : vector<1x1024xf32> to vector<64x1024xf32>
    %ge3A_1752 = arith.cmpf oge, %select_n3A_1739, %ge3A_1751 : vector<64x1024xf32>
    %jit3A_1753 = arith.constant 64 : i32
    %broadcast_in_dim3A_1754 = vector.broadcast %jit3A_1753 : i32 to vector<64x1024xi32>
    %select_n3A_1755 = arith.select %ge3A_1752, %iota3A_1529, %broadcast_in_dim3A_1754 : vector<64x1024xi1>, vector<64x1024xi32>
    %reduce_min3A_1756 = arith.constant dense<2147483647> : vector<1024xi32>
    %reduce_min3A_1757 = vector.multi_reduction <minsi>, %select_n3A_1755, %reduce_min3A_1756 [0] : vector<64x1024xi32> to vector<1024xi32>
    %broadcast_in_dim3A_1758 = vector.shape_cast %reduce_min3A_1757 : vector<1024xi32> to vector<1x1024xi32>
    %eq3A_1759 = vector.broadcast %broadcast_in_dim3A_1758 : vector<1x1024xi32> to vector<64x1024xi32>
    %eq3A_1760 = arith.cmpi eq, %iota3A_1529, %eq3A_1759 : vector<64x1024xi32>
    %convert_element_type3A_1761 = arith.extui %eq3A_1760 : vector<64x1024xi1> to vector<64x1024xi32>
    %convert_element_type3A_1762 = arith.sitofp %convert_element_type3A_1761 : vector<64x1024xi32> to vector<64x1024xf32>
    %convert_element_type3A_1763 = arith.truncf %convert_element_type3A_1762 : vector<64x1024xf32> to vector<64x1024xbf16>
    %dot_general3A_1764 = arith.constant dense<0.000000e+00> : vector<48x1024xf32>
    %dot_general3A_1765 = tpu.matmul %concatenate3A_1528, %convert_element_type3A_1763, %dot_general3A_1764 {dimension_numbers = #tpu.dot_dimension_numbers<[1], [0], [0], [1], [0, 0, 1, 1], [], []>, transpose_lhs_hint = false} : vector<48x64xbf16>, vector<64x1024xbf16>, vector<48x1024xf32> -> vector<48x1024xf32>
    %slice3A_1766 = vector.extract_strided_slice %dot_general3A_1765 {offsets = [0, 0], sizes = [16, 1024], strides = [1, 1]} : vector<48x1024xf32> to vector<16x1024xf32>
    %add3A_1767 = arith.addf %add3A_1747, %slice3A_1766 : vector<16x1024xf32>
    %slice3A_1768 = vector.extract_strided_slice %dot_general3A_1765 {offsets = [16, 0], sizes = [16, 1024], strides = [1, 1]} : vector<48x1024xf32> to vector<16x1024xf32>
    %add3A_1769 = arith.addf %add3A_1767, %slice3A_1768 : vector<16x1024xf32>
    %slice3A_1770 = vector.extract_strided_slice %dot_general3A_1765 {offsets = [32, 0], sizes = [16, 1024], strides = [1, 1]} : vector<48x1024xf32> to vector<16x1024xf32>
    %add3A_1771 = arith.addf %add3A_1769, %slice3A_1770 : vector<16x1024xf32>
    %add3A_1772 = vector.broadcast %get3A_1342 : vector<16x1xf32> to vector<16x1024xf32>
    %add3A_1773 = arith.addf %add3A_1771, %add3A_1772 : vector<16x1024xf32>
    %concatenate3A_1774 = tpu.concatenate %add3A_1441, %add3A_1773 in 0 : vector<16x1024xf32>, vector<16x1024xf32> -> vector<32x1024xf32>
    %max3A_1775 = arith.constant 0.000000e+00 : f32
    %max3A_1776 = vector.broadcast %max3A_1775 : f32 to vector<32x1024xf32>
    %max3A_1777 = arith.maximumf %concatenate3A_1774, %max3A_1776 : vector<32x1024xf32>
    %swap3A_1778 = arith.constant 1 : index
    %swap3A_1779 = arith.constant 0 : index
    %swap3A_1780 = arith.constant 0 : index
    %swap3A_1781 = vector.load %arg12[%swap3A_1778, %swap3A_1779, %swap3A_1780] : memref<2x32x1024xf32, #tpu.memory_space<vmem>>, vector<1x32x1024xf32>
    %swap3A_1782 = vector.shape_cast %swap3A_1781 : vector<1x32x1024xf32> to vector<32x1024xf32>
    %swap3A_1783 = vector.shape_cast %max3A_1777 : vector<32x1024xf32> to vector<1x32x1024xf32>
    tpu.vector_store %arg12[%swap3A_1778, %swap3A_1779, %swap3A_1780], %swap3A_1783 {strides = array<i32>} : memref<2x32x1024xf32, #tpu.memory_space<vmem>>, vector<1x32x1024xf32>,
    return
  }
  func.func @transform_0(%arg0: i32) -> (i32, i32, i32) {
    %c0_i32 = arith.constant 0 : i32
    %c0_i32_0 = arith.constant 0 : i32
    %c0_i32_1 = arith.constant 0 : i32
    return %arg0, %c0_i32, %c0_i32_0 : i32, i32, i32
  }
  func.func @transform_1(%arg0: i32) -> (i32, i32) {
    %c0_i32 = arith.constant 0 : i32
    %c0_i32_0 = arith.constant 0 : i32
    %c0_i32_1 = arith.constant 0 : i32
    return %c0_i32, %c0_i32_0 : i32, i32
  }
  func.func @transform_2(%arg0: i32) -> (i32, i32) {
    %c0_i32 = arith.constant 0 : i32
    %c0_i32_0 = arith.constant 0 : i32
    %c0_i32_1 = arith.constant 0 : i32
    return %c0_i32, %c0_i32_0 : i32, i32
  }
  func.func @transform_3(%arg0: i32) -> (i32, i32) {
    %c0_i32 = arith.constant 0 : i32
    %c0_i32_0 = arith.constant 0 : i32
    %c0_i32_1 = arith.constant 0 : i32
    return %c0_i32, %c0_i32_0 : i32, i32
  }
  func.func @transform_4(%arg0: i32) -> (i32, i32) {
    %c0_i32 = arith.constant 0 : i32
    %c0_i32_0 = arith.constant 0 : i32
    %c0_i32_1 = arith.constant 0 : i32
    return %c0_i32, %c0_i32_0 : i32, i32
  }
  func.func @transform_5(%arg0: i32) -> (i32, i32) {
    %c0_i32 = arith.constant 0 : i32
    %c0_i32_0 = arith.constant 0 : i32
    %c0_i32_1 = arith.constant 0 : i32
    return %c0_i32, %c0_i32_0 : i32, i32
  }
  func.func @transform_6(%arg0: i32) -> (i32, i32) {
    %c0_i32 = arith.constant 0 : i32
    %c0_i32_0 = arith.constant 0 : i32
    %c0_i32_1 = arith.constant 0 : i32
    return %c0_i32, %c0_i32_0 : i32, i32
  }
  func.func @transform_7(%arg0: i32) -> (i32, i32) {
    %c0_i32 = arith.constant 0 : i32
    %c0_i32_0 = arith.constant 0 : i32
    %c0_i32_1 = arith.constant 0 : i32
    return %c0_i32, %c0_i32_0 : i32, i32
  }
  func.func @transform_8(%arg0: i32) -> (i32, i32) {
    %c0_i32 = arith.constant 0 : i32
    %c0_i32_0 = arith.constant 0 : i32
    %c0_i32_1 = arith.constant 0 : i32
    return %c0_i32, %c0_i32_0 : i32, i32
  }
  func.func @transform_9(%arg0: i32) -> (i32, i32) {
    %c0_i32 = arith.constant 0 : i32
    %c0_i32_0 = arith.constant 0 : i32
    %c0_i32_1 = arith.constant 0 : i32
    return %c0_i32, %c0_i32_0 : i32, i32
  }
  func.func @transform_10(%arg0: i32) -> (i32, i32) {
    %c0_i32 = arith.constant 0 : i32
    %c0_i32_0 = arith.constant 0 : i32
    %c0_i32_1 = arith.constant 0 : i32
    return %c0_i32, %c0_i32_0 : i32, i32
  }
  func.func @transform_11(%arg0: i32) -> (i32, i32, i32) {
    %c0_i32 = arith.constant 0 : i32
    %c0_i32_0 = arith.constant 0 : i32
    %c0_i32_1 = arith.constant 0 : i32
    return %arg0, %c0_i32, %c0_i32_0 : i32, i32, i32
  }
}

</mosaic_0001>

<sc_bundles>
// kernel: sparse-core-data-format-call.cloned.1.call-start
scs
called_computation_lowered:
.L_overlay_start_0:
0x0: {  	s1 =	sld [smem:$0x3FD9]  }
0x1: {  	s2 =	sld [smem:$0x3FFE];
	_ =	sdelay $0x1  }
0x2: {  	s3 =	srdreg.scid  }
0x3: {  	s0 =	sand.u32 $0x1, s3  }
0x4: {  	s17 =	sshll.u32 s0, $0xA;
	s1 =	sadd.s32 s2, s1  }
0x5: {  	s1 =	sadd.s32 s1, s17  }
0x6: {  	[smem:$0x3FB9] =	sst s1  }
0x7: {  	_ = 	snop  }
0x8: {  	(tm) =	ssettm $0x1  }
0x9: {  	s18 =	sld [smem:$0x3FFB];
	_ =	sdelay $0x3  }
0xa: {  	_ =	strace s18  }
0xb: {  	s1 =	sld [smem:$0x3FFC];
	_ =	sdelay $0x3  }
0xc: {  	_ =	strace s1  }
0xd: {  	s1 =	sld [smem:$0x3FFD];
	_ =	sdelay $0x3  }
0xe: {  	_ =	strace s1  }
0xf: {  	_ =	strace $0x8FFFFFFF  }
0x10: {  	s19 =	sld [smem:$0x3FDB];
	_ =	sdelay $0x1  }
0x11: {  	s20 =	simm.s32 $_scs_section_size  }
0x12: {  	s4 =	simm.s32 $_size__tile_overlayer_lowered;
	s5 =	simm.s32 $_tile_overlayer_lowered  }
0x13: {  	s23 =	simm.s32 $0x1BFF;
	s22 =	sshll.u32 s5, $0x1;
	s1 =	sadd.s32 s20, s19  }
0x14: {  	s6 =	simm.s32 $0x0;
	s21 =	sshll.u32 s4, $0x1;
	s4 =	sadd.s32 s22, s1  }
0x15: {  	[timem:s6], [sflag:s23] =	dma.local [hbm:s4], s21  }
0x16: {  	_ =	swait.ge [sflag:s23], s21  }
0x17: {  	s2 =	ssub.s32 $0x0, s21;
	[sflag:s23] =	ssyncset.done $0x0  }
0x18: {  	[sflag:s23] =	ssyncadd.s32 s2;
	_ =	sdelay $0x1  }
0x19: {  	s24 =	simm.s32 $0x1B8B  }
0x1a: {  	_ =	swait.ge [sflag:s24], $0x1  }
0x1b: {  	[sflag:s24] =	ssyncset.done $0x0  }
0x1c: {  	s26 =	simm.s32 $0x1B8E;
	s25 =	sld [smem:$0x3FFE];
	[sflag:s24] =	ssyncadd.s32 $0xFFFFFFFF  }
0x1d: {  	s27 =	simm.s32 $execute0_lowered;
	[smem:$0x3FD2] =	sst s26  }
0x1e: {  	s4 =	sshll.u32 s27, $0x1;
	_ =	strace $0x80000046;
	[dreg:$0x1] =	wrdreg $0xFFFFFFFF  }
0x1f: {  	s28 =	simm.s32 $_size_execute0_lowered;
	s1 =	sadd.s32 s1, s4;
	[dreg:$0x0] =	wrdreg $0x0  }
0x20: {  	s4 =	sshll.u32 s28, $0x1;
	[dreg:$0x2] =	wrdreg s1  }
0x21: {  	[dreg:$0x3] =	wrdreg s4  }
0x22: {  	[dreg:$0x4] =	wrdreg $0xC0  }
0x23: {  	_ =	task [dreg:s6], $0x5FFFF  }
0x24: {  	[dreg:$0x1] =	wrdreg $0xFFFFFFFF  }
0x25: {  	[dreg:$0x0] =	wrdreg $0x60  }
0x26: {  	[dreg:$0x2] =	wrdreg s25  }
0x27: {  	[dreg:$0x3] =	wrdreg $0x9  }
0x28: {  	_ =	task.clear_ibuf [dreg:s6], $0x4FFFF;
	_ =	strace $0x90000046  }
0x29: {  	s29 =	simm.s32 $0x9;
	_ =	strace $0x80000048  }
0x2a: {  	_ =	swait.ge [sflag:s29], $0x1  }
0x2b: {  	[sflag:s29] =	ssyncadd.s32 $0xFFFFFFFF  }
0x2c: {  	_ =	strace $0x90000048  }
0x2d: {  	_ =	sfence  }
0x2e: {  	s30 =	sld [smem:$0x0];
	_ =	sdelay $0x2  }
0x2f: {  	s31 =	sshll.u32 s3, $0xD;
	s3 =	sshrl.u32 s3, $0x2  }
0x30: {  	s2 =	sand.u32 $0x4000, s31;
	s1 =	sadd.s32 s3, s30  }
0x31: {  	s0 =	sor.u32 s2, s0;
	s1 =	sshll.u32 s1, $0x11  }
0x32: {  	s0 =	sor.u32 s1, s0  }
0x33: {  	s0 =	sadd.s32 $0x8F2B, s0  }
0x34: {  	[sflag:s0] =	ssyncadd.remote.s32 $0x1  }
0x35: {  	_ =	sfence.sel $0xFFFF  }
0x36: {  	[dreg:$0x0] =	wrdreg $0xFFFFFFFF;
	(pc) =	sbr.abs _section_cstart, $3  }
0x37: {  	[dreg:$0x1] =	wrdreg $0xFFFFFFFF  }
0x38: {  	_ =	task.clear_ibuf [dreg:s6], $0x2FFFF;
	_ =	strace $0x9FFFFFFF  }
0x39: {  	(tm) =	ssettm $0x7FFFFFFF  }
tec
execute0_lowered:
.L_overlay_start_1:
0x0: {  	(tag) =	ssettag $0x1  }
0x1: {  	s1 =	rddreg [dreg:$0x0]  }
0x2: {  	s0 =	rddreg [dreg:$0x1]  }
0x3: {  	_ =	strace $0x80000047;
	s4 =	srdreg.scid;
	s6 =	simm.s32 $0x2  }
0x4: {  	s12 =	simm.s32 $0x0;
	p0 =	por $0x0, $0x0;
	s13 =	simm.s32 $0x0  }
0x5: {  	s15 =	simm.s32 $0x0;
	s14 =	simm.s32 $0x0;
	s8 =	simm.s32 $0x0  }
.Ltmp0:
0x6: {  	s9 =	simm.s32 $0x0;
	s10 =	simm.s32 $0x0;
	(pc) =	sbr.rel .LBB1_1-.Ltmp0, $4  }
0x7: {  	s2 =	sadd.s32 $0x1000, s1;
	s3 =	sadd.s32 $0x101000, s1;
	s5 =	sshll.u32 s4, $0x4  }
0x8: {  	s1 =	stileid.u32;
	s4 =	simm.s32 $0x1;
	s5 =	sand.u32 $0x10, s5  }
0x9: {  	s7 =	simm.s32 $0x0;
	[sflag:s4] =	ssyncpa.u1 $0x0;
	s5 =	sor.u32 s1, s5  }
0xa: {  	[sflag:s6] =	ssyncpa.u1 $0x0;
	s6 =	simm.s32 $0x2000;
	s11 =	smov.u32 s5  }
.LBB1_7:
0xb: {  	s16 =	sadd.s32 $0x80, s8  }
0xc: {  	s12 =	sadd.s32 $0x20, s9;
	s17 =	smov.u32 s9;
	p2 =	sgt.s32 s16, $0x3FF  }
0xd: {  	s17 =	smov.u32 @p2 s12  }
0xe: {  	s18 =	smov.u32 s10;
	s12 =	sadd.s32 $0x4, s10;
	p3 =	sgt.s32 s17, $0x1F  }
0xf: {  	s18 =	smov.u32 @p3 s12  }
0x10: {  	s19 =	smov.u32 s11;
	s12 =	sadd.s32 $0x20, s11;
	p4 =	sgt.s32 s18, $0x7  }
0x11: {  	p1 =	slt.u32 s7, $0x2;
	s19 =	smov.u32 @p4 s12  }
0x12: {  	s7 =	sadd.s32 $0x1, s7;
	s16 =	simm.s32 @p2 $0x0;
	p2 =	sgt.s32 s19, $0x1F  }
0x13: {  	s20 =	simm.s32 @!p1 $0x2;
	s19 =	smov.u32 @p2 s5;
	p2 =	sne.s32 s7, $0x12  }
.Ltmp1:
0x14: {  	s13 =	smov.u32 s9;
	_ =	swait.ge @!p1 [sflag:s20], $0x4000;
	(pc) =	sbr.rel @!p2 .LBB1_8-.Ltmp1, $4  }
0x15: {  	s15 =	smov.u32 s10;
	s14 =	smov.u32 s11;
	[sflag:s20] =	ssyncset.done @!p1 $0x0  }
0x16: {  	p0 =	por !p0, !p0;
	s17 =	simm.s32 @p3 $0x0;
	[sflag:s20] =	ssyncadd.s32 @!p1 $0xFFFFC000  }
0x17: {  	s9 =	smov.u32 s17;
	s18 =	simm.s32 @p4 $0x0;
	s12 =	smov.u32 s8  }
0x18: {  	s8 =	smov.u32 s16;
	s10 =	smov.u32 s18;
	s11 =	smov.u32 s19  }
.LBB1_1:
0x19: {  	p1 =	sgt.u32 s7, $0xF  }
0x1a: {  	s16 =	sxor.u32 @!p1 $0xFFFFFFFF, s7;
	s17 =	sshll.u32 @!p1 s9, $0x7;
	s18 =	sand.u32 @!p1 $0x78, s8  }
0x1b: {  	s20 =	sshll.u32 @!p1 s10, $0xC;
	s16 =	sshll.u32 @!p1 s16, $0xE;
	s19 =	sand.u32 @!p1 $0x380, s17  }
0x1c: {  	s17 =	sand.u32 @!p1 $0xC00, s17;
	s18 =	sor.u32 @!p1 s18, s19;
	s19 =	sshll.u32 @!p1 s11, $0xF  }
0x1d: {  	s16 =	sand.u32 @!p1 $0x4000, s16;
	s17 =	sadd.s32 @!p1 s8, s17;
	s19 =	sadd.s32 @!p1 s2, s19  }
0x1e: {  	s18 =	sshrl.u32 @!p1 s18, $0x3;
	s19 =	sadd.s32 @!p1 s20, s19;
	s20 =	sand.u32 @!p1 $0x7, s8  }
0x1f: {  	s17 =	sand.u32 @!p1 $0xF80, s17;
	s18 =	sadd.s32 @!p1 s18, s19;
	s19 =	sshll.u32 @!p1 s20, $0x12  }
0x20: {  	s17 =	sadd.s32 @!p1 s17, s18;
	s18 =	sor.u32 @!p1 $0x400, s19;
	s19 =	simm.s32 @!p1 $0x2000  }
0x21: {  	[tilespmem:s16], [sflag:$0x1] =	stream.strided.gather @!p1 [hbm4b:s17+s18], $0x4000, s19, s18, $0x38;
	[tilespmem:$0x10000] =	vst v63  }
0x22: {  	p1 =	seq.s32 s7, $0x0  }
0x23: {  	p2 =	seq.s32 @!p1 s7, $0x11  }
0x24: {  	p1 =	por p1, p2  }
.Ltmp2:
0x25: {  	_ = 	snop;
	(pc) =	sbr.rel @p1 .LBB1_7-.Ltmp2, $1  }
0x26: {  	_ =	sdelay $0x3  }
0x27: {  	s16 =	simm.s32 $0x1;
	_ =	swait.ge [sflag:s4], $0x4000;
	s19 =	sshll.u32 s7, $0xE  }
0x28: {  	s16 =	simm.s32 @!p0 $0x0;
	[sflag:s4] =	ssyncset.done $0x0;
	s31 =	sand.u32 $0x4000, s19  }
0x29: {  	s19 =	simm.s32 $0x0;
	s16 =	sshll.u32 s16, $0xE;
	[sflag:s4] =	ssyncadd.s32 $0xFFFFC000  }
0x2a: {  	s17 =	sor.u32 $0x8040, s16;
	s18 =	sor.u32 $0x40, s16;
	s16 =	sor.u32 $0x8000, s31  }
.LBB1_3:
0x2b: {  	v0 =	vmov s18;
	_ =	sdelay $0x3  }
0x2c: {  	s21 =	simm.s32 $0x0  }
0x2d: {  	v6 =	vld.idx.msk [tilespmem:v0+s21+$0x30 ss:$0x1], $0xffff  }
0x2e: {  	v7 =	vld.idx.msk [tilespmem:v0+s21+$0xFFFFFFC0 ss:$0x1], $0xffff  }
0x2f: {  	v5 =	vld.idx.msk [tilespmem:v0+s21+$0xFFFFFFD0 ss:$0x1], $0xffff  }
0x30: {  	v4 =	vld.idx.msk [tilespmem:v0+s21+$0xFFFFFFE0 ss:$0x1], $0xffff  }
0x31: {  	v3 =	vld.idx.msk [tilespmem:v0+s21+$0xFFFFFFF0 ss:$0x1], $0xffff  }
0x32: {  	v1 =	vld.idx.msk [tilespmem:v0+s21+$0x0 ss:$0x1], $0xffff  }
0x33: {  	v2 =	vld.idx.msk [tilespmem:v0+s21+$0x10 ss:$0x1], $0xffff;
	[tilespmem:s17+$0x30] =	vst v6  }
0x34: {  	s20 =	simm.s32 $0x80;
	s22 =	simm.s32 $0x400;
	[tilespmem:s17+$0xFFFFFFC0] =	vst v7;
	v6 =	vld.idx.msk [tilespmem:v0+s21+$0x20 ss:$0x1], $0xffff;
	s21 =	smov.u32 s17  }
.LBB1_4:
0x35: {  	p1 =	sne.s32 s22, $0x3E00;
	v7 =	vld.idx.msk [tilespmem:v0+s20+$0x30 ss:$0x1], $0xffff;
	[tilespmem:s21+$0xFFFFFFD0] =	vst v5  }
0x36: {  	v8 =	vld.idx.msk [tilespmem:v0+s20+$0xFFFFFFC0 ss:$0x1], $0xffff;
	[tilespmem:s21+$0xFFFFFFE0] =	vst v4  }
0x37: {  	v5 =	vld.idx.msk [tilespmem:v0+s20+$0xFFFFFFD0 ss:$0x1], $0xffff;
	[tilespmem:s21+$0xFFFFFFF0] =	vst v3  }
.Ltmp3:
0x38: {  	v4 =	vld.idx.msk [tilespmem:v0+s20+$0xFFFFFFE0 ss:$0x1], $0xffff;
	[tilespmem:s21+$0x0] =	vst v1;
	(pc) =	sbr.rel @p1 .LBB1_4-.Ltmp3, $4  }
0x39: {  	v3 =	vld.idx.msk [tilespmem:v0+s20+$0xFFFFFFF0 ss:$0x1], $0xffff;
	[tilespmem:s21+$0x10] =	vst v2  }
0x3a: {  	v1 =	vld.idx.msk [tilespmem:v0+s20+$0x0 ss:$0x1], $0xffff;
	[tilespmem:s21+$0x20] =	vst v6;
	s21 =	sadd.s32 $0x200, s21  }
0x3b: {  	v2 =	vld.idx.msk [tilespmem:v0+s20+$0x10 ss:$0x1], $0xffff;
	[tilespmem:s21+$0x30] =	vst v7  }
0x3c: {  	[tilespmem:s21+$0xFFFFFFC0] =	vst v8;
	v6 =	vld.idx.msk [tilespmem:v0+s20+$0x20 ss:$0x1], $0xffff;
	s20 =	sshra.s32 s22, $0x2;
	s22 =	sadd.s32 $0x200, s22  }
0x3d: {  	_ =	sdelay $0x2  }
0x3e: {  	[tilespmem:s21+$0xFFFFFFD0] =	vst v5  }
0x3f: {  	v56 =	vld.idx.msk [tilespmem:v0+s20+$0x30 ss:$0x1], $0xffff;
	[tilespmem:s21+$0xFFFFFFE0] =	vst v4  }
0x40: {  	v57 =	vld.idx.msk [tilespmem:v0+s20+$0xFFFFFFC0 ss:$0x1], $0xffff;
	[tilespmem:s21+$0xFFFFFFF0] =	vst v3  }
0x41: {  	v58 =	vld.idx.msk [tilespmem:v0+s20+$0xFFFFFFD0 ss:$0x1], $0xffff;
	[tilespmem:s21+$0x0] =	vst v1  }
0x42: {  	v59 =	vld.idx.msk [tilespmem:v0+s20+$0xFFFFFFE0 ss:$0x1], $0xffff;
	[tilespmem:s21+$0x10] =	vst v2  }
0x43: {  	v60 =	vld.idx.msk [tilespmem:v0+s20+$0xFFFFFFF0 ss:$0x1], $0xffff;
	s31 =	sadd.s32 $0x200, s21;
	[tilespmem:s21+$0x20] =	vst v6  }
0x44: {  	v61 =	vld.idx.msk [tilespmem:v0+s20+$0x0 ss:$0x1], $0xffff;
	[tilespmem:s31+$0x30] =	vst v56  }
0x45: {  	v62 =	vld.idx.msk [tilespmem:v0+s20+$0x10 ss:$0x1], $0xffff;
	s19 =	sadd.s32 $0x1, s19;
	[tilespmem:s31+$0xFFFFFFC0] =	vst v57  }
0x46: {  	v63 =	vld.idx.msk [tilespmem:v0+s20+$0x20 ss:$0x1], $0xffff;
	p1 =	sne.s32 s19, $0x4;
	[tilespmem:s31+$0xFFFFFFD0] =	vst v58  }
.Ltmp4:
0x47: {  	[tilespmem:s31+$0xFFFFFFE0] =	vst v59;
	(pc) =	sbr.rel @p1 .LBB1_3-.Ltmp4, $4  }
0x48: {  	[tilespmem:s31+$0xFFFFFFF0] =	vst v60  }
0x49: {  	[tilespmem:s31+$0x0] =	vst v61  }
0x4a: {  	[tilespmem:s31+$0x10] =	vst v62  }
0x4b: {  	s17 =	sadd.s32 $0x80, s17;
	s18 =	sadd.s32 $0x1000, s18;
	[tilespmem:s31+$0x20] =	vst v63  }
0x4c: {  	s15 =	sshll.u32 s15, $0x7;
	s17 =	sand.u32 $0x78, s12  }
0x4d: {  	s14 =	sshll.u32 s14, $0xF;
	s13 =	sshll.u32 s13, $0xA;
	s29 =	sand.u32 $0x380, s12  }
.Ltmp5:
0x4e: {  	s15 =	sand.u32 $0x380, s15;
	s14 =	sadd.s32 s3, s14;
	(pc) =	sbr.rel .LBB1_7-.Ltmp5, $4  }
0x4f: {  	s30 =	sand.u32 $0x7, s12;
	s15 =	sor.u32 s15, s17;
	s13 =	sadd.s32 s13, s14  }
0x50: {  	s12 =	sshll.u32 s30, $0x12;
	s31 =	sshrl.u32 s15, $0x3;
	s13 =	sadd.s32 s29, s13  }
0x51: {  	s12 =	sor.u32 $0x200, s12;
	s13 =	sadd.s32 s31, s13  }
0x52: {  	[hbm4b:s13+s12] =	stream.strided.scatter [tilespmem:s16], [sflag:$0x2], $0x4000, s6, s12, $0x38;
	[tilespmem:$0x10000] =	vst v63  }
.LBB1_8:
0x53: {  	_ =	sfence.sel $0x180000  }
0x54: {  	s2 =	simm.s32 $0x1;
	[bflag:$0x0] =	sbarrier.arrive $0xFFFF  }
0x55: {  	s31 =	simm.s32 $0x2;
	[sflag:s2] =	ssyncpa.u1 $0x1  }
0x56: {  	[sflag:s31] =	ssyncpa.u1 $0x1  }
0x57: {  	p0 =	sne.s32 s1, $0x0;
	_ =	strace $0x90000047  }
0x58: {  	s0 =	sadd.s32 @!p0 $0x100000, s0;
	[bflag:$0x2] =	sbarrier.arrive $0xFFFF  }
0x59: {  	[sflag:s0] =	ssyncadd.tile.s32 @!p0 $0x1;
	_ =	shalt  }
.Lfunc_end1:
_tile_overlayer_lowered:
.L_overlay_start_2:
0x5a: {  	(tag) =	ssettag $0x2  }
0x5b: {  	s0 =	rddreg [dreg:$0x0];
	s2 =	stileid.u32  }
0x5c: {  	s1 =	rddreg [dreg:$0x1];
	p0 =	sne.s32 s2, $0x0  }
0x5d: {  	s3 =	rddreg [dreg:$0x2];
	[bflag:$0x3] =	sbarrier.arrive $0xFFFF;
	s2 =	simm.s32 @!p0 $0x1C01  }
0x5e: {  	[timem:s3], [sflag:s2] =	dma.local @!p0 [hbm:s0], s1  }
0x5f: {  	s0 =	simm.s32 @!p0 $0x1  }
0x60: {  	_ =	swait.ge @!p0 [sflag:s0], s1  }
0x61: {  	s1 =	ssub.s32 @!p0 $0x0, s1;
	[sflag:s0] =	ssyncset.done @!p0 $0x0  }
0x62: {  	[sflag:s0] =	ssyncadd.s32 @!p0 s1  }
0x63: {  	[bflag:$0x3] =	sbarrier.arrive $0xFFFF  }
0x64: {  	_ =	shalt  }

</sc_bundles>
